<compile_context>
chip_gen: v7x
topology: tpu7x:2x2x1
jax: 0.10.2.dev20260603
libtpu: 0.0.44.dev20260713+nightly
codegen_flags: <defaults>
</compile_context>

<pallas_src>
import jax
import jax.numpy as jnp
from jax import lax
from jax.experimental import pallas as pl
from jax.experimental.pallas import tpu as pltpu
from jax.experimental.pallas import tpu_sc as plsc

N_NODES_C = 10000
N_EDGES_C = 320000
D = 128
DW = D // 2
ACCP = 17

NC = 2
NS = 16
NW = NC * NS
EW = N_EDGES_C // NW
SUPER = 128
GCH = 128
NSUPER = 80
LAST_BASE = EW - SUPER


def _fire(hp_hbm, idx, rows, base_l, sem):
    for k in range(SUPER // GCH):
        pltpu.async_copy(
            hp_hbm.at[idx.at[pl.ds(base_l + k * GCH, GCH)]],
            rows.at[pl.ds(k * GCH, GCH)],
            sem,
        )


def _drain(hp_hbm, idx, rows, sem):
    for k in range(SUPER // GCH):
        pltpu.make_async_copy(
            hp_hbm.at[idx.at[pl.ds(k * GCH, GCH)]],
            rows.at[pl.ds(k * GCH, GCH)],
            sem,
        ).wait()


def _compute(rows_u, rows_v, accb, out_v, base_l):
    @plsc.parallel_loop(0, SUPER // 16, unroll=2)
    def _group(g):
        gvec = jnp.full((16,), 0, jnp.int32) + g
        for l in range(16):
            e = g * 16 + l
            ps = []
            for k in range(4):
                wu = rows_u[e, pl.ds(k * 32, 32)]
                wv = rows_v[e, pl.ds(k * 32, 32)]
                ps.append(wu * wv)
            psum = (ps[0] + ps[1]) + (ps[2] + ps[3])
            a, b = plsc.unpack(psum, format=plsc.PackFormat.INTERLEAVED,
                               preferred_element_type=jnp.float32)
            accb[g, l, pl.ds(0, 16)] = a + b
        le = lax.iota(jnp.int32, 16)
        tots = [jnp.zeros((16,), jnp.float32) for _ in range(4)]
        for c in range(16):
            cvec = jnp.full((16,), c, jnp.int32)
            tots[c % 4] = tots[c % 4] + plsc.load_gather(accb, [gvec, le, cvec])
        out_v[pl.ds(base_l + g * 16, 16)] = (tots[0] + tots[1]) + (tots[2] + tots[3])


def _sc_body(hp_hbm, src_hbm, dst_hbm, out_hbm,
             idx_u, idx_v, ru0, ru1, rv0, rv1, accb, out_v, hp_sp, sem0, sem1):
    wid = lax.axis_index("s") * NC + lax.axis_index("c")
    wbase = wid * EW

    sid = lax.axis_index("s")
    sbase = jnp.minimum(sid * 624, N_NODES_C - 640)
    pltpu.sync_copy(hp_hbm.at[pl.ds(sbase, 640)], hp_sp.at[pl.ds(sbase, 640)])
    plsc.subcore_barrier()

    pltpu.sync_copy(src_hbm.at[pl.ds(wbase, EW)], idx_u)
    pltpu.sync_copy(dst_hbm.at[pl.ds(wbase, EW)], idx_v)

    def base_of(s):
        return jnp.minimum(s * SUPER, LAST_BASE)

    def fire_s(s, ru, rv, sem):
        b = base_of(s)
        _fire(hp_sp, idx_u.at[pl.ds(b, SUPER)], ru, 0, sem)
        _fire(hp_sp, idx_v.at[pl.ds(b, SUPER)], rv, 0, sem)

    fire_s(0, ru0, rv0, sem0)

    @pl.loop(0, NSUPER // 2)
    def _pair(p):
        s0 = p * 2
        fire_s(s0 + 1, ru1, rv1, sem1)
        _drain(hp_sp, idx_u, ru0, sem0)
        _drain(hp_sp, idx_v, rv0, sem0)
        _compute(ru0, rv0, accb, out_v, base_of(s0))
        @pl.when(s0 + 2 < NSUPER)
        def _():
            fire_s(s0 + 2, ru0, rv0, sem0)
        _drain(hp_sp, idx_u, ru1, sem1)
        _drain(hp_sp, idx_v, rv1, sem1)
        _compute(ru1, rv1, accb, out_v, base_of(s0 + 1))

    pltpu.sync_copy(out_v, out_hbm.at[pl.ds(wbase, EW)])


@jax.jit
def _dot_pred(hp, src, dst):
    mesh = plsc.VectorSubcoreMesh(core_axis_name="c", subcore_axis_name="s")
    return pl.kernel(
        _sc_body,
        out_type=jax.ShapeDtypeStruct((N_EDGES_C,), jnp.float32),
        mesh=mesh,
        compiler_params=pltpu.CompilerParams(
            use_tc_tiling_on_sc=False, needs_layout_passes=False),
        scratch_types=[
            pltpu.VMEM((EW,), jnp.int32),
            pltpu.VMEM((EW,), jnp.int32),
            pltpu.VMEM((SUPER, D), jnp.bfloat16),
            pltpu.VMEM((SUPER, D), jnp.bfloat16),
            pltpu.VMEM((SUPER, D), jnp.bfloat16),
            pltpu.VMEM((SUPER, D), jnp.bfloat16),
            pltpu.VMEM((SUPER // 16, 16, ACCP), jnp.float32),
            pltpu.VMEM((EW,), jnp.float32),
            pltpu.VMEM_SHARED((N_NODES_C, D), jnp.bfloat16),
            pltpu.SemaphoreType.DMA,
            pltpu.SemaphoreType.DMA,
        ],
    )(hp, src, dst)


def kernel(h, edge_index):
    hp = h.astype(jnp.bfloat16)
    src = edge_index[0].astype(jnp.int32)
    dst = edge_index[1].astype(jnp.int32)
    score = _dot_pred(hp, src, dst)
    return score.reshape(N_EDGES_C, 1)

# --- scband reference (transcript-rebuilt; emitter-appended) ---
"""Pipeline reference for scband-dot-pred-27092653703579 (READ-ONLY COPY).

The authoritative reference and input builder live on the scoring server;
editing this copy changes nothing except your own understanding.
"""

import jax, jax.numpy as jnp
import numpy as np

N_NODES = 10000
N_EDGES = 320000
D_FEAT = 128


def setup_inputs(seed: int = 0) -> dict:
    key = jax.random.key(seed)
    k1, k2 = jax.random.split(key)
    h = jax.random.normal(k1, (N_NODES, D_FEAT), dtype=jnp.float32)
    edge_index = jax.random.randint(k2, (2, N_EDGES), 0, N_NODES, dtype=jnp.int64)
    return {"h": h, "edge_index": edge_index}


def reference(h, edge_index):
    # DotPred: per-edge dot product between source-node and dest-node features
    # (dgl fn.u_dot_v('h', 'h', 'score') -> shape [E, 1])
    src = edge_index[0]
    dst = edge_index[1]
    h_u = jnp.take(h, src, axis=0)
    h_v = jnp.take(h, dst, axis=0)
    score = jnp.sum(h_u * h_v, axis=-1, keepdims=True)
    return score

if __name__ == "__main__":
    import jax
    _d = setup_inputs()
    print(jax.jit(kernel)(*tuple(_d.values())))

</pallas_src>

<mosaic_0001>
#map = affine_map<(d0, d1) -> (0, 0)>
#map1 = affine_map<(d0, d1) -> (0)>
module attributes {stable_mosaic.version = 14 : i64} {
  func.func @_sc_body(%arg0: i32, %arg1: i32, %arg2: memref<10000x128xbf16, #tpu.memory_space<hbm>>, %arg3: memref<320000xi32, #tpu.memory_space<hbm>>, %arg4: memref<320000xi32, #tpu.memory_space<hbm>>, %arg5: memref<320000xf32, #tpu.memory_space<hbm>>, %arg6: memref<10000xi32, #tpu.memory_space<vmem>>, %arg7: memref<10000xi32, #tpu.memory_space<vmem>>, %arg8: memref<128x128xbf16, #tpu.memory_space<vmem>>, %arg9: memref<128x128xbf16, #tpu.memory_space<vmem>>, %arg10: memref<128x128xbf16, #tpu.memory_space<vmem>>, %arg11: memref<128x128xbf16, #tpu.memory_space<vmem>>, %arg12: memref<8x16x17xf32, #tpu.memory_space<vmem>>, %arg13: memref<10000xf32, #tpu.memory_space<vmem>>, %arg14: memref<10000x128xbf16, #tpu.memory_space<vmem_shared>>, %arg15: memref<!tpu.dma_semaphore, #tpu.memory_space<semaphore_mem>>, %arg16: memref<!tpu.dma_semaphore, #tpu.memory_space<semaphore_mem>>) attributes {dimension_semantics = [#tpu.dimension_semantics<core_parallel>, #tpu.dimension_semantics<subcore_parallel>], iteration_bounds = array<i64: 2, 16>, scalar_prefetch = 0 : i64, scratch_operands = 11 : i64, tpu.core_type = #tpu.core_type<sc_vector_subcore>, window_params = [{transform_indices = #map}, {transform_indices = #map1}, {transform_indices = #map1}, {transform_indices = #map1}]} {
    %mul3A = arith.constant 2 : i32
    %mul3A_0 = arith.muli %arg1, %mul3A : i32
    %add3A = arith.addi %mul3A_0, %arg0 : i32
    %mul3A_1 = arith.constant 10000 : i32
    %mul3A_2 = arith.muli %add3A, %mul3A_1 : i32
    %mul3A_3 = arith.constant 624 : i32
    %mul3A_4 = arith.muli %arg1, %mul3A_3 : i32
    %min3A = arith.constant 9360 : i32
    %min3A_5 = arith.minsi %mul3A_4, %min3A : i32
    "tpu.region"() ({
      %run_scoped3A = tpu.sem_alloc : memref<!tpu.dma_semaphore, #tpu.memory_space<semaphore_mem>>
      %dma_start3A_30 = arith.constant 0 : i32
      %dma_start3A_31 = tpu.memref_slice %arg14[%min3A_5, %dma_start3A_30] : memref<10000x128xbf16, #tpu.memory_space<vmem_shared>> -> memref<640x128xbf16, #tpu.memory_space<vmem_shared>>
      %dma_start3A_32 = arith.constant 0 : i32
      %dma_start3A_33 = tpu.memref_slice %arg2[%min3A_5, %dma_start3A_32] : memref<10000x128xbf16, #tpu.memory_space<hbm>> -> memref<640x128xbf16, #tpu.memory_space<hbm>>
      tpu.enqueue_dma source(%dma_start3A_33 : memref<640x128xbf16, #tpu.memory_space<hbm>>) target(%dma_start3A_31 : memref<640x128xbf16, #tpu.memory_space<vmem_shared>>) target_semaphore(%run_scoped3A : memref<!tpu.dma_semaphore, #tpu.memory_space<semaphore_mem>>)
      %dma_wait3A = arith.constant 0 : i32
      %dma_wait3A_34 = tpu.memref_slice %arg14[%min3A_5, %dma_wait3A] : memref<10000x128xbf16, #tpu.memory_space<vmem_shared>> -> memref<640x128xbf16, #tpu.memory_space<vmem_shared>>
      %dma_wait3A_35 = arith.constant 0 : i32
      %dma_wait3A_36 = tpu.memref_slice %arg2[%min3A_5, %dma_wait3A_35] : memref<10000x128xbf16, #tpu.memory_space<hbm>> -> memref<640x128xbf16, #tpu.memory_space<hbm>>
      tpu.wait_dma2 semaphore(%run_scoped3A : memref<!tpu.dma_semaphore, #tpu.memory_space<semaphore_mem>>) src(%dma_wait3A_36 : memref<640x128xbf16, #tpu.memory_space<hbm>>) dst(%dma_wait3A_34 : memref<640x128xbf16, #tpu.memory_space<vmem_shared>>)
      tpu.yield
    }) : () -> ()
    %barrier3A = arith.constant 0 : index
    tpu.barrier barrier_id(%barrier3A)
    "tpu.region"() ({
      %run_scoped3A = tpu.sem_alloc : memref<!tpu.dma_semaphore, #tpu.memory_space<semaphore_mem>>
      %dma_start3A_30 = tpu.memref_slice %arg3[%mul3A_2] : memref<320000xi32, #tpu.memory_space<hbm>> -> memref<10000xi32, #tpu.memory_space<hbm>>
      %dma_start3A_31 = tpu.memref_slice %arg3[%mul3A_2] : memref<320000xi32, #tpu.memory_space<hbm>> -> memref<10000xi32, #tpu.memory_space<hbm>>
      tpu.enqueue_dma source(%dma_start3A_31 : memref<10000xi32, #tpu.memory_space<hbm>>) target(%arg6 : memref<10000xi32, #tpu.memory_space<vmem>>) target_semaphore(%run_scoped3A : memref<!tpu.dma_semaphore, #tpu.memory_space<semaphore_mem>>)
      %dma_wait3A = tpu.memref_slice %arg3[%mul3A_2] : memref<320000xi32, #tpu.memory_space<hbm>> -> memref<10000xi32, #tpu.memory_space<hbm>>
      %dma_wait3A_32 = tpu.memref_slice %arg3[%mul3A_2] : memref<320000xi32, #tpu.memory_space<hbm>> -> memref<10000xi32, #tpu.memory_space<hbm>>
      tpu.wait_dma2 semaphore(%run_scoped3A : memref<!tpu.dma_semaphore, #tpu.memory_space<semaphore_mem>>) src(%dma_wait3A_32 : memref<10000xi32, #tpu.memory_space<hbm>>) dst(%arg6 : memref<10000xi32, #tpu.memory_space<vmem>>)
      tpu.yield
    }) : () -> ()
    "tpu.region"() ({
      %run_scoped3A = tpu.sem_alloc : memref<!tpu.dma_semaphore, #tpu.memory_space<semaphore_mem>>
      %dma_start3A_30 = tpu.memref_slice %arg4[%mul3A_2] : memref<320000xi32, #tpu.memory_space<hbm>> -> memref<10000xi32, #tpu.memory_space<hbm>>
      %dma_start3A_31 = tpu.memref_slice %arg4[%mul3A_2] : memref<320000xi32, #tpu.memory_space<hbm>> -> memref<10000xi32, #tpu.memory_space<hbm>>
      tpu.enqueue_dma source(%dma_start3A_31 : memref<10000xi32, #tpu.memory_space<hbm>>) target(%arg7 : memref<10000xi32, #tpu.memory_space<vmem>>) target_semaphore(%run_scoped3A : memref<!tpu.dma_semaphore, #tpu.memory_space<semaphore_mem>>)
      %dma_wait3A = tpu.memref_slice %arg4[%mul3A_2] : memref<320000xi32, #tpu.memory_space<hbm>> -> memref<10000xi32, #tpu.memory_space<hbm>>
      %dma_wait3A_32 = tpu.memref_slice %arg4[%mul3A_2] : memref<320000xi32, #tpu.memory_space<hbm>> -> memref<10000xi32, #tpu.memory_space<hbm>>
      tpu.wait_dma2 semaphore(%run_scoped3A : memref<!tpu.dma_semaphore, #tpu.memory_space<semaphore_mem>>) src(%dma_wait3A_32 : memref<10000xi32, #tpu.memory_space<hbm>>) dst(%arg7 : memref<10000xi32, #tpu.memory_space<vmem>>)
      tpu.yield
    }) : () -> ()
    %min3A_6 = arith.constant 0 : i32
    %min3A_7 = arith.constant 9872 : i32
    %min3A_8 = arith.minsi %min3A_6, %min3A_7 : i32
    %dma_start3A = arith.constant 0 : i32
    %dma_start3A_9 = arith.constant 0 : i32
    %dma_start3A_10 = tpu.memref_slice %arg8[%dma_start3A, %dma_start3A_9] : memref<128x128xbf16, #tpu.memory_space<vmem>> -> memref<128x128xbf16, #tpu.memory_space<vmem>>
    %dma_start3A_11 = tpu.memref_slice %arg6[%min3A_8] : memref<10000xi32, #tpu.memory_space<vmem>> -> memref<128xi32, #tpu.memory_space<vmem>>
    %dma_start3A_12 = arith.constant 0 : i32
    %dma_start3A_13 = tpu.memref_slice %dma_start3A_11[%dma_start3A_12] : memref<128xi32, #tpu.memory_space<vmem>> -> memref<128xi32, #tpu.memory_space<vmem>>
    %dma_start3A_14 = arith.constant 0 : i32
    %dma_start3A_15 = arith.constant 0 : i32
    %dma_start3A_16 = tpu.memref_slice %arg14[%dma_start3A_14, %dma_start3A_15] : memref<10000x128xbf16, #tpu.memory_space<vmem_shared>> -> memref<10000x128xbf16, #tpu.memory_space<vmem_shared>>
    tpu.enqueue_indirect_dma source(%dma_start3A_16 : memref<10000x128xbf16, #tpu.memory_space<vmem_shared>>) target(%dma_start3A_10 : memref<128x128xbf16, #tpu.memory_space<vmem>>) offsets(%dma_start3A_13 : memref<128xi32, #tpu.memory_space<vmem>>) semaphore(%arg15 : memref<!tpu.dma_semaphore, #tpu.memory_space<semaphore_mem>>)
    %dma_start3A_17 = arith.constant 0 : i32
    %dma_start3A_18 = arith.constant 0 : i32
    %dma_start3A_19 = tpu.memref_slice %arg10[%dma_start3A_17, %dma_start3A_18] : memref<128x128xbf16, #tpu.memory_space<vmem>> -> memref<128x128xbf16, #tpu.memory_space<vmem>>
    %dma_start3A_20 = tpu.memref_slice %arg7[%min3A_8] : memref<10000xi32, #tpu.memory_space<vmem>> -> memref<128xi32, #tpu.memory_space<vmem>>
    %dma_start3A_21 = arith.constant 0 : i32
    %dma_start3A_22 = tpu.memref_slice %dma_start3A_20[%dma_start3A_21] : memref<128xi32, #tpu.memory_space<vmem>> -> memref<128xi32, #tpu.memory_space<vmem>>
    %dma_start3A_23 = arith.constant 0 : i32
    %dma_start3A_24 = arith.constant 0 : i32
    %dma_start3A_25 = tpu.memref_slice %arg14[%dma_start3A_23, %dma_start3A_24] : memref<10000x128xbf16, #tpu.memory_space<vmem_shared>> -> memref<10000x128xbf16, #tpu.memory_space<vmem_shared>>
    tpu.enqueue_indirect_dma source(%dma_start3A_25 : memref<10000x128xbf16, #tpu.memory_space<vmem_shared>>) target(%dma_start3A_19 : memref<128x128xbf16, #tpu.memory_space<vmem>>) offsets(%dma_start3A_22 : memref<128xi32, #tpu.memory_space<vmem>>) semaphore(%arg15 : memref<!tpu.dma_semaphore, #tpu.memory_space<semaphore_mem>>)
    %scan3A = arith.constant 0 : i32
    %scan3A_26 = arith.constant 40 : i32
    %scan3A_27 = arith.addi %scan3A, %scan3A_26 : i32
    %scan3A_28 = arith.constant 1 : i32
    scf.for %scan3A_30 = %scan3A to %scan3A_27 step %scan3A_28  : i32 {
      %mul3A_31 = arith.constant 1 : i32
      %mul3A_32 = arith.muli %scan3A_30, %mul3A_31 : i32
      %add3A_33 = arith.constant 0 : i32
      %add3A_34 = arith.addi %add3A_33, %mul3A_32 : i32
      %mul3A_35 = arith.constant 2 : i32
      %mul3A_36 = arith.muli %add3A_34, %mul3A_35 : i32
      %add3A_37 = arith.constant 1 : i32
      %add3A_38 = arith.addi %mul3A_36, %add3A_37 : i32
      %mul3A_39 = arith.constant 128 : i32
      %mul3A_40 = arith.muli %add3A_38, %mul3A_39 : i32
      %min3A_41 = arith.constant 9872 : i32
      %min3A_42 = arith.minsi %mul3A_40, %min3A_41 : i32
      %dma_start3A_43 = arith.constant 0 : i32
      %dma_start3A_44 = arith.constant 0 : i32
      %dma_start3A_45 = tpu.memref_slice %arg9[%dma_start3A_43, %dma_start3A_44] : memref<128x128xbf16, #tpu.memory_space<vmem>> -> memref<128x128xbf16, #tpu.memory_space<vmem>>
      %dma_start3A_46 = tpu.memref_slice %arg6[%min3A_42] : memref<10000xi32, #tpu.memory_space<vmem>> -> memref<128xi32, #tpu.memory_space<vmem>>
      %dma_start3A_47 = arith.constant 0 : i32
      %dma_start3A_48 = tpu.memref_slice %dma_start3A_46[%dma_start3A_47] : memref<128xi32, #tpu.memory_space<vmem>> -> memref<128xi32, #tpu.memory_space<vmem>>
      %dma_start3A_49 = arith.constant 0 : i32
      %dma_start3A_50 = arith.constant 0 : i32
      %dma_start3A_51 = tpu.memref_slice %arg14[%dma_start3A_49, %dma_start3A_50] : memref<10000x128xbf16, #tpu.memory_space<vmem_shared>> -> memref<10000x128xbf16, #tpu.memory_space<vmem_shared>>
      tpu.enqueue_indirect_dma source(%dma_start3A_51 : memref<10000x128xbf16, #tpu.memory_space<vmem_shared>>) target(%dma_start3A_45 : memref<128x128xbf16, #tpu.memory_space<vmem>>) offsets(%dma_start3A_48 : memref<128xi32, #tpu.memory_space<vmem>>) semaphore(%arg16 : memref<!tpu.dma_semaphore, #tpu.memory_space<semaphore_mem>>)
      %dma_start3A_52 = arith.constant 0 : i32
      %dma_start3A_53 = arith.constant 0 : i32
      %dma_start3A_54 = tpu.memref_slice %arg11[%dma_start3A_52, %dma_start3A_53] : memref<128x128xbf16, #tpu.memory_space<vmem>> -> memref<128x128xbf16, #tpu.memory_space<vmem>>
      %dma_start3A_55 = tpu.memref_slice %arg7[%min3A_42] : memref<10000xi32, #tpu.memory_space<vmem>> -> memref<128xi32, #tpu.memory_space<vmem>>
      %dma_start3A_56 = arith.constant 0 : i32
      %dma_start3A_57 = tpu.memref_slice %dma_start3A_55[%dma_start3A_56] : memref<128xi32, #tpu.memory_space<vmem>> -> memref<128xi32, #tpu.memory_space<vmem>>
      %dma_start3A_58 = arith.constant 0 : i32
      %dma_start3A_59 = arith.constant 0 : i32
      %dma_start3A_60 = tpu.memref_slice %arg14[%dma_start3A_58, %dma_start3A_59] : memref<10000x128xbf16, #tpu.memory_space<vmem_shared>> -> memref<10000x128xbf16, #tpu.memory_space<vmem_shared>>
      tpu.enqueue_indirect_dma source(%dma_start3A_60 : memref<10000x128xbf16, #tpu.memory_space<vmem_shared>>) target(%dma_start3A_54 : memref<128x128xbf16, #tpu.memory_space<vmem>>) offsets(%dma_start3A_57 : memref<128xi32, #tpu.memory_space<vmem>>) semaphore(%arg16 : memref<!tpu.dma_semaphore, #tpu.memory_space<semaphore_mem>>)
      %dma_wait3A = arith.constant 0 : i32
      %dma_wait3A_61 = arith.constant 0 : i32
      %dma_wait3A_62 = tpu.memref_slice %arg8[%dma_wait3A, %dma_wait3A_61] : memref<128x128xbf16, #tpu.memory_space<vmem>> -> memref<128x128xbf16, #tpu.memory_space<vmem>>
      %dma_wait3A_63 = arith.constant 0 : i32
      %dma_wait3A_64 = tpu.memref_slice %arg6[%dma_wait3A_63] : memref<10000xi32, #tpu.memory_space<vmem>> -> memref<128xi32, #tpu.memory_space<vmem>>
      %dma_wait3A_65 = arith.constant 0 : i32
      %dma_wait3A_66 = arith.constant 0 : i32
      %dma_wait3A_67 = tpu.memref_slice %arg14[%dma_wait3A_65, %dma_wait3A_66] : memref<10000x128xbf16, #tpu.memory_space<vmem_shared>> -> memref<10000x128xbf16, #tpu.memory_space<vmem_shared>>
      tpu.wait_indirect_dma semaphore(%arg15 : memref<!tpu.dma_semaphore, #tpu.memory_space<semaphore_mem>>) src(%dma_wait3A_67 : memref<10000x128xbf16, #tpu.memory_space<vmem_shared>>) dst(%dma_wait3A_62 : memref<128x128xbf16, #tpu.memory_space<vmem>>)
      %dma_wait3A_68 = arith.constant 0 : i32
      %dma_wait3A_69 = arith.constant 0 : i32
      %dma_wait3A_70 = tpu.memref_slice %arg10[%dma_wait3A_68, %dma_wait3A_69] : memref<128x128xbf16, #tpu.memory_space<vmem>> -> memref<128x128xbf16, #tpu.memory_space<vmem>>
      %dma_wait3A_71 = arith.constant 0 : i32
      %dma_wait3A_72 = tpu.memref_slice %arg7[%dma_wait3A_71] : memref<10000xi32, #tpu.memory_space<vmem>> -> memref<128xi32, #tpu.memory_space<vmem>>
      %dma_wait3A_73 = arith.constant 0 : i32
      %dma_wait3A_74 = arith.constant 0 : i32
      %dma_wait3A_75 = tpu.memref_slice %arg14[%dma_wait3A_73, %dma_wait3A_74] : memref<10000x128xbf16, #tpu.memory_space<vmem_shared>> -> memref<10000x128xbf16, #tpu.memory_space<vmem_shared>>
      tpu.wait_indirect_dma semaphore(%arg15 : memref<!tpu.dma_semaphore, #tpu.memory_space<semaphore_mem>>) src(%dma_wait3A_75 : memref<10000x128xbf16, #tpu.memory_space<vmem_shared>>) dst(%dma_wait3A_70 : memref<128x128xbf16, #tpu.memory_space<vmem>>)
      %mul3A_76 = arith.constant 128 : i32
      %mul3A_77 = arith.muli %mul3A_36, %mul3A_76 : i32
      %min3A_78 = arith.constant 9872 : i32
      %min3A_79 = arith.minsi %mul3A_77, %min3A_78 : i32
      %parallel_loop3A = arith.constant 0 : i32
      %parallel_loop3A_80 = arith.constant 8 : i32
      %parallel_loop3A_81 = arith.constant 1 : i32
      scf.for %parallel_loop3A_111 = %parallel_loop3A to %parallel_loop3A_80 step %parallel_loop3A_81  : i32 {
        %parallel_loop3A_112 = arith.constant 0 : i32
        %parallel_loop3A_113 = vector.broadcast %parallel_loop3A_112 : i32 to vector<16xi32>
        %parallel_loop3A_114 = vector.broadcast %parallel_loop3A_111 : i32 to vector<16xi32>
        %parallel_loop3A_115 = arith.addi %parallel_loop3A_113, %parallel_loop3A_114 : vector<16xi32>
        %parallel_loop3A_116 = arith.constant 16 : i32
        %parallel_loop3A_117 = arith.muli %parallel_loop3A_111, %parallel_loop3A_116 : i32
        %parallel_loop3A_118 = arith.constant 0 : i32
        %parallel_loop3A_119 = arith.addi %parallel_loop3A_117, %parallel_loop3A_118 : i32
        %parallel_loop3A_120 = arith.index_cast %parallel_loop3A_119 : i32 to index
        %parallel_loop3A_121 = arith.constant 0 : index
        %parallel_loop3A_122 = tpu.vector_load %arg8[%parallel_loop3A_120, %parallel_loop3A_121] {strides = array<i32>} : memref<128x128xbf16, #tpu.memory_space<vmem>>, vector<32xbf16>,
        %parallel_loop3A_123 = arith.index_cast %parallel_loop3A_119 : i32 to index
        %parallel_loop3A_124 = arith.constant 0 : index
        %parallel_loop3A_125 = tpu.vector_load %arg10[%parallel_loop3A_123, %parallel_loop3A_124] {strides = array<i32>} : memref<128x128xbf16, #tpu.memory_space<vmem>>, vector<32xbf16>,
        %parallel_loop3A_126 = arith.mulf %parallel_loop3A_122, %parallel_loop3A_125 : vector<32xbf16>
        %parallel_loop3A_127 = arith.index_cast %parallel_loop3A_119 : i32 to index
        %parallel_loop3A_128 = arith.constant 32 : index
        %parallel_loop3A_129 = tpu.vector_load %arg8[%parallel_loop3A_127, %parallel_loop3A_128] {strides = array<i32>} : memref<128x128xbf16, #tpu.memory_space<vmem>>, vector<32xbf16>,
        %parallel_loop3A_130 = arith.index_cast %parallel_loop3A_119 : i32 to index
        %parallel_loop3A_131 = arith.constant 32 : index
        %parallel_loop3A_132 = tpu.vector_load %arg10[%parallel_loop3A_130, %parallel_loop3A_131] {strides = array<i32>} : memref<128x128xbf16, #tpu.memory_space<vmem>>, vector<32xbf16>,
        %parallel_loop3A_133 = arith.mulf %parallel_loop3A_129, %parallel_loop3A_132 : vector<32xbf16>
        %parallel_loop3A_134 = arith.index_cast %parallel_loop3A_119 : i32 to index
        %parallel_loop3A_135 = arith.constant 64 : index
        %parallel_loop3A_136 = tpu.vector_load %arg8[%parallel_loop3A_134, %parallel_loop3A_135] {strides = array<i32>} : memref<128x128xbf16, #tpu.memory_space<vmem>>, vector<32xbf16>,
        %parallel_loop3A_137 = arith.index_cast %parallel_loop3A_119 : i32 to index
        %parallel_loop3A_138 = arith.constant 64 : index
        %parallel_loop3A_139 = tpu.vector_load %arg10[%parallel_loop3A_137, %parallel_loop3A_138] {strides = array<i32>} : memref<128x128xbf16, #tpu.memory_space<vmem>>, vector<32xbf16>,
        %parallel_loop3A_140 = arith.mulf %parallel_loop3A_136, %parallel_loop3A_139 : vector<32xbf16>
        %parallel_loop3A_141 = arith.index_cast %parallel_loop3A_119 : i32 to index
        %parallel_loop3A_142 = arith.constant 96 : index
        %parallel_loop3A_143 = tpu.vector_load %arg8[%parallel_loop3A_141, %parallel_loop3A_142] {strides = array<i32>} : memref<128x128xbf16, #tpu.memory_space<vmem>>, vector<32xbf16>,
        %parallel_loop3A_144 = arith.index_cast %parallel_loop3A_119 : i32 to index
        %parallel_loop3A_145 = arith.constant 96 : index
        %parallel_loop3A_146 = tpu.vector_load %arg10[%parallel_loop3A_144, %parallel_loop3A_145] {strides = array<i32>} : memref<128x128xbf16, #tpu.memory_space<vmem>>, vector<32xbf16>,
        %parallel_loop3A_147 = arith.mulf %parallel_loop3A_143, %parallel_loop3A_146 : vector<32xbf16>
        %parallel_loop3A_148 = arith.addf %parallel_loop3A_126, %parallel_loop3A_133 : vector<32xbf16>
        %parallel_loop3A_149 = arith.addf %parallel_loop3A_140, %parallel_loop3A_147 : vector<32xbf16>
        %parallel_loop3A_150 = arith.addf %parallel_loop3A_148, %parallel_loop3A_149 : vector<32xbf16>
        %parallel_loop3A_151 = tpu.unpack_subelements %parallel_loop3A_150, 0 {pack_format = #tpu.pack_format<interleaved>} : vector<32xbf16> -> vector<16xf32>
        %parallel_loop3A_152 = tpu.unpack_subelements %parallel_loop3A_150, 1 {pack_format = #tpu.pack_format<interleaved>} : vector<32xbf16> -> vector<16xf32>
        %parallel_loop3A_153 = arith.addf %parallel_loop3A_151, %parallel_loop3A_152 : vector<16xf32>
        %parallel_loop3A_154 = arith.constant 0 : i32
        %parallel_loop3A_155 = arith.index_cast %parallel_loop3A_111 : i32 to index
        %parallel_loop3A_156 = arith.index_cast %parallel_loop3A_154 : i32 to index
        %parallel_loop3A_157 = arith.constant 0 : index
        %parallel_loop3A_158 = tpu.vector_load %arg12[%parallel_loop3A_155, %parallel_loop3A_156, %parallel_loop3A_157] {strides = array<i32>} : memref<8x16x17xf32, #tpu.memory_space<vmem>>, vector<16xf32>,
        tpu.vector_store %arg12[%parallel_loop3A_155, %parallel_loop3A_156, %parallel_loop3A_157], %parallel_loop3A_153 {strides = array<i32>} : memref<8x16x17xf32, #tpu.memory_space<vmem>>, vector<16xf32>,
        %parallel_loop3A_159 = arith.constant 16 : i32
        %parallel_loop3A_160 = arith.muli %parallel_loop3A_111, %parallel_loop3A_159 : i32
        %parallel_loop3A_161 = arith.constant 1 : i32
        %parallel_loop3A_162 = arith.addi %parallel_loop3A_160, %parallel_loop3A_161 : i32
        %parallel_loop3A_163 = arith.index_cast %parallel_loop3A_162 : i32 to index
        %parallel_loop3A_164 = arith.constant 0 : index
        %parallel_loop3A_165 = tpu.vector_load %arg8[%parallel_loop3A_163, %parallel_loop3A_164] {strides = array<i32>} : memref<128x128xbf16, #tpu.memory_space<vmem>>, vector<32xbf16>,
        %parallel_loop3A_166 = arith.index_cast %parallel_loop3A_162 : i32 to index
        %parallel_loop3A_167 = arith.constant 0 : index
        %parallel_loop3A_168 = tpu.vector_load %arg10[%parallel_loop3A_166, %parallel_loop3A_167] {strides = array<i32>} : memref<128x128xbf16, #tpu.memory_space<vmem>>, vector<32xbf16>,
        %parallel_loop3A_169 = arith.mulf %parallel_loop3A_165, %parallel_loop3A_168 : vector<32xbf16>
        %parallel_loop3A_170 = arith.index_cast %parallel_loop3A_162 : i32 to index
        %parallel_loop3A_171 = arith.constant 32 : index
        %parallel_loop3A_172 = tpu.vector_load %arg8[%parallel_loop3A_170, %parallel_loop3A_171] {strides = array<i32>} : memref<128x128xbf16, #tpu.memory_space<vmem>>, vector<32xbf16>,
        %parallel_loop3A_173 = arith.index_cast %parallel_loop3A_162 : i32 to index
        %parallel_loop3A_174 = arith.constant 32 : index
        %parallel_loop3A_175 = tpu.vector_load %arg10[%parallel_loop3A_173, %parallel_loop3A_174] {strides = array<i32>} : memref<128x128xbf16, #tpu.memory_space<vmem>>, vector<32xbf16>,
        %parallel_loop3A_176 = arith.mulf %parallel_loop3A_172, %parallel_loop3A_175 : vector<32xbf16>
        %parallel_loop3A_177 = arith.index_cast %parallel_loop3A_162 : i32 to index
        %parallel_loop3A_178 = arith.constant 64 : index
        %parallel_loop3A_179 = tpu.vector_load %arg8[%parallel_loop3A_177, %parallel_loop3A_178] {strides = array<i32>} : memref<128x128xbf16, #tpu.memory_space<vmem>>, vector<32xbf16>,
        %parallel_loop3A_180 = arith.index_cast %parallel_loop3A_162 : i32 to index
        %parallel_loop3A_181 = arith.constant 64 : index
        %parallel_loop3A_182 = tpu.vector_load %arg10[%parallel_loop3A_180, %parallel_loop3A_181] {strides = array<i32>} : memref<128x128xbf16, #tpu.memory_space<vmem>>, vector<32xbf16>,
        %parallel_loop3A_183 = arith.mulf %parallel_loop3A_179, %parallel_loop3A_182 : vector<32xbf16>
        %parallel_loop3A_184 = arith.index_cast %parallel_loop3A_162 : i32 to index
        %parallel_loop3A_185 = arith.constant 96 : index
        %parallel_loop3A_186 = tpu.vector_load %arg8[%parallel_loop3A_184, %parallel_loop3A_185] {strides = array<i32>} : memref<128x128xbf16, #tpu.memory_space<vmem>>, vector<32xbf16>,
        %parallel_loop3A_187 = arith.index_cast %parallel_loop3A_162 : i32 to index
        %parallel_loop3A_188 = arith.constant 96 : index
        %parallel_loop3A_189 = tpu.vector_load %arg10[%parallel_loop3A_187, %parallel_loop3A_188] {strides = array<i32>} : memref<128x128xbf16, #tpu.memory_space<vmem>>, vector<32xbf16>,
        %parallel_loop3A_190 = arith.mulf %parallel_loop3A_186, %parallel_loop3A_189 : vector<32xbf16>
        %parallel_loop3A_191 = arith.addf %parallel_loop3A_169, %parallel_loop3A_176 : vector<32xbf16>
        %parallel_loop3A_192 = arith.addf %parallel_loop3A_183, %parallel_loop3A_190 : vector<32xbf16>
        %parallel_loop3A_193 = arith.addf %parallel_loop3A_191, %parallel_loop3A_192 : vector<32xbf16>
        %parallel_loop3A_194 = tpu.unpack_subelements %parallel_loop3A_193, 0 {pack_format = #tpu.pack_format<interleaved>} : vector<32xbf16> -> vector<16xf32>
        %parallel_loop3A_195 = tpu.unpack_subelements %parallel_loop3A_193, 1 {pack_format = #tpu.pack_format<interleaved>} : vector<32xbf16> -> vector<16xf32>
        %parallel_loop3A_196 = arith.addf %parallel_loop3A_194, %parallel_loop3A_195 : vector<16xf32>
        %parallel_loop3A_197 = arith.constant 1 : i32
        %parallel_loop3A_198 = arith.index_cast %parallel_loop3A_111 : i32 to index
        %parallel_loop3A_199 = arith.index_cast %parallel_loop3A_197 : i32 to index
        %parallel_loop3A_200 = arith.constant 0 : index
        %parallel_loop3A_201 = tpu.vector_load %arg12[%parallel_loop3A_198, %parallel_loop3A_199, %parallel_loop3A_200] {strides = array<i32>} : memref<8x16x17xf32, #tpu.memory_space<vmem>>, vector<16xf32>,
        tpu.vector_store %arg12[%parallel_loop3A_198, %parallel_loop3A_199, %parallel_loop3A_200], %parallel_loop3A_196 {strides = array<i32>} : memref<8x16x17xf32, #tpu.memory_space<vmem>>, vector<16xf32>,
        %parallel_loop3A_202 = arith.constant 16 : i32
        %parallel_loop3A_203 = arith.muli %parallel_loop3A_111, %parallel_loop3A_202 : i32
        %parallel_loop3A_204 = arith.constant 2 : i32
        %parallel_loop3A_205 = arith.addi %parallel_loop3A_203, %parallel_loop3A_204 : i32
        %parallel_loop3A_206 = arith.index_cast %parallel_loop3A_205 : i32 to index
        %parallel_loop3A_207 = arith.constant 0 : index
        %parallel_loop3A_208 = tpu.vector_load %arg8[%parallel_loop3A_206, %parallel_loop3A_207] {strides = array<i32>} : memref<128x128xbf16, #tpu.memory_space<vmem>>, vector<32xbf16>,
        %parallel_loop3A_209 = arith.index_cast %parallel_loop3A_205 : i32 to index
        %parallel_loop3A_210 = arith.constant 0 : index
        %parallel_loop3A_211 = tpu.vector_load %arg10[%parallel_loop3A_209, %parallel_loop3A_210] {strides = array<i32>} : memref<128x128xbf16, #tpu.memory_space<vmem>>, vector<32xbf16>,
        %parallel_loop3A_212 = arith.mulf %parallel_loop3A_208, %parallel_loop3A_211 : vector<32xbf16>
        %parallel_loop3A_213 = arith.index_cast %parallel_loop3A_205 : i32 to index
        %parallel_loop3A_214 = arith.constant 32 : index
        %parallel_loop3A_215 = tpu.vector_load %arg8[%parallel_loop3A_213, %parallel_loop3A_214] {strides = array<i32>} : memref<128x128xbf16, #tpu.memory_space<vmem>>, vector<32xbf16>,
        %parallel_loop3A_216 = arith.index_cast %parallel_loop3A_205 : i32 to index
        %parallel_loop3A_217 = arith.constant 32 : index
        %parallel_loop3A_218 = tpu.vector_load %arg10[%parallel_loop3A_216, %parallel_loop3A_217] {strides = array<i32>} : memref<128x128xbf16, #tpu.memory_space<vmem>>, vector<32xbf16>,
        %parallel_loop3A_219 = arith.mulf %parallel_loop3A_215, %parallel_loop3A_218 : vector<32xbf16>
        %parallel_loop3A_220 = arith.index_cast %parallel_loop3A_205 : i32 to index
        %parallel_loop3A_221 = arith.constant 64 : index
        %parallel_loop3A_222 = tpu.vector_load %arg8[%parallel_loop3A_220, %parallel_loop3A_221] {strides = array<i32>} : memref<128x128xbf16, #tpu.memory_space<vmem>>, vector<32xbf16>,
        %parallel_loop3A_223 = arith.index_cast %parallel_loop3A_205 : i32 to index
        %parallel_loop3A_224 = arith.constant 64 : index
        %parallel_loop3A_225 = tpu.vector_load %arg10[%parallel_loop3A_223, %parallel_loop3A_224] {strides = array<i32>} : memref<128x128xbf16, #tpu.memory_space<vmem>>, vector<32xbf16>,
        %parallel_loop3A_226 = arith.mulf %parallel_loop3A_222, %parallel_loop3A_225 : vector<32xbf16>
        %parallel_loop3A_227 = arith.index_cast %parallel_loop3A_205 : i32 to index
        %parallel_loop3A_228 = arith.constant 96 : index
        %parallel_loop3A_229 = tpu.vector_load %arg8[%parallel_loop3A_227, %parallel_loop3A_228] {strides = array<i32>} : memref<128x128xbf16, #tpu.memory_space<vmem>>, vector<32xbf16>,
        %parallel_loop3A_230 = arith.index_cast %parallel_loop3A_205 : i32 to index
        %parallel_loop3A_231 = arith.constant 96 : index
        %parallel_loop3A_232 = tpu.vector_load %arg10[%parallel_loop3A_230, %parallel_loop3A_231] {strides = array<i32>} : memref<128x128xbf16, #tpu.memory_space<vmem>>, vector<32xbf16>,
        %parallel_loop3A_233 = arith.mulf %parallel_loop3A_229, %parallel_loop3A_232 : vector<32xbf16>
        %parallel_loop3A_234 = arith.addf %parallel_loop3A_212, %parallel_loop3A_219 : vector<32xbf16>
        %parallel_loop3A_235 = arith.addf %parallel_loop3A_226, %parallel_loop3A_233 : vector<32xbf16>
        %parallel_loop3A_236 = arith.addf %parallel_loop3A_234, %parallel_loop3A_235 : vector<32xbf16>
        %parallel_loop3A_237 = tpu.unpack_subelements %parallel_loop3A_236, 0 {pack_format = #tpu.pack_format<interleaved>} : vector<32xbf16> -> vector<16xf32>
        %parallel_loop3A_238 = tpu.unpack_subelements %parallel_loop3A_236, 1 {pack_format = #tpu.pack_format<interleaved>} : vector<32xbf16> -> vector<16xf32>
        %parallel_loop3A_239 = arith.addf %parallel_loop3A_237, %parallel_loop3A_238 : vector<16xf32>
        %parallel_loop3A_240 = arith.constant 2 : i32
        %parallel_loop3A_241 = arith.index_cast %parallel_loop3A_111 : i32 to index
        %parallel_loop3A_242 = arith.index_cast %parallel_loop3A_240 : i32 to index
        %parallel_loop3A_243 = arith.constant 0 : index
        %parallel_loop3A_244 = tpu.vector_load %arg12[%parallel_loop3A_241, %parallel_loop3A_242, %parallel_loop3A_243] {strides = array<i32>} : memref<8x16x17xf32, #tpu.memory_space<vmem>>, vector<16xf32>,
        tpu.vector_store %arg12[%parallel_loop3A_241, %parallel_loop3A_242, %parallel_loop3A_243], %parallel_loop3A_239 {strides = array<i32>} : memref<8x16x17xf32, #tpu.memory_space<vmem>>, vector<16xf32>,
        %parallel_loop3A_245 = arith.constant 16 : i32
        %parallel_loop3A_246 = arith.muli %parallel_loop3A_111, %parallel_loop3A_245 : i32
        %parallel_loop3A_247 = arith.constant 3 : i32
        %parallel_loop3A_248 = arith.addi %parallel_loop3A_246, %parallel_loop3A_247 : i32
        %parallel_loop3A_249 = arith.index_cast %parallel_loop3A_248 : i32 to index
        %parallel_loop3A_250 = arith.constant 0 : index
        %parallel_loop3A_251 = tpu.vector_load %arg8[%parallel_loop3A_249, %parallel_loop3A_250] {strides = array<i32>} : memref<128x128xbf16, #tpu.memory_space<vmem>>, vector<32xbf16>,
        %parallel_loop3A_252 = arith.index_cast %parallel_loop3A_248 : i32 to index
        %parallel_loop3A_253 = arith.constant 0 : index
        %parallel_loop3A_254 = tpu.vector_load %arg10[%parallel_loop3A_252, %parallel_loop3A_253] {strides = array<i32>} : memref<128x128xbf16, #tpu.memory_space<vmem>>, vector<32xbf16>,
        %parallel_loop3A_255 = arith.mulf %parallel_loop3A_251, %parallel_loop3A_254 : vector<32xbf16>
        %parallel_loop3A_256 = arith.index_cast %parallel_loop3A_248 : i32 to index
        %parallel_loop3A_257 = arith.constant 32 : index
        %parallel_loop3A_258 = tpu.vector_load %arg8[%parallel_loop3A_256, %parallel_loop3A_257] {strides = array<i32>} : memref<128x128xbf16, #tpu.memory_space<vmem>>, vector<32xbf16>,
        %parallel_loop3A_259 = arith.index_cast %parallel_loop3A_248 : i32 to index
        %parallel_loop3A_260 = arith.constant 32 : index
        %parallel_loop3A_261 = tpu.vector_load %arg10[%parallel_loop3A_259, %parallel_loop3A_260] {strides = array<i32>} : memref<128x128xbf16, #tpu.memory_space<vmem>>, vector<32xbf16>,
        %parallel_loop3A_262 = arith.mulf %parallel_loop3A_258, %parallel_loop3A_261 : vector<32xbf16>
        %parallel_loop3A_263 = arith.index_cast %parallel_loop3A_248 : i32 to index
        %parallel_loop3A_264 = arith.constant 64 : index
        %parallel_loop3A_265 = tpu.vector_load %arg8[%parallel_loop3A_263, %parallel_loop3A_264] {strides = array<i32>} : memref<128x128xbf16, #tpu.memory_space<vmem>>, vector<32xbf16>,
        %parallel_loop3A_266 = arith.index_cast %parallel_loop3A_248 : i32 to index
        %parallel_loop3A_267 = arith.constant 64 : index
        %parallel_loop3A_268 = tpu.vector_load %arg10[%parallel_loop3A_266, %parallel_loop3A_267] {strides = array<i32>} : memref<128x128xbf16, #tpu.memory_space<vmem>>, vector<32xbf16>,
        %parallel_loop3A_269 = arith.mulf %parallel_loop3A_265, %parallel_loop3A_268 : vector<32xbf16>
        %parallel_loop3A_270 = arith.index_cast %parallel_loop3A_248 : i32 to index
        %parallel_loop3A_271 = arith.constant 96 : index
        %parallel_loop3A_272 = tpu.vector_load %arg8[%parallel_loop3A_270, %parallel_loop3A_271] {strides = array<i32>} : memref<128x128xbf16, #tpu.memory_space<vmem>>, vector<32xbf16>,
        %parallel_loop3A_273 = arith.index_cast %parallel_loop3A_248 : i32 to index
        %parallel_loop3A_274 = arith.constant 96 : index
        %parallel_loop3A_275 = tpu.vector_load %arg10[%parallel_loop3A_273, %parallel_loop3A_274] {strides = array<i32>} : memref<128x128xbf16, #tpu.memory_space<vmem>>, vector<32xbf16>,
        %parallel_loop3A_276 = arith.mulf %parallel_loop3A_272, %parallel_loop3A_275 : vector<32xbf16>
        %parallel_loop3A_277 = arith.addf %parallel_loop3A_255, %parallel_loop3A_262 : vector<32xbf16>
        %parallel_loop3A_278 = arith.addf %parallel_loop3A_269, %parallel_loop3A_276 : vector<32xbf16>
        %parallel_loop3A_279 = arith.addf %parallel_loop3A_277, %parallel_loop3A_278 : vector<32xbf16>
        %parallel_loop3A_280 = tpu.unpack_subelements %parallel_loop3A_279, 0 {pack_format = #tpu.pack_format<interleaved>} : vector<32xbf16> -> vector<16xf32>
        %parallel_loop3A_281 = tpu.unpack_subelements %parallel_loop3A_279, 1 {pack_format = #tpu.pack_format<interleaved>} : vector<32xbf16> -> vector<16xf32>
        %parallel_loop3A_282 = arith.addf %parallel_loop3A_280, %parallel_loop3A_281 : vector<16xf32>
        %parallel_loop3A_283 = arith.constant 3 : i32
        %parallel_loop3A_284 = arith.index_cast %parallel_loop3A_111 : i32 to index
        %parallel_loop3A_285 = arith.index_cast %parallel_loop3A_283 : i32 to index
        %parallel_loop3A_286 = arith.constant 0 : index
        %parallel_loop3A_287 = tpu.vector_load %arg12[%parallel_loop3A_284, %parallel_loop3A_285, %parallel_loop3A_286] {strides = array<i32>} : memref<8x16x17xf32, #tpu.memory_space<vmem>>, vector<16xf32>,
        tpu.vector_store %arg12[%parallel_loop3A_284, %parallel_loop3A_285, %parallel_loop3A_286], %parallel_loop3A_282 {strides = array<i32>} : memref<8x16x17xf32, #tpu.memory_space<vmem>>, vector<16xf32>,
        %parallel_loop3A_288 = arith.constant 16 : i32
        %parallel_loop3A_289 = arith.muli %parallel_loop3A_111, %parallel_loop3A_288 : i32
        %parallel_loop3A_290 = arith.constant 4 : i32
        %parallel_loop3A_291 = arith.addi %parallel_loop3A_289, %parallel_loop3A_290 : i32
        %parallel_loop3A_292 = arith.index_cast %parallel_loop3A_291 : i32 to index
        %parallel_loop3A_293 = arith.constant 0 : index
        %parallel_loop3A_294 = tpu.vector_load %arg8[%parallel_loop3A_292, %parallel_loop3A_293] {strides = array<i32>} : memref<128x128xbf16, #tpu.memory_space<vmem>>, vector<32xbf16>,
        %parallel_loop3A_295 = arith.index_cast %parallel_loop3A_291 : i32 to index
        %parallel_loop3A_296 = arith.constant 0 : index
        %parallel_loop3A_297 = tpu.vector_load %arg10[%parallel_loop3A_295, %parallel_loop3A_296] {strides = array<i32>} : memref<128x128xbf16, #tpu.memory_space<vmem>>, vector<32xbf16>,
        %parallel_loop3A_298 = arith.mulf %parallel_loop3A_294, %parallel_loop3A_297 : vector<32xbf16>
        %parallel_loop3A_299 = arith.index_cast %parallel_loop3A_291 : i32 to index
        %parallel_loop3A_300 = arith.constant 32 : index
        %parallel_loop3A_301 = tpu.vector_load %arg8[%parallel_loop3A_299, %parallel_loop3A_300] {strides = array<i32>} : memref<128x128xbf16, #tpu.memory_space<vmem>>, vector<32xbf16>,
        %parallel_loop3A_302 = arith.index_cast %parallel_loop3A_291 : i32 to index
        %parallel_loop3A_303 = arith.constant 32 : index
        %parallel_loop3A_304 = tpu.vector_load %arg10[%parallel_loop3A_302, %parallel_loop3A_303] {strides = array<i32>} : memref<128x128xbf16, #tpu.memory_space<vmem>>, vector<32xbf16>,
        %parallel_loop3A_305 = arith.mulf %parallel_loop3A_301, %parallel_loop3A_304 : vector<32xbf16>
        %parallel_loop3A_306 = arith.index_cast %parallel_loop3A_291 : i32 to index
        %parallel_loop3A_307 = arith.constant 64 : index
        %parallel_loop3A_308 = tpu.vector_load %arg8[%parallel_loop3A_306, %parallel_loop3A_307] {strides = array<i32>} : memref<128x128xbf16, #tpu.memory_space<vmem>>, vector<32xbf16>,
        %parallel_loop3A_309 = arith.index_cast %parallel_loop3A_291 : i32 to index
        %parallel_loop3A_310 = arith.constant 64 : index
        %parallel_loop3A_311 = tpu.vector_load %arg10[%parallel_loop3A_309, %parallel_loop3A_310] {strides = array<i32>} : memref<128x128xbf16, #tpu.memory_space<vmem>>, vector<32xbf16>,
        %parallel_loop3A_312 = arith.mulf %parallel_loop3A_308, %parallel_loop3A_311 : vector<32xbf16>
        %parallel_loop3A_313 = arith.index_cast %parallel_loop3A_291 : i32 to index
        %parallel_loop3A_314 = arith.constant 96 : index
        %parallel_loop3A_315 = tpu.vector_load %arg8[%parallel_loop3A_313, %parallel_loop3A_314] {strides = array<i32>} : memref<128x128xbf16, #tpu.memory_space<vmem>>, vector<32xbf16>,
        %parallel_loop3A_316 = arith.index_cast %parallel_loop3A_291 : i32 to index
        %parallel_loop3A_317 = arith.constant 96 : index
        %parallel_loop3A_318 = tpu.vector_load %arg10[%parallel_loop3A_316, %parallel_loop3A_317] {strides = array<i32>} : memref<128x128xbf16, #tpu.memory_space<vmem>>, vector<32xbf16>,
        %parallel_loop3A_319 = arith.mulf %parallel_loop3A_315, %parallel_loop3A_318 : vector<32xbf16>
        %parallel_loop3A_320 = arith.addf %parallel_loop3A_298, %parallel_loop3A_305 : vector<32xbf16>
        %parallel_loop3A_321 = arith.addf %parallel_loop3A_312, %parallel_loop3A_319 : vector<32xbf16>
        %parallel_loop3A_322 = arith.addf %parallel_loop3A_320, %parallel_loop3A_321 : vector<32xbf16>
        %parallel_loop3A_323 = tpu.unpack_subelements %parallel_loop3A_322, 0 {pack_format = #tpu.pack_format<interleaved>} : vector<32xbf16> -> vector<16xf32>
        %parallel_loop3A_324 = tpu.unpack_subelements %parallel_loop3A_322, 1 {pack_format = #tpu.pack_format<interleaved>} : vector<32xbf16> -> vector<16xf32>
        %parallel_loop3A_325 = arith.addf %parallel_loop3A_323, %parallel_loop3A_324 : vector<16xf32>
        %parallel_loop3A_326 = arith.constant 4 : i32
        %parallel_loop3A_327 = arith.index_cast %parallel_loop3A_111 : i32 to index
        %parallel_loop3A_328 = arith.index_cast %parallel_loop3A_326 : i32 to index
        %parallel_loop3A_329 = arith.constant 0 : index
        %parallel_loop3A_330 = tpu.vector_load %arg12[%parallel_loop3A_327, %parallel_loop3A_328, %parallel_loop3A_329] {strides = array<i32>} : memref<8x16x17xf32, #tpu.memory_space<vmem>>, vector<16xf32>,
        tpu.vector_store %arg12[%parallel_loop3A_327, %parallel_loop3A_328, %parallel_loop3A_329], %parallel_loop3A_325 {strides = array<i32>} : memref<8x16x17xf32, #tpu.memory_space<vmem>>, vector<16xf32>,
        %parallel_loop3A_331 = arith.constant 16 : i32
        %parallel_loop3A_332 = arith.muli %parallel_loop3A_111, %parallel_loop3A_331 : i32
        %parallel_loop3A_333 = arith.constant 5 : i32
        %parallel_loop3A_334 = arith.addi %parallel_loop3A_332, %parallel_loop3A_333 : i32
        %parallel_loop3A_335 = arith.index_cast %parallel_loop3A_334 : i32 to index
        %parallel_loop3A_336 = arith.constant 0 : index
        %parallel_loop3A_337 = tpu.vector_load %arg8[%parallel_loop3A_335, %parallel_loop3A_336] {strides = array<i32>} : memref<128x128xbf16, #tpu.memory_space<vmem>>, vector<32xbf16>,
        %parallel_loop3A_338 = arith.index_cast %parallel_loop3A_334 : i32 to index
        %parallel_loop3A_339 = arith.constant 0 : index
        %parallel_loop3A_340 = tpu.vector_load %arg10[%parallel_loop3A_338, %parallel_loop3A_339] {strides = array<i32>} : memref<128x128xbf16, #tpu.memory_space<vmem>>, vector<32xbf16>,
        %parallel_loop3A_341 = arith.mulf %parallel_loop3A_337, %parallel_loop3A_340 : vector<32xbf16>
        %parallel_loop3A_342 = arith.index_cast %parallel_loop3A_334 : i32 to index
        %parallel_loop3A_343 = arith.constant 32 : index
        %parallel_loop3A_344 = tpu.vector_load %arg8[%parallel_loop3A_342, %parallel_loop3A_343] {strides = array<i32>} : memref<128x128xbf16, #tpu.memory_space<vmem>>, vector<32xbf16>,
        %parallel_loop3A_345 = arith.index_cast %parallel_loop3A_334 : i32 to index
        %parallel_loop3A_346 = arith.constant 32 : index
        %parallel_loop3A_347 = tpu.vector_load %arg10[%parallel_loop3A_345, %parallel_loop3A_346] {strides = array<i32>} : memref<128x128xbf16, #tpu.memory_space<vmem>>, vector<32xbf16>,
        %parallel_loop3A_348 = arith.mulf %parallel_loop3A_344, %parallel_loop3A_347 : vector<32xbf16>
        %parallel_loop3A_349 = arith.index_cast %parallel_loop3A_334 : i32 to index
        %parallel_loop3A_350 = arith.constant 64 : index
        %parallel_loop3A_351 = tpu.vector_load %arg8[%parallel_loop3A_349, %parallel_loop3A_350] {strides = array<i32>} : memref<128x128xbf16, #tpu.memory_space<vmem>>, vector<32xbf16>,
        %parallel_loop3A_352 = arith.index_cast %parallel_loop3A_334 : i32 to index
        %parallel_loop3A_353 = arith.constant 64 : index
        %parallel_loop3A_354 = tpu.vector_load %arg10[%parallel_loop3A_352, %parallel_loop3A_353] {strides = array<i32>} : memref<128x128xbf16, #tpu.memory_space<vmem>>, vector<32xbf16>,
        %parallel_loop3A_355 = arith.mulf %parallel_loop3A_351, %parallel_loop3A_354 : vector<32xbf16>
        %parallel_loop3A_356 = arith.index_cast %parallel_loop3A_334 : i32 to index
        %parallel_loop3A_357 = arith.constant 96 : index
        %parallel_loop3A_358 = tpu.vector_load %arg8[%parallel_loop3A_356, %parallel_loop3A_357] {strides = array<i32>} : memref<128x128xbf16, #tpu.memory_space<vmem>>, vector<32xbf16>,
        %parallel_loop3A_359 = arith.index_cast %parallel_loop3A_334 : i32 to index
        %parallel_loop3A_360 = arith.constant 96 : index
        %parallel_loop3A_361 = tpu.vector_load %arg10[%parallel_loop3A_359, %parallel_loop3A_360] {strides = array<i32>} : memref<128x128xbf16, #tpu.memory_space<vmem>>, vector<32xbf16>,
        %parallel_loop3A_362 = arith.mulf %parallel_loop3A_358, %parallel_loop3A_361 : vector<32xbf16>
        %parallel_loop3A_363 = arith.addf %parallel_loop3A_341, %parallel_loop3A_348 : vector<32xbf16>
        %parallel_loop3A_364 = arith.addf %parallel_loop3A_355, %parallel_loop3A_362 : vector<32xbf16>
        %parallel_loop3A_365 = arith.addf %parallel_loop3A_363, %parallel_loop3A_364 : vector<32xbf16>
        %parallel_loop3A_366 = tpu.unpack_subelements %parallel_loop3A_365, 0 {pack_format = #tpu.pack_format<interleaved>} : vector<32xbf16> -> vector<16xf32>
        %parallel_loop3A_367 = tpu.unpack_subelements %parallel_loop3A_365, 1 {pack_format = #tpu.pack_format<interleaved>} : vector<32xbf16> -> vector<16xf32>
        %parallel_loop3A_368 = arith.addf %parallel_loop3A_366, %parallel_loop3A_367 : vector<16xf32>
        %parallel_loop3A_369 = arith.constant 5 : i32
        %parallel_loop3A_370 = arith.index_cast %parallel_loop3A_111 : i32 to index
        %parallel_loop3A_371 = arith.index_cast %parallel_loop3A_369 : i32 to index
        %parallel_loop3A_372 = arith.constant 0 : index
        %parallel_loop3A_373 = tpu.vector_load %arg12[%parallel_loop3A_370, %parallel_loop3A_371, %parallel_loop3A_372] {strides = array<i32>} : memref<8x16x17xf32, #tpu.memory_space<vmem>>, vector<16xf32>,
        tpu.vector_store %arg12[%parallel_loop3A_370, %parallel_loop3A_371, %parallel_loop3A_372], %parallel_loop3A_368 {strides = array<i32>} : memref<8x16x17xf32, #tpu.memory_space<vmem>>, vector<16xf32>,
        %parallel_loop3A_374 = arith.constant 16 : i32
        %parallel_loop3A_375 = arith.muli %parallel_loop3A_111, %parallel_loop3A_374 : i32
        %parallel_loop3A_376 = arith.constant 6 : i32
        %parallel_loop3A_377 = arith.addi %parallel_loop3A_375, %parallel_loop3A_376 : i32
        %parallel_loop3A_378 = arith.index_cast %parallel_loop3A_377 : i32 to index
        %parallel_loop3A_379 = arith.constant 0 : index
        %parallel_loop3A_380 = tpu.vector_load %arg8[%parallel_loop3A_378, %parallel_loop3A_379] {strides = array<i32>} : memref<128x128xbf16, #tpu.memory_space<vmem>>, vector<32xbf16>,
        %parallel_loop3A_381 = arith.index_cast %parallel_loop3A_377 : i32 to index
        %parallel_loop3A_382 = arith.constant 0 : index
        %parallel_loop3A_383 = tpu.vector_load %arg10[%parallel_loop3A_381, %parallel_loop3A_382] {strides = array<i32>} : memref<128x128xbf16, #tpu.memory_space<vmem>>, vector<32xbf16>,
        %parallel_loop3A_384 = arith.mulf %parallel_loop3A_380, %parallel_loop3A_383 : vector<32xbf16>
        %parallel_loop3A_385 = arith.index_cast %parallel_loop3A_377 : i32 to index
        %parallel_loop3A_386 = arith.constant 32 : index
        %parallel_loop3A_387 = tpu.vector_load %arg8[%parallel_loop3A_385, %parallel_loop3A_386] {strides = array<i32>} : memref<128x128xbf16, #tpu.memory_space<vmem>>, vector<32xbf16>,
        %parallel_loop3A_388 = arith.index_cast %parallel_loop3A_377 : i32 to index
        %parallel_loop3A_389 = arith.constant 32 : index
        %parallel_loop3A_390 = tpu.vector_load %arg10[%parallel_loop3A_388, %parallel_loop3A_389] {strides = array<i32>} : memref<128x128xbf16, #tpu.memory_space<vmem>>, vector<32xbf16>,
        %parallel_loop3A_391 = arith.mulf %parallel_loop3A_387, %parallel_loop3A_390 : vector<32xbf16>
        %parallel_loop3A_392 = arith.index_cast %parallel_loop3A_377 : i32 to index
        %parallel_loop3A_393 = arith.constant 64 : index
        %parallel_loop3A_394 = tpu.vector_load %arg8[%parallel_loop3A_392, %parallel_loop3A_393] {strides = array<i32>} : memref<128x128xbf16, #tpu.memory_space<vmem>>, vector<32xbf16>,
        %parallel_loop3A_395 = arith.index_cast %parallel_loop3A_377 : i32 to index
        %parallel_loop3A_396 = arith.constant 64 : index
        %parallel_loop3A_397 = tpu.vector_load %arg10[%parallel_loop3A_395, %parallel_loop3A_396] {strides = array<i32>} : memref<128x128xbf16, #tpu.memory_space<vmem>>, vector<32xbf16>,
        %parallel_loop3A_398 = arith.mulf %parallel_loop3A_394, %parallel_loop3A_397 : vector<32xbf16>
        %parallel_loop3A_399 = arith.index_cast %parallel_loop3A_377 : i32 to index
        %parallel_loop3A_400 = arith.constant 96 : index
        %parallel_loop3A_401 = tpu.vector_load %arg8[%parallel_loop3A_399, %parallel_loop3A_400] {strides = array<i32>} : memref<128x128xbf16, #tpu.memory_space<vmem>>, vector<32xbf16>,
        %parallel_loop3A_402 = arith.index_cast %parallel_loop3A_377 : i32 to index
        %parallel_loop3A_403 = arith.constant 96 : index
        %parallel_loop3A_404 = tpu.vector_load %arg10[%parallel_loop3A_402, %parallel_loop3A_403] {strides = array<i32>} : memref<128x128xbf16, #tpu.memory_space<vmem>>, vector<32xbf16>,
        %parallel_loop3A_405 = arith.mulf %parallel_loop3A_401, %parallel_loop3A_404 : vector<32xbf16>
        %parallel_loop3A_406 = arith.addf %parallel_loop3A_384, %parallel_loop3A_391 : vector<32xbf16>
        %parallel_loop3A_407 = arith.addf %parallel_loop3A_398, %parallel_loop3A_405 : vector<32xbf16>
        %parallel_loop3A_408 = arith.addf %parallel_loop3A_406, %parallel_loop3A_407 : vector<32xbf16>
        %parallel_loop3A_409 = tpu.unpack_subelements %parallel_loop3A_408, 0 {pack_format = #tpu.pack_format<interleaved>} : vector<32xbf16> -> vector<16xf32>
        %parallel_loop3A_410 = tpu.unpack_subelements %parallel_loop3A_408, 1 {pack_format = #tpu.pack_format<interleaved>} : vector<32xbf16> -> vector<16xf32>
        %parallel_loop3A_411 = arith.addf %parallel_loop3A_409, %parallel_loop3A_410 : vector<16xf32>
        %parallel_loop3A_412 = arith.constant 6 : i32
        %parallel_loop3A_413 = arith.index_cast %parallel_loop3A_111 : i32 to index
        %parallel_loop3A_414 = arith.index_cast %parallel_loop3A_412 : i32 to index
        %parallel_loop3A_415 = arith.constant 0 : index
        %parallel_loop3A_416 = tpu.vector_load %arg12[%parallel_loop3A_413, %parallel_loop3A_414, %parallel_loop3A_415] {strides = array<i32>} : memref<8x16x17xf32, #tpu.memory_space<vmem>>, vector<16xf32>,
        tpu.vector_store %arg12[%parallel_loop3A_413, %parallel_loop3A_414, %parallel_loop3A_415], %parallel_loop3A_411 {strides = array<i32>} : memref<8x16x17xf32, #tpu.memory_space<vmem>>, vector<16xf32>,
        %parallel_loop3A_417 = arith.constant 16 : i32
        %parallel_loop3A_418 = arith.muli %parallel_loop3A_111, %parallel_loop3A_417 : i32
        %parallel_loop3A_419 = arith.constant 7 : i32
        %parallel_loop3A_420 = arith.addi %parallel_loop3A_418, %parallel_loop3A_419 : i32
        %parallel_loop3A_421 = arith.index_cast %parallel_loop3A_420 : i32 to index
        %parallel_loop3A_422 = arith.constant 0 : index
        %parallel_loop3A_423 = tpu.vector_load %arg8[%parallel_loop3A_421, %parallel_loop3A_422] {strides = array<i32>} : memref<128x128xbf16, #tpu.memory_space<vmem>>, vector<32xbf16>,
        %parallel_loop3A_424 = arith.index_cast %parallel_loop3A_420 : i32 to index
        %parallel_loop3A_425 = arith.constant 0 : index
        %parallel_loop3A_426 = tpu.vector_load %arg10[%parallel_loop3A_424, %parallel_loop3A_425] {strides = array<i32>} : memref<128x128xbf16, #tpu.memory_space<vmem>>, vector<32xbf16>,
        %parallel_loop3A_427 = arith.mulf %parallel_loop3A_423, %parallel_loop3A_426 : vector<32xbf16>
        %parallel_loop3A_428 = arith.index_cast %parallel_loop3A_420 : i32 to index
        %parallel_loop3A_429 = arith.constant 32 : index
        %parallel_loop3A_430 = tpu.vector_load %arg8[%parallel_loop3A_428, %parallel_loop3A_429] {strides = array<i32>} : memref<128x128xbf16, #tpu.memory_space<vmem>>, vector<32xbf16>,
        %parallel_loop3A_431 = arith.index_cast %parallel_loop3A_420 : i32 to index
        %parallel_loop3A_432 = arith.constant 32 : index
        %parallel_loop3A_433 = tpu.vector_load %arg10[%parallel_loop3A_431, %parallel_loop3A_432] {strides = array<i32>} : memref<128x128xbf16, #tpu.memory_space<vmem>>, vector<32xbf16>,
        %parallel_loop3A_434 = arith.mulf %parallel_loop3A_430, %parallel_loop3A_433 : vector<32xbf16>
        %parallel_loop3A_435 = arith.index_cast %parallel_loop3A_420 : i32 to index
        %parallel_loop3A_436 = arith.constant 64 : index
        %parallel_loop3A_437 = tpu.vector_load %arg8[%parallel_loop3A_435, %parallel_loop3A_436] {strides = array<i32>} : memref<128x128xbf16, #tpu.memory_space<vmem>>, vector<32xbf16>,
        %parallel_loop3A_438 = arith.index_cast %parallel_loop3A_420 : i32 to index
        %parallel_loop3A_439 = arith.constant 64 : index
        %parallel_loop3A_440 = tpu.vector_load %arg10[%parallel_loop3A_438, %parallel_loop3A_439] {strides = array<i32>} : memref<128x128xbf16, #tpu.memory_space<vmem>>, vector<32xbf16>,
        %parallel_loop3A_441 = arith.mulf %parallel_loop3A_437, %parallel_loop3A_440 : vector<32xbf16>
        %parallel_loop3A_442 = arith.index_cast %parallel_loop3A_420 : i32 to index
        %parallel_loop3A_443 = arith.constant 96 : index
        %parallel_loop3A_444 = tpu.vector_load %arg8[%parallel_loop3A_442, %parallel_loop3A_443] {strides = array<i32>} : memref<128x128xbf16, #tpu.memory_space<vmem>>, vector<32xbf16>,
        %parallel_loop3A_445 = arith.index_cast %parallel_loop3A_420 : i32 to index
        %parallel_loop3A_446 = arith.constant 96 : index
        %parallel_loop3A_447 = tpu.vector_load %arg10[%parallel_loop3A_445, %parallel_loop3A_446] {strides = array<i32>} : memref<128x128xbf16, #tpu.memory_space<vmem>>, vector<32xbf16>,
        %parallel_loop3A_448 = arith.mulf %parallel_loop3A_444, %parallel_loop3A_447 : vector<32xbf16>
        %parallel_loop3A_449 = arith.addf %parallel_loop3A_427, %parallel_loop3A_434 : vector<32xbf16>
        %parallel_loop3A_450 = arith.addf %parallel_loop3A_441, %parallel_loop3A_448 : vector<32xbf16>
        %parallel_loop3A_451 = arith.addf %parallel_loop3A_449, %parallel_loop3A_450 : vector<32xbf16>
        %parallel_loop3A_452 = tpu.unpack_subelements %parallel_loop3A_451, 0 {pack_format = #tpu.pack_format<interleaved>} : vector<32xbf16> -> vector<16xf32>
        %parallel_loop3A_453 = tpu.unpack_subelements %parallel_loop3A_451, 1 {pack_format = #tpu.pack_format<interleaved>} : vector<32xbf16> -> vector<16xf32>
        %parallel_loop3A_454 = arith.addf %parallel_loop3A_452, %parallel_loop3A_453 : vector<16xf32>
        %parallel_loop3A_455 = arith.constant 7 : i32
        %parallel_loop3A_456 = arith.index_cast %parallel_loop3A_111 : i32 to index
        %parallel_loop3A_457 = arith.index_cast %parallel_loop3A_455 : i32 to index
        %parallel_loop3A_458 = arith.constant 0 : index
        %parallel_loop3A_459 = tpu.vector_load %arg12[%parallel_loop3A_456, %parallel_loop3A_457, %parallel_loop3A_458] {strides = array<i32>} : memref<8x16x17xf32, #tpu.memory_space<vmem>>, vector<16xf32>,
        tpu.vector_store %arg12[%parallel_loop3A_456, %parallel_loop3A_457, %parallel_loop3A_458], %parallel_loop3A_454 {strides = array<i32>} : memref<8x16x17xf32, #tpu.memory_space<vmem>>, vector<16xf32>,
        %parallel_loop3A_460 = arith.constant 16 : i32
        %parallel_loop3A_461 = arith.muli %parallel_loop3A_111, %parallel_loop3A_460 : i32
        %parallel_loop3A_462 = arith.constant 8 : i32
        %parallel_loop3A_463 = arith.addi %parallel_loop3A_461, %parallel_loop3A_462 : i32
        %parallel_loop3A_464 = arith.index_cast %parallel_loop3A_463 : i32 to index
        %parallel_loop3A_465 = arith.constant 0 : index
        %parallel_loop3A_466 = tpu.vector_load %arg8[%parallel_loop3A_464, %parallel_loop3A_465] {strides = array<i32>} : memref<128x128xbf16, #tpu.memory_space<vmem>>, vector<32xbf16>,
        %parallel_loop3A_467 = arith.index_cast %parallel_loop3A_463 : i32 to index
        %parallel_loop3A_468 = arith.constant 0 : index
        %parallel_loop3A_469 = tpu.vector_load %arg10[%parallel_loop3A_467, %parallel_loop3A_468] {strides = array<i32>} : memref<128x128xbf16, #tpu.memory_space<vmem>>, vector<32xbf16>,
        %parallel_loop3A_470 = arith.mulf %parallel_loop3A_466, %parallel_loop3A_469 : vector<32xbf16>
        %parallel_loop3A_471 = arith.index_cast %parallel_loop3A_463 : i32 to index
        %parallel_loop3A_472 = arith.constant 32 : index
        %parallel_loop3A_473 = tpu.vector_load %arg8[%parallel_loop3A_471, %parallel_loop3A_472] {strides = array<i32>} : memref<128x128xbf16, #tpu.memory_space<vmem>>, vector<32xbf16>,
        %parallel_loop3A_474 = arith.index_cast %parallel_loop3A_463 : i32 to index
        %parallel_loop3A_475 = arith.constant 32 : index
        %parallel_loop3A_476 = tpu.vector_load %arg10[%parallel_loop3A_474, %parallel_loop3A_475] {strides = array<i32>} : memref<128x128xbf16, #tpu.memory_space<vmem>>, vector<32xbf16>,
        %parallel_loop3A_477 = arith.mulf %parallel_loop3A_473, %parallel_loop3A_476 : vector<32xbf16>
        %parallel_loop3A_478 = arith.index_cast %parallel_loop3A_463 : i32 to index
        %parallel_loop3A_479 = arith.constant 64 : index
        %parallel_loop3A_480 = tpu.vector_load %arg8[%parallel_loop3A_478, %parallel_loop3A_479] {strides = array<i32>} : memref<128x128xbf16, #tpu.memory_space<vmem>>, vector<32xbf16>,
        %parallel_loop3A_481 = arith.index_cast %parallel_loop3A_463 : i32 to index
        %parallel_loop3A_482 = arith.constant 64 : index
        %parallel_loop3A_483 = tpu.vector_load %arg10[%parallel_loop3A_481, %parallel_loop3A_482] {strides = array<i32>} : memref<128x128xbf16, #tpu.memory_space<vmem>>, vector<32xbf16>,
        %parallel_loop3A_484 = arith.mulf %parallel_loop3A_480, %parallel_loop3A_483 : vector<32xbf16>
        %parallel_loop3A_485 = arith.index_cast %parallel_loop3A_463 : i32 to index
        %parallel_loop3A_486 = arith.constant 96 : index
        %parallel_loop3A_487 = tpu.vector_load %arg8[%parallel_loop3A_485, %parallel_loop3A_486] {strides = array<i32>} : memref<128x128xbf16, #tpu.memory_space<vmem>>, vector<32xbf16>,
        %parallel_loop3A_488 = arith.index_cast %parallel_loop3A_463 : i32 to index
        %parallel_loop3A_489 = arith.constant 96 : index
        %parallel_loop3A_490 = tpu.vector_load %arg10[%parallel_loop3A_488, %parallel_loop3A_489] {strides = array<i32>} : memref<128x128xbf16, #tpu.memory_space<vmem>>, vector<32xbf16>,
        %parallel_loop3A_491 = arith.mulf %parallel_loop3A_487, %parallel_loop3A_490 : vector<32xbf16>
        %parallel_loop3A_492 = arith.addf %parallel_loop3A_470, %parallel_loop3A_477 : vector<32xbf16>
        %parallel_loop3A_493 = arith.addf %parallel_loop3A_484, %parallel_loop3A_491 : vector<32xbf16>
        %parallel_loop3A_494 = arith.addf %parallel_loop3A_492, %parallel_loop3A_493 : vector<32xbf16>
        %parallel_loop3A_495 = tpu.unpack_subelements %parallel_loop3A_494, 0 {pack_format = #tpu.pack_format<interleaved>} : vector<32xbf16> -> vector<16xf32>
        %parallel_loop3A_496 = tpu.unpack_subelements %parallel_loop3A_494, 1 {pack_format = #tpu.pack_format<interleaved>} : vector<32xbf16> -> vector<16xf32>
        %parallel_loop3A_497 = arith.addf %parallel_loop3A_495, %parallel_loop3A_496 : vector<16xf32>
        %parallel_loop3A_498 = arith.constant 8 : i32
        %parallel_loop3A_499 = arith.index_cast %parallel_loop3A_111 : i32 to index
        %parallel_loop3A_500 = arith.index_cast %parallel_loop3A_498 : i32 to index
        %parallel_loop3A_501 = arith.constant 0 : index
        %parallel_loop3A_502 = tpu.vector_load %arg12[%parallel_loop3A_499, %parallel_loop3A_500, %parallel_loop3A_501] {strides = array<i32>} : memref<8x16x17xf32, #tpu.memory_space<vmem>>, vector<16xf32>,
        tpu.vector_store %arg12[%parallel_loop3A_499, %parallel_loop3A_500, %parallel_loop3A_501], %parallel_loop3A_497 {strides = array<i32>} : memref<8x16x17xf32, #tpu.memory_space<vmem>>, vector<16xf32>,
        %parallel_loop3A_503 = arith.constant 16 : i32
        %parallel_loop3A_504 = arith.muli %parallel_loop3A_111, %parallel_loop3A_503 : i32
        %parallel_loop3A_505 = arith.constant 9 : i32
        %parallel_loop3A_506 = arith.addi %parallel_loop3A_504, %parallel_loop3A_505 : i32
        %parallel_loop3A_507 = arith.index_cast %parallel_loop3A_506 : i32 to index
        %parallel_loop3A_508 = arith.constant 0 : index
        %parallel_loop3A_509 = tpu.vector_load %arg8[%parallel_loop3A_507, %parallel_loop3A_508] {strides = array<i32>} : memref<128x128xbf16, #tpu.memory_space<vmem>>, vector<32xbf16>,
        %parallel_loop3A_510 = arith.index_cast %parallel_loop3A_506 : i32 to index
        %parallel_loop3A_511 = arith.constant 0 : index
        %parallel_loop3A_512 = tpu.vector_load %arg10[%parallel_loop3A_510, %parallel_loop3A_511] {strides = array<i32>} : memref<128x128xbf16, #tpu.memory_space<vmem>>, vector<32xbf16>,
        %parallel_loop3A_513 = arith.mulf %parallel_loop3A_509, %parallel_loop3A_512 : vector<32xbf16>
        %parallel_loop3A_514 = arith.index_cast %parallel_loop3A_506 : i32 to index
        %parallel_loop3A_515 = arith.constant 32 : index
        %parallel_loop3A_516 = tpu.vector_load %arg8[%parallel_loop3A_514, %parallel_loop3A_515] {strides = array<i32>} : memref<128x128xbf16, #tpu.memory_space<vmem>>, vector<32xbf16>,
        %parallel_loop3A_517 = arith.index_cast %parallel_loop3A_506 : i32 to index
        %parallel_loop3A_518 = arith.constant 32 : index
        %parallel_loop3A_519 = tpu.vector_load %arg10[%parallel_loop3A_517, %parallel_loop3A_518] {strides = array<i32>} : memref<128x128xbf16, #tpu.memory_space<vmem>>, vector<32xbf16>,
        %parallel_loop3A_520 = arith.mulf %parallel_loop3A_516, %parallel_loop3A_519 : vector<32xbf16>
        %parallel_loop3A_521 = arith.index_cast %parallel_loop3A_506 : i32 to index
        %parallel_loop3A_522 = arith.constant 64 : index
        %parallel_loop3A_523 = tpu.vector_load %arg8[%parallel_loop3A_521, %parallel_loop3A_522] {strides = array<i32>} : memref<128x128xbf16, #tpu.memory_space<vmem>>, vector<32xbf16>,
        %parallel_loop3A_524 = arith.index_cast %parallel_loop3A_506 : i32 to index
        %parallel_loop3A_525 = arith.constant 64 : index
        %parallel_loop3A_526 = tpu.vector_load %arg10[%parallel_loop3A_524, %parallel_loop3A_525] {strides = array<i32>} : memref<128x128xbf16, #tpu.memory_space<vmem>>, vector<32xbf16>,
        %parallel_loop3A_527 = arith.mulf %parallel_loop3A_523, %parallel_loop3A_526 : vector<32xbf16>
        %parallel_loop3A_528 = arith.index_cast %parallel_loop3A_506 : i32 to index
        %parallel_loop3A_529 = arith.constant 96 : index
        %parallel_loop3A_530 = tpu.vector_load %arg8[%parallel_loop3A_528, %parallel_loop3A_529] {strides = array<i32>} : memref<128x128xbf16, #tpu.memory_space<vmem>>, vector<32xbf16>,
        %parallel_loop3A_531 = arith.index_cast %parallel_loop3A_506 : i32 to index
        %parallel_loop3A_532 = arith.constant 96 : index
        %parallel_loop3A_533 = tpu.vector_load %arg10[%parallel_loop3A_531, %parallel_loop3A_532] {strides = array<i32>} : memref<128x128xbf16, #tpu.memory_space<vmem>>, vector<32xbf16>,
        %parallel_loop3A_534 = arith.mulf %parallel_loop3A_530, %parallel_loop3A_533 : vector<32xbf16>
        %parallel_loop3A_535 = arith.addf %parallel_loop3A_513, %parallel_loop3A_520 : vector<32xbf16>
        %parallel_loop3A_536 = arith.addf %parallel_loop3A_527, %parallel_loop3A_534 : vector<32xbf16>
        %parallel_loop3A_537 = arith.addf %parallel_loop3A_535, %parallel_loop3A_536 : vector<32xbf16>
        %parallel_loop3A_538 = tpu.unpack_subelements %parallel_loop3A_537, 0 {pack_format = #tpu.pack_format<interleaved>} : vector<32xbf16> -> vector<16xf32>
        %parallel_loop3A_539 = tpu.unpack_subelements %parallel_loop3A_537, 1 {pack_format = #tpu.pack_format<interleaved>} : vector<32xbf16> -> vector<16xf32>
        %parallel_loop3A_540 = arith.addf %parallel_loop3A_538, %parallel_loop3A_539 : vector<16xf32>
        %parallel_loop3A_541 = arith.constant 9 : i32
        %parallel_loop3A_542 = arith.index_cast %parallel_loop3A_111 : i32 to index
        %parallel_loop3A_543 = arith.index_cast %parallel_loop3A_541 : i32 to index
        %parallel_loop3A_544 = arith.constant 0 : index
        %parallel_loop3A_545 = tpu.vector_load %arg12[%parallel_loop3A_542, %parallel_loop3A_543, %parallel_loop3A_544] {strides = array<i32>} : memref<8x16x17xf32, #tpu.memory_space<vmem>>, vector<16xf32>,
        tpu.vector_store %arg12[%parallel_loop3A_542, %parallel_loop3A_543, %parallel_loop3A_544], %parallel_loop3A_540 {strides = array<i32>} : memref<8x16x17xf32, #tpu.memory_space<vmem>>, vector<16xf32>,
        %parallel_loop3A_546 = arith.constant 16 : i32
        %parallel_loop3A_547 = arith.muli %parallel_loop3A_111, %parallel_loop3A_546 : i32
        %parallel_loop3A_548 = arith.constant 10 : i32
        %parallel_loop3A_549 = arith.addi %parallel_loop3A_547, %parallel_loop3A_548 : i32
        %parallel_loop3A_550 = arith.index_cast %parallel_loop3A_549 : i32 to index
        %parallel_loop3A_551 = arith.constant 0 : index
        %parallel_loop3A_552 = tpu.vector_load %arg8[%parallel_loop3A_550, %parallel_loop3A_551] {strides = array<i32>} : memref<128x128xbf16, #tpu.memory_space<vmem>>, vector<32xbf16>,
        %parallel_loop3A_553 = arith.index_cast %parallel_loop3A_549 : i32 to index
        %parallel_loop3A_554 = arith.constant 0 : index
        %parallel_loop3A_555 = tpu.vector_load %arg10[%parallel_loop3A_553, %parallel_loop3A_554] {strides = array<i32>} : memref<128x128xbf16, #tpu.memory_space<vmem>>, vector<32xbf16>,
        %parallel_loop3A_556 = arith.mulf %parallel_loop3A_552, %parallel_loop3A_555 : vector<32xbf16>
        %parallel_loop3A_557 = arith.index_cast %parallel_loop3A_549 : i32 to index
        %parallel_loop3A_558 = arith.constant 32 : index
        %parallel_loop3A_559 = tpu.vector_load %arg8[%parallel_loop3A_557, %parallel_loop3A_558] {strides = array<i32>} : memref<128x128xbf16, #tpu.memory_space<vmem>>, vector<32xbf16>,
        %parallel_loop3A_560 = arith.index_cast %parallel_loop3A_549 : i32 to index
        %parallel_loop3A_561 = arith.constant 32 : index
        %parallel_loop3A_562 = tpu.vector_load %arg10[%parallel_loop3A_560, %parallel_loop3A_561] {strides = array<i32>} : memref<128x128xbf16, #tpu.memory_space<vmem>>, vector<32xbf16>,
        %parallel_loop3A_563 = arith.mulf %parallel_loop3A_559, %parallel_loop3A_562 : vector<32xbf16>
        %parallel_loop3A_564 = arith.index_cast %parallel_loop3A_549 : i32 to index
        %parallel_loop3A_565 = arith.constant 64 : index
        %parallel_loop3A_566 = tpu.vector_load %arg8[%parallel_loop3A_564, %parallel_loop3A_565] {strides = array<i32>} : memref<128x128xbf16, #tpu.memory_space<vmem>>, vector<32xbf16>,
        %parallel_loop3A_567 = arith.index_cast %parallel_loop3A_549 : i32 to index
        %parallel_loop3A_568 = arith.constant 64 : index
        %parallel_loop3A_569 = tpu.vector_load %arg10[%parallel_loop3A_567, %parallel_loop3A_568] {strides = array<i32>} : memref<128x128xbf16, #tpu.memory_space<vmem>>, vector<32xbf16>,
        %parallel_loop3A_570 = arith.mulf %parallel_loop3A_566, %parallel_loop3A_569 : vector<32xbf16>
        %parallel_loop3A_571 = arith.index_cast %parallel_loop3A_549 : i32 to index
        %parallel_loop3A_572 = arith.constant 96 : index
        %parallel_loop3A_573 = tpu.vector_load %arg8[%parallel_loop3A_571, %parallel_loop3A_572] {strides = array<i32>} : memref<128x128xbf16, #tpu.memory_space<vmem>>, vector<32xbf16>,
        %parallel_loop3A_574 = arith.index_cast %parallel_loop3A_549 : i32 to index
        %parallel_loop3A_575 = arith.constant 96 : index
        %parallel_loop3A_576 = tpu.vector_load %arg10[%parallel_loop3A_574, %parallel_loop3A_575] {strides = array<i32>} : memref<128x128xbf16, #tpu.memory_space<vmem>>, vector<32xbf16>,
        %parallel_loop3A_577 = arith.mulf %parallel_loop3A_573, %parallel_loop3A_576 : vector<32xbf16>
        %parallel_loop3A_578 = arith.addf %parallel_loop3A_556, %parallel_loop3A_563 : vector<32xbf16>
        %parallel_loop3A_579 = arith.addf %parallel_loop3A_570, %parallel_loop3A_577 : vector<32xbf16>
        %parallel_loop3A_580 = arith.addf %parallel_loop3A_578, %parallel_loop3A_579 : vector<32xbf16>
        %parallel_loop3A_581 = tpu.unpack_subelements %parallel_loop3A_580, 0 {pack_format = #tpu.pack_format<interleaved>} : vector<32xbf16> -> vector<16xf32>
        %parallel_loop3A_582 = tpu.unpack_subelements %parallel_loop3A_580, 1 {pack_format = #tpu.pack_format<interleaved>} : vector<32xbf16> -> vector<16xf32>
        %parallel_loop3A_583 = arith.addf %parallel_loop3A_581, %parallel_loop3A_582 : vector<16xf32>
        %parallel_loop3A_584 = arith.constant 10 : i32
        %parallel_loop3A_585 = arith.index_cast %parallel_loop3A_111 : i32 to index
        %parallel_loop3A_586 = arith.index_cast %parallel_loop3A_584 : i32 to index
        %parallel_loop3A_587 = arith.constant 0 : index
        %parallel_loop3A_588 = tpu.vector_load %arg12[%parallel_loop3A_585, %parallel_loop3A_586, %parallel_loop3A_587] {strides = array<i32>} : memref<8x16x17xf32, #tpu.memory_space<vmem>>, vector<16xf32>,
        tpu.vector_store %arg12[%parallel_loop3A_585, %parallel_loop3A_586, %parallel_loop3A_587], %parallel_loop3A_583 {strides = array<i32>} : memref<8x16x17xf32, #tpu.memory_space<vmem>>, vector<16xf32>,
        %parallel_loop3A_589 = arith.constant 16 : i32
        %parallel_loop3A_590 = arith.muli %parallel_loop3A_111, %parallel_loop3A_589 : i32
        %parallel_loop3A_591 = arith.constant 11 : i32
        %parallel_loop3A_592 = arith.addi %parallel_loop3A_590, %parallel_loop3A_591 : i32
        %parallel_loop3A_593 = arith.index_cast %parallel_loop3A_592 : i32 to index
        %parallel_loop3A_594 = arith.constant 0 : index
        %parallel_loop3A_595 = tpu.vector_load %arg8[%parallel_loop3A_593, %parallel_loop3A_594] {strides = array<i32>} : memref<128x128xbf16, #tpu.memory_space<vmem>>, vector<32xbf16>,
        %parallel_loop3A_596 = arith.index_cast %parallel_loop3A_592 : i32 to index
        %parallel_loop3A_597 = arith.constant 0 : index
        %parallel_loop3A_598 = tpu.vector_load %arg10[%parallel_loop3A_596, %parallel_loop3A_597] {strides = array<i32>} : memref<128x128xbf16, #tpu.memory_space<vmem>>, vector<32xbf16>,
        %parallel_loop3A_599 = arith.mulf %parallel_loop3A_595, %parallel_loop3A_598 : vector<32xbf16>
        %parallel_loop3A_600 = arith.index_cast %parallel_loop3A_592 : i32 to index
        %parallel_loop3A_601 = arith.constant 32 : index
        %parallel_loop3A_602 = tpu.vector_load %arg8[%parallel_loop3A_600, %parallel_loop3A_601] {strides = array<i32>} : memref<128x128xbf16, #tpu.memory_space<vmem>>, vector<32xbf16>,
        %parallel_loop3A_603 = arith.index_cast %parallel_loop3A_592 : i32 to index
        %parallel_loop3A_604 = arith.constant 32 : index
        %parallel_loop3A_605 = tpu.vector_load %arg10[%parallel_loop3A_603, %parallel_loop3A_604] {strides = array<i32>} : memref<128x128xbf16, #tpu.memory_space<vmem>>, vector<32xbf16>,
        %parallel_loop3A_606 = arith.mulf %parallel_loop3A_602, %parallel_loop3A_605 : vector<32xbf16>
        %parallel_loop3A_607 = arith.index_cast %parallel_loop3A_592 : i32 to index
        %parallel_loop3A_608 = arith.constant 64 : index
        %parallel_loop3A_609 = tpu.vector_load %arg8[%parallel_loop3A_607, %parallel_loop3A_608] {strides = array<i32>} : memref<128x128xbf16, #tpu.memory_space<vmem>>, vector<32xbf16>,
        %parallel_loop3A_610 = arith.index_cast %parallel_loop3A_592 : i32 to index
        %parallel_loop3A_611 = arith.constant 64 : index
        %parallel_loop3A_612 = tpu.vector_load %arg10[%parallel_loop3A_610, %parallel_loop3A_611] {strides = array<i32>} : memref<128x128xbf16, #tpu.memory_space<vmem>>, vector<32xbf16>,
        %parallel_loop3A_613 = arith.mulf %parallel_loop3A_609, %parallel_loop3A_612 : vector<32xbf16>
        %parallel_loop3A_614 = arith.index_cast %parallel_loop3A_592 : i32 to index
        %parallel_loop3A_615 = arith.constant 96 : index
        %parallel_loop3A_616 = tpu.vector_load %arg8[%parallel_loop3A_614, %parallel_loop3A_615] {strides = array<i32>} : memref<128x128xbf16, #tpu.memory_space<vmem>>, vector<32xbf16>,
        %parallel_loop3A_617 = arith.index_cast %parallel_loop3A_592 : i32 to index
        %parallel_loop3A_618 = arith.constant 96 : index
        %parallel_loop3A_619 = tpu.vector_load %arg10[%parallel_loop3A_617, %parallel_loop3A_618] {strides = array<i32>} : memref<128x128xbf16, #tpu.memory_space<vmem>>, vector<32xbf16>,
        %parallel_loop3A_620 = arith.mulf %parallel_loop3A_616, %parallel_loop3A_619 : vector<32xbf16>
        %parallel_loop3A_621 = arith.addf %parallel_loop3A_599, %parallel_loop3A_606 : vector<32xbf16>
        %parallel_loop3A_622 = arith.addf %parallel_loop3A_613, %parallel_loop3A_620 : vector<32xbf16>
        %parallel_loop3A_623 = arith.addf %parallel_loop3A_621, %parallel_loop3A_622 : vector<32xbf16>
        %parallel_loop3A_624 = tpu.unpack_subelements %parallel_loop3A_623, 0 {pack_format = #tpu.pack_format<interleaved>} : vector<32xbf16> -> vector<16xf32>
        %parallel_loop3A_625 = tpu.unpack_subelements %parallel_loop3A_623, 1 {pack_format = #tpu.pack_format<interleaved>} : vector<32xbf16> -> vector<16xf32>
        %parallel_loop3A_626 = arith.addf %parallel_loop3A_624, %parallel_loop3A_625 : vector<16xf32>
        %parallel_loop3A_627 = arith.constant 11 : i32
        %parallel_loop3A_628 = arith.index_cast %parallel_loop3A_111 : i32 to index
        %parallel_loop3A_629 = arith.index_cast %parallel_loop3A_627 : i32 to index
        %parallel_loop3A_630 = arith.constant 0 : index
        %parallel_loop3A_631 = tpu.vector_load %arg12[%parallel_loop3A_628, %parallel_loop3A_629, %parallel_loop3A_630] {strides = array<i32>} : memref<8x16x17xf32, #tpu.memory_space<vmem>>, vector<16xf32>,
        tpu.vector_store %arg12[%parallel_loop3A_628, %parallel_loop3A_629, %parallel_loop3A_630], %parallel_loop3A_626 {strides = array<i32>} : memref<8x16x17xf32, #tpu.memory_space<vmem>>, vector<16xf32>,
        %parallel_loop3A_632 = arith.constant 16 : i32
        %parallel_loop3A_633 = arith.muli %parallel_loop3A_111, %parallel_loop3A_632 : i32
        %parallel_loop3A_634 = arith.constant 12 : i32
        %parallel_loop3A_635 = arith.addi %parallel_loop3A_633, %parallel_loop3A_634 : i32
        %parallel_loop3A_636 = arith.index_cast %parallel_loop3A_635 : i32 to index
        %parallel_loop3A_637 = arith.constant 0 : index
        %parallel_loop3A_638 = tpu.vector_load %arg8[%parallel_loop3A_636, %parallel_loop3A_637] {strides = array<i32>} : memref<128x128xbf16, #tpu.memory_space<vmem>>, vector<32xbf16>,
        %parallel_loop3A_639 = arith.index_cast %parallel_loop3A_635 : i32 to index
        %parallel_loop3A_640 = arith.constant 0 : index
        %parallel_loop3A_641 = tpu.vector_load %arg10[%parallel_loop3A_639, %parallel_loop3A_640] {strides = array<i32>} : memref<128x128xbf16, #tpu.memory_space<vmem>>, vector<32xbf16>,
        %parallel_loop3A_642 = arith.mulf %parallel_loop3A_638, %parallel_loop3A_641 : vector<32xbf16>
        %parallel_loop3A_643 = arith.index_cast %parallel_loop3A_635 : i32 to index
        %parallel_loop3A_644 = arith.constant 32 : index
        %parallel_loop3A_645 = tpu.vector_load %arg8[%parallel_loop3A_643, %parallel_loop3A_644] {strides = array<i32>} : memref<128x128xbf16, #tpu.memory_space<vmem>>, vector<32xbf16>,
        %parallel_loop3A_646 = arith.index_cast %parallel_loop3A_635 : i32 to index
        %parallel_loop3A_647 = arith.constant 32 : index
        %parallel_loop3A_648 = tpu.vector_load %arg10[%parallel_loop3A_646, %parallel_loop3A_647] {strides = array<i32>} : memref<128x128xbf16, #tpu.memory_space<vmem>>, vector<32xbf16>,
        %parallel_loop3A_649 = arith.mulf %parallel_loop3A_645, %parallel_loop3A_648 : vector<32xbf16>
        %parallel_loop3A_650 = arith.index_cast %parallel_loop3A_635 : i32 to index
        %parallel_loop3A_651 = arith.constant 64 : index
        %parallel_loop3A_652 = tpu.vector_load %arg8[%parallel_loop3A_650, %parallel_loop3A_651] {strides = array<i32>} : memref<128x128xbf16, #tpu.memory_space<vmem>>, vector<32xbf16>,
        %parallel_loop3A_653 = arith.index_cast %parallel_loop3A_635 : i32 to index
        %parallel_loop3A_654 = arith.constant 64 : index
        %parallel_loop3A_655 = tpu.vector_load %arg10[%parallel_loop3A_653, %parallel_loop3A_654] {strides = array<i32>} : memref<128x128xbf16, #tpu.memory_space<vmem>>, vector<32xbf16>,
        %parallel_loop3A_656 = arith.mulf %parallel_loop3A_652, %parallel_loop3A_655 : vector<32xbf16>
        %parallel_loop3A_657 = arith.index_cast %parallel_loop3A_635 : i32 to index
        %parallel_loop3A_658 = arith.constant 96 : index
        %parallel_loop3A_659 = tpu.vector_load %arg8[%parallel_loop3A_657, %parallel_loop3A_658] {strides = array<i32>} : memref<128x128xbf16, #tpu.memory_space<vmem>>, vector<32xbf16>,
        %parallel_loop3A_660 = arith.index_cast %parallel_loop3A_635 : i32 to index
        %parallel_loop3A_661 = arith.constant 96 : index
        %parallel_loop3A_662 = tpu.vector_load %arg10[%parallel_loop3A_660, %parallel_loop3A_661] {strides = array<i32>} : memref<128x128xbf16, #tpu.memory_space<vmem>>, vector<32xbf16>,
        %parallel_loop3A_663 = arith.mulf %parallel_loop3A_659, %parallel_loop3A_662 : vector<32xbf16>
        %parallel_loop3A_664 = arith.addf %parallel_loop3A_642, %parallel_loop3A_649 : vector<32xbf16>
        %parallel_loop3A_665 = arith.addf %parallel_loop3A_656, %parallel_loop3A_663 : vector<32xbf16>
        %parallel_loop3A_666 = arith.addf %parallel_loop3A_664, %parallel_loop3A_665 : vector<32xbf16>
        %parallel_loop3A_667 = tpu.unpack_subelements %parallel_loop3A_666, 0 {pack_format = #tpu.pack_format<interleaved>} : vector<32xbf16> -> vector<16xf32>
        %parallel_loop3A_668 = tpu.unpack_subelements %parallel_loop3A_666, 1 {pack_format = #tpu.pack_format<interleaved>} : vector<32xbf16> -> vector<16xf32>
        %parallel_loop3A_669 = arith.addf %parallel_loop3A_667, %parallel_loop3A_668 : vector<16xf32>
        %parallel_loop3A_670 = arith.constant 12 : i32
        %parallel_loop3A_671 = arith.index_cast %parallel_loop3A_111 : i32 to index
        %parallel_loop3A_672 = arith.index_cast %parallel_loop3A_670 : i32 to index
        %parallel_loop3A_673 = arith.constant 0 : index
        %parallel_loop3A_674 = tpu.vector_load %arg12[%parallel_loop3A_671, %parallel_loop3A_672, %parallel_loop3A_673] {strides = array<i32>} : memref<8x16x17xf32, #tpu.memory_space<vmem>>, vector<16xf32>,
        tpu.vector_store %arg12[%parallel_loop3A_671, %parallel_loop3A_672, %parallel_loop3A_673], %parallel_loop3A_669 {strides = array<i32>} : memref<8x16x17xf32, #tpu.memory_space<vmem>>, vector<16xf32>,
        %parallel_loop3A_675 = arith.constant 16 : i32
        %parallel_loop3A_676 = arith.muli %parallel_loop3A_111, %parallel_loop3A_675 : i32
        %parallel_loop3A_677 = arith.constant 13 : i32
        %parallel_loop3A_678 = arith.addi %parallel_loop3A_676, %parallel_loop3A_677 : i32
        %parallel_loop3A_679 = arith.index_cast %parallel_loop3A_678 : i32 to index
        %parallel_loop3A_680 = arith.constant 0 : index
        %parallel_loop3A_681 = tpu.vector_load %arg8[%parallel_loop3A_679, %parallel_loop3A_680] {strides = array<i32>} : memref<128x128xbf16, #tpu.memory_space<vmem>>, vector<32xbf16>,
        %parallel_loop3A_682 = arith.index_cast %parallel_loop3A_678 : i32 to index
        %parallel_loop3A_683 = arith.constant 0 : index
        %parallel_loop3A_684 = tpu.vector_load %arg10[%parallel_loop3A_682, %parallel_loop3A_683] {strides = array<i32>} : memref<128x128xbf16, #tpu.memory_space<vmem>>, vector<32xbf16>,
        %parallel_loop3A_685 = arith.mulf %parallel_loop3A_681, %parallel_loop3A_684 : vector<32xbf16>
        %parallel_loop3A_686 = arith.index_cast %parallel_loop3A_678 : i32 to index
        %parallel_loop3A_687 = arith.constant 32 : index
        %parallel_loop3A_688 = tpu.vector_load %arg8[%parallel_loop3A_686, %parallel_loop3A_687] {strides = array<i32>} : memref<128x128xbf16, #tpu.memory_space<vmem>>, vector<32xbf16>,
        %parallel_loop3A_689 = arith.index_cast %parallel_loop3A_678 : i32 to index
        %parallel_loop3A_690 = arith.constant 32 : index
        %parallel_loop3A_691 = tpu.vector_load %arg10[%parallel_loop3A_689, %parallel_loop3A_690] {strides = array<i32>} : memref<128x128xbf16, #tpu.memory_space<vmem>>, vector<32xbf16>,
        %parallel_loop3A_692 = arith.mulf %parallel_loop3A_688, %parallel_loop3A_691 : vector<32xbf16>
        %parallel_loop3A_693 = arith.index_cast %parallel_loop3A_678 : i32 to index
        %parallel_loop3A_694 = arith.constant 64 : index
        %parallel_loop3A_695 = tpu.vector_load %arg8[%parallel_loop3A_693, %parallel_loop3A_694] {strides = array<i32>} : memref<128x128xbf16, #tpu.memory_space<vmem>>, vector<32xbf16>,
        %parallel_loop3A_696 = arith.index_cast %parallel_loop3A_678 : i32 to index
        %parallel_loop3A_697 = arith.constant 64 : index
        %parallel_loop3A_698 = tpu.vector_load %arg10[%parallel_loop3A_696, %parallel_loop3A_697] {strides = array<i32>} : memref<128x128xbf16, #tpu.memory_space<vmem>>, vector<32xbf16>,
        %parallel_loop3A_699 = arith.mulf %parallel_loop3A_695, %parallel_loop3A_698 : vector<32xbf16>
        %parallel_loop3A_700 = arith.index_cast %parallel_loop3A_678 : i32 to index
        %parallel_loop3A_701 = arith.constant 96 : index
        %parallel_loop3A_702 = tpu.vector_load %arg8[%parallel_loop3A_700, %parallel_loop3A_701] {strides = array<i32>} : memref<128x128xbf16, #tpu.memory_space<vmem>>, vector<32xbf16>,
        %parallel_loop3A_703 = arith.index_cast %parallel_loop3A_678 : i32 to index
        %parallel_loop3A_704 = arith.constant 96 : index
        %parallel_loop3A_705 = tpu.vector_load %arg10[%parallel_loop3A_703, %parallel_loop3A_704] {strides = array<i32>} : memref<128x128xbf16, #tpu.memory_space<vmem>>, vector<32xbf16>,
        %parallel_loop3A_706 = arith.mulf %parallel_loop3A_702, %parallel_loop3A_705 : vector<32xbf16>
        %parallel_loop3A_707 = arith.addf %parallel_loop3A_685, %parallel_loop3A_692 : vector<32xbf16>
        %parallel_loop3A_708 = arith.addf %parallel_loop3A_699, %parallel_loop3A_706 : vector<32xbf16>
        %parallel_loop3A_709 = arith.addf %parallel_loop3A_707, %parallel_loop3A_708 : vector<32xbf16>
        %parallel_loop3A_710 = tpu.unpack_subelements %parallel_loop3A_709, 0 {pack_format = #tpu.pack_format<interleaved>} : vector<32xbf16> -> vector<16xf32>
        %parallel_loop3A_711 = tpu.unpack_subelements %parallel_loop3A_709, 1 {pack_format = #tpu.pack_format<interleaved>} : vector<32xbf16> -> vector<16xf32>
        %parallel_loop3A_712 = arith.addf %parallel_loop3A_710, %parallel_loop3A_711 : vector<16xf32>
        %parallel_loop3A_713 = arith.constant 13 : i32
        %parallel_loop3A_714 = arith.index_cast %parallel_loop3A_111 : i32 to index
        %parallel_loop3A_715 = arith.index_cast %parallel_loop3A_713 : i32 to index
        %parallel_loop3A_716 = arith.constant 0 : index
        %parallel_loop3A_717 = tpu.vector_load %arg12[%parallel_loop3A_714, %parallel_loop3A_715, %parallel_loop3A_716] {strides = array<i32>} : memref<8x16x17xf32, #tpu.memory_space<vmem>>, vector<16xf32>,
        tpu.vector_store %arg12[%parallel_loop3A_714, %parallel_loop3A_715, %parallel_loop3A_716], %parallel_loop3A_712 {strides = array<i32>} : memref<8x16x17xf32, #tpu.memory_space<vmem>>, vector<16xf32>,
        %parallel_loop3A_718 = arith.constant 16 : i32
        %parallel_loop3A_719 = arith.muli %parallel_loop3A_111, %parallel_loop3A_718 : i32
        %parallel_loop3A_720 = arith.constant 14 : i32
        %parallel_loop3A_721 = arith.addi %parallel_loop3A_719, %parallel_loop3A_720 : i32
        %parallel_loop3A_722 = arith.index_cast %parallel_loop3A_721 : i32 to index
        %parallel_loop3A_723 = arith.constant 0 : index
        %parallel_loop3A_724 = tpu.vector_load %arg8[%parallel_loop3A_722, %parallel_loop3A_723] {strides = array<i32>} : memref<128x128xbf16, #tpu.memory_space<vmem>>, vector<32xbf16>,
        %parallel_loop3A_725 = arith.index_cast %parallel_loop3A_721 : i32 to index
        %parallel_loop3A_726 = arith.constant 0 : index
        %parallel_loop3A_727 = tpu.vector_load %arg10[%parallel_loop3A_725, %parallel_loop3A_726] {strides = array<i32>} : memref<128x128xbf16, #tpu.memory_space<vmem>>, vector<32xbf16>,
        %parallel_loop3A_728 = arith.mulf %parallel_loop3A_724, %parallel_loop3A_727 : vector<32xbf16>
        %parallel_loop3A_729 = arith.index_cast %parallel_loop3A_721 : i32 to index
        %parallel_loop3A_730 = arith.constant 32 : index
        %parallel_loop3A_731 = tpu.vector_load %arg8[%parallel_loop3A_729, %parallel_loop3A_730] {strides = array<i32>} : memref<128x128xbf16, #tpu.memory_space<vmem>>, vector<32xbf16>,
        %parallel_loop3A_732 = arith.index_cast %parallel_loop3A_721 : i32 to index
        %parallel_loop3A_733 = arith.constant 32 : index
        %parallel_loop3A_734 = tpu.vector_load %arg10[%parallel_loop3A_732, %parallel_loop3A_733] {strides = array<i32>} : memref<128x128xbf16, #tpu.memory_space<vmem>>, vector<32xbf16>,
        %parallel_loop3A_735 = arith.mulf %parallel_loop3A_731, %parallel_loop3A_734 : vector<32xbf16>
        %parallel_loop3A_736 = arith.index_cast %parallel_loop3A_721 : i32 to index
        %parallel_loop3A_737 = arith.constant 64 : index
        %parallel_loop3A_738 = tpu.vector_load %arg8[%parallel_loop3A_736, %parallel_loop3A_737] {strides = array<i32>} : memref<128x128xbf16, #tpu.memory_space<vmem>>, vector<32xbf16>,
        %parallel_loop3A_739 = arith.index_cast %parallel_loop3A_721 : i32 to index
        %parallel_loop3A_740 = arith.constant 64 : index
        %parallel_loop3A_741 = tpu.vector_load %arg10[%parallel_loop3A_739, %parallel_loop3A_740] {strides = array<i32>} : memref<128x128xbf16, #tpu.memory_space<vmem>>, vector<32xbf16>,
        %parallel_loop3A_742 = arith.mulf %parallel_loop3A_738, %parallel_loop3A_741 : vector<32xbf16>
        %parallel_loop3A_743 = arith.index_cast %parallel_loop3A_721 : i32 to index
        %parallel_loop3A_744 = arith.constant 96 : index
        %parallel_loop3A_745 = tpu.vector_load %arg8[%parallel_loop3A_743, %parallel_loop3A_744] {strides = array<i32>} : memref<128x128xbf16, #tpu.memory_space<vmem>>, vector<32xbf16>,
        %parallel_loop3A_746 = arith.index_cast %parallel_loop3A_721 : i32 to index
        %parallel_loop3A_747 = arith.constant 96 : index
        %parallel_loop3A_748 = tpu.vector_load %arg10[%parallel_loop3A_746, %parallel_loop3A_747] {strides = array<i32>} : memref<128x128xbf16, #tpu.memory_space<vmem>>, vector<32xbf16>,
        %parallel_loop3A_749 = arith.mulf %parallel_loop3A_745, %parallel_loop3A_748 : vector<32xbf16>
        %parallel_loop3A_750 = arith.addf %parallel_loop3A_728, %parallel_loop3A_735 : vector<32xbf16>
        %parallel_loop3A_751 = arith.addf %parallel_loop3A_742, %parallel_loop3A_749 : vector<32xbf16>
        %parallel_loop3A_752 = arith.addf %parallel_loop3A_750, %parallel_loop3A_751 : vector<32xbf16>
        %parallel_loop3A_753 = tpu.unpack_subelements %parallel_loop3A_752, 0 {pack_format = #tpu.pack_format<interleaved>} : vector<32xbf16> -> vector<16xf32>
        %parallel_loop3A_754 = tpu.unpack_subelements %parallel_loop3A_752, 1 {pack_format = #tpu.pack_format<interleaved>} : vector<32xbf16> -> vector<16xf32>
        %parallel_loop3A_755 = arith.addf %parallel_loop3A_753, %parallel_loop3A_754 : vector<16xf32>
        %parallel_loop3A_756 = arith.constant 14 : i32
        %parallel_loop3A_757 = arith.index_cast %parallel_loop3A_111 : i32 to index
        %parallel_loop3A_758 = arith.index_cast %parallel_loop3A_756 : i32 to index
        %parallel_loop3A_759 = arith.constant 0 : index
        %parallel_loop3A_760 = tpu.vector_load %arg12[%parallel_loop3A_757, %parallel_loop3A_758, %parallel_loop3A_759] {strides = array<i32>} : memref<8x16x17xf32, #tpu.memory_space<vmem>>, vector<16xf32>,
        tpu.vector_store %arg12[%parallel_loop3A_757, %parallel_loop3A_758, %parallel_loop3A_759], %parallel_loop3A_755 {strides = array<i32>} : memref<8x16x17xf32, #tpu.memory_space<vmem>>, vector<16xf32>,
        %parallel_loop3A_761 = arith.constant 16 : i32
        %parallel_loop3A_762 = arith.muli %parallel_loop3A_111, %parallel_loop3A_761 : i32
        %parallel_loop3A_763 = arith.constant 15 : i32
        %parallel_loop3A_764 = arith.addi %parallel_loop3A_762, %parallel_loop3A_763 : i32
        %parallel_loop3A_765 = arith.index_cast %parallel_loop3A_764 : i32 to index
        %parallel_loop3A_766 = arith.constant 0 : index
        %parallel_loop3A_767 = tpu.vector_load %arg8[%parallel_loop3A_765, %parallel_loop3A_766] {strides = array<i32>} : memref<128x128xbf16, #tpu.memory_space<vmem>>, vector<32xbf16>,
        %parallel_loop3A_768 = arith.index_cast %parallel_loop3A_764 : i32 to index
        %parallel_loop3A_769 = arith.constant 0 : index
        %parallel_loop3A_770 = tpu.vector_load %arg10[%parallel_loop3A_768, %parallel_loop3A_769] {strides = array<i32>} : memref<128x128xbf16, #tpu.memory_space<vmem>>, vector<32xbf16>,
        %parallel_loop3A_771 = arith.mulf %parallel_loop3A_767, %parallel_loop3A_770 : vector<32xbf16>
        %parallel_loop3A_772 = arith.index_cast %parallel_loop3A_764 : i32 to index
        %parallel_loop3A_773 = arith.constant 32 : index
        %parallel_loop3A_774 = tpu.vector_load %arg8[%parallel_loop3A_772, %parallel_loop3A_773] {strides = array<i32>} : memref<128x128xbf16, #tpu.memory_space<vmem>>, vector<32xbf16>,
        %parallel_loop3A_775 = arith.index_cast %parallel_loop3A_764 : i32 to index
        %parallel_loop3A_776 = arith.constant 32 : index
        %parallel_loop3A_777 = tpu.vector_load %arg10[%parallel_loop3A_775, %parallel_loop3A_776] {strides = array<i32>} : memref<128x128xbf16, #tpu.memory_space<vmem>>, vector<32xbf16>,
        %parallel_loop3A_778 = arith.mulf %parallel_loop3A_774, %parallel_loop3A_777 : vector<32xbf16>
        %parallel_loop3A_779 = arith.index_cast %parallel_loop3A_764 : i32 to index
        %parallel_loop3A_780 = arith.constant 64 : index
        %parallel_loop3A_781 = tpu.vector_load %arg8[%parallel_loop3A_779, %parallel_loop3A_780] {strides = array<i32>} : memref<128x128xbf16, #tpu.memory_space<vmem>>, vector<32xbf16>,
        %parallel_loop3A_782 = arith.index_cast %parallel_loop3A_764 : i32 to index
        %parallel_loop3A_783 = arith.constant 64 : index
        %parallel_loop3A_784 = tpu.vector_load %arg10[%parallel_loop3A_782, %parallel_loop3A_783] {strides = array<i32>} : memref<128x128xbf16, #tpu.memory_space<vmem>>, vector<32xbf16>,
        %parallel_loop3A_785 = arith.mulf %parallel_loop3A_781, %parallel_loop3A_784 : vector<32xbf16>
        %parallel_loop3A_786 = arith.index_cast %parallel_loop3A_764 : i32 to index
        %parallel_loop3A_787 = arith.constant 96 : index
        %parallel_loop3A_788 = tpu.vector_load %arg8[%parallel_loop3A_786, %parallel_loop3A_787] {strides = array<i32>} : memref<128x128xbf16, #tpu.memory_space<vmem>>, vector<32xbf16>,
        %parallel_loop3A_789 = arith.index_cast %parallel_loop3A_764 : i32 to index
        %parallel_loop3A_790 = arith.constant 96 : index
        %parallel_loop3A_791 = tpu.vector_load %arg10[%parallel_loop3A_789, %parallel_loop3A_790] {strides = array<i32>} : memref<128x128xbf16, #tpu.memory_space<vmem>>, vector<32xbf16>,
        %parallel_loop3A_792 = arith.mulf %parallel_loop3A_788, %parallel_loop3A_791 : vector<32xbf16>
        %parallel_loop3A_793 = arith.addf %parallel_loop3A_771, %parallel_loop3A_778 : vector<32xbf16>
        %parallel_loop3A_794 = arith.addf %parallel_loop3A_785, %parallel_loop3A_792 : vector<32xbf16>
        %parallel_loop3A_795 = arith.addf %parallel_loop3A_793, %parallel_loop3A_794 : vector<32xbf16>
        %parallel_loop3A_796 = tpu.unpack_subelements %parallel_loop3A_795, 0 {pack_format = #tpu.pack_format<interleaved>} : vector<32xbf16> -> vector<16xf32>
        %parallel_loop3A_797 = tpu.unpack_subelements %parallel_loop3A_795, 1 {pack_format = #tpu.pack_format<interleaved>} : vector<32xbf16> -> vector<16xf32>
        %parallel_loop3A_798 = arith.addf %parallel_loop3A_796, %parallel_loop3A_797 : vector<16xf32>
        %parallel_loop3A_799 = arith.constant 15 : i32
        %parallel_loop3A_800 = arith.index_cast %parallel_loop3A_111 : i32 to index
        %parallel_loop3A_801 = arith.index_cast %parallel_loop3A_799 : i32 to index
        %parallel_loop3A_802 = arith.constant 0 : index
        %parallel_loop3A_803 = tpu.vector_load %arg12[%parallel_loop3A_800, %parallel_loop3A_801, %parallel_loop3A_802] {strides = array<i32>} : memref<8x16x17xf32, #tpu.memory_space<vmem>>, vector<16xf32>,
        tpu.vector_store %arg12[%parallel_loop3A_800, %parallel_loop3A_801, %parallel_loop3A_802], %parallel_loop3A_798 {strides = array<i32>} : memref<8x16x17xf32, #tpu.memory_space<vmem>>, vector<16xf32>,
        %parallel_loop3A_804 = tpu.iota {dimensions = array<i32: 0>} : vector<16xi32>
        %parallel_loop3A_805 = arith.constant 0.000000e+00 : f32
        %parallel_loop3A_806 = vector.broadcast %parallel_loop3A_805 : f32 to vector<16xf32>
        %parallel_loop3A_807 = arith.constant 0.000000e+00 : f32
        %parallel_loop3A_808 = vector.broadcast %parallel_loop3A_807 : f32 to vector<16xf32>
        %parallel_loop3A_809 = arith.constant 0.000000e+00 : f32
        %parallel_loop3A_810 = vector.broadcast %parallel_loop3A_809 : f32 to vector<16xf32>
        %parallel_loop3A_811 = arith.constant 0.000000e+00 : f32
        %parallel_loop3A_812 = vector.broadcast %parallel_loop3A_811 : f32 to vector<16xf32>
        %parallel_loop3A_813 = arith.constant 0 : i32
        %parallel_loop3A_814 = vector.broadcast %parallel_loop3A_813 : i32 to vector<16xi32>
        %parallel_loop3A_815 = tpu.vector_load_idx %arg12[%parallel_loop3A_115, %parallel_loop3A_804, %parallel_loop3A_814] : memref<8x16x17xf32, #tpu.memory_space<vmem>>[vector<16xi32>, vector<16xi32>, vector<16xi32>], vector<16xf32>,
        %parallel_loop3A_816 = arith.addf %parallel_loop3A_806, %parallel_loop3A_815 : vector<16xf32>
        %parallel_loop3A_817 = arith.constant 1 : i32
        %parallel_loop3A_818 = vector.broadcast %parallel_loop3A_817 : i32 to vector<16xi32>
        %parallel_loop3A_819 = tpu.vector_load_idx %arg12[%parallel_loop3A_115, %parallel_loop3A_804, %parallel_loop3A_818] : memref<8x16x17xf32, #tpu.memory_space<vmem>>[vector<16xi32>, vector<16xi32>, vector<16xi32>], vector<16xf32>,
        %parallel_loop3A_820 = arith.addf %parallel_loop3A_808, %parallel_loop3A_819 : vector<16xf32>
        %parallel_loop3A_821 = arith.constant 2 : i32
        %parallel_loop3A_822 = vector.broadcast %parallel_loop3A_821 : i32 to vector<16xi32>
        %parallel_loop3A_823 = tpu.vector_load_idx %arg12[%parallel_loop3A_115, %parallel_loop3A_804, %parallel_loop3A_822] : memref<8x16x17xf32, #tpu.memory_space<vmem>>[vector<16xi32>, vector<16xi32>, vector<16xi32>], vector<16xf32>,
        %parallel_loop3A_824 = arith.addf %parallel_loop3A_810, %parallel_loop3A_823 : vector<16xf32>
        %parallel_loop3A_825 = arith.constant 3 : i32
        %parallel_loop3A_826 = vector.broadcast %parallel_loop3A_825 : i32 to vector<16xi32>
        %parallel_loop3A_827 = tpu.vector_load_idx %arg12[%parallel_loop3A_115, %parallel_loop3A_804, %parallel_loop3A_826] : memref<8x16x17xf32, #tpu.memory_space<vmem>>[vector<16xi32>, vector<16xi32>, vector<16xi32>], vector<16xf32>,
        %parallel_loop3A_828 = arith.addf %parallel_loop3A_812, %parallel_loop3A_827 : vector<16xf32>
        %parallel_loop3A_829 = arith.constant 4 : i32
        %parallel_loop3A_830 = vector.broadcast %parallel_loop3A_829 : i32 to vector<16xi32>
        %parallel_loop3A_831 = tpu.vector_load_idx %arg12[%parallel_loop3A_115, %parallel_loop3A_804, %parallel_loop3A_830] : memref<8x16x17xf32, #tpu.memory_space<vmem>>[vector<16xi32>, vector<16xi32>, vector<16xi32>], vector<16xf32>,
        %parallel_loop3A_832 = arith.addf %parallel_loop3A_816, %parallel_loop3A_831 : vector<16xf32>
        %parallel_loop3A_833 = arith.constant 5 : i32
        %parallel_loop3A_834 = vector.broadcast %parallel_loop3A_833 : i32 to vector<16xi32>
        %parallel_loop3A_835 = tpu.vector_load_idx %arg12[%parallel_loop3A_115, %parallel_loop3A_804, %parallel_loop3A_834] : memref<8x16x17xf32, #tpu.memory_space<vmem>>[vector<16xi32>, vector<16xi32>, vector<16xi32>], vector<16xf32>,
        %parallel_loop3A_836 = arith.addf %parallel_loop3A_820, %parallel_loop3A_835 : vector<16xf32>
        %parallel_loop3A_837 = arith.constant 6 : i32
        %parallel_loop3A_838 = vector.broadcast %parallel_loop3A_837 : i32 to vector<16xi32>
        %parallel_loop3A_839 = tpu.vector_load_idx %arg12[%parallel_loop3A_115, %parallel_loop3A_804, %parallel_loop3A_838] : memref<8x16x17xf32, #tpu.memory_space<vmem>>[vector<16xi32>, vector<16xi32>, vector<16xi32>], vector<16xf32>,
        %parallel_loop3A_840 = arith.addf %parallel_loop3A_824, %parallel_loop3A_839 : vector<16xf32>
        %parallel_loop3A_841 = arith.constant 7 : i32
        %parallel_loop3A_842 = vector.broadcast %parallel_loop3A_841 : i32 to vector<16xi32>
        %parallel_loop3A_843 = tpu.vector_load_idx %arg12[%parallel_loop3A_115, %parallel_loop3A_804, %parallel_loop3A_842] : memref<8x16x17xf32, #tpu.memory_space<vmem>>[vector<16xi32>, vector<16xi32>, vector<16xi32>], vector<16xf32>,
        %parallel_loop3A_844 = arith.addf %parallel_loop3A_828, %parallel_loop3A_843 : vector<16xf32>
        %parallel_loop3A_845 = arith.constant 8 : i32
        %parallel_loop3A_846 = vector.broadcast %parallel_loop3A_845 : i32 to vector<16xi32>
        %parallel_loop3A_847 = tpu.vector_load_idx %arg12[%parallel_loop3A_115, %parallel_loop3A_804, %parallel_loop3A_846] : memref<8x16x17xf32, #tpu.memory_space<vmem>>[vector<16xi32>, vector<16xi32>, vector<16xi32>], vector<16xf32>,
        %parallel_loop3A_848 = arith.addf %parallel_loop3A_832, %parallel_loop3A_847 : vector<16xf32>
        %parallel_loop3A_849 = arith.constant 9 : i32
        %parallel_loop3A_850 = vector.broadcast %parallel_loop3A_849 : i32 to vector<16xi32>
        %parallel_loop3A_851 = tpu.vector_load_idx %arg12[%parallel_loop3A_115, %parallel_loop3A_804, %parallel_loop3A_850] : memref<8x16x17xf32, #tpu.memory_space<vmem>>[vector<16xi32>, vector<16xi32>, vector<16xi32>], vector<16xf32>,
        %parallel_loop3A_852 = arith.addf %parallel_loop3A_836, %parallel_loop3A_851 : vector<16xf32>
        %parallel_loop3A_853 = arith.constant 10 : i32
        %parallel_loop3A_854 = vector.broadcast %parallel_loop3A_853 : i32 to vector<16xi32>
        %parallel_loop3A_855 = tpu.vector_load_idx %arg12[%parallel_loop3A_115, %parallel_loop3A_804, %parallel_loop3A_854] : memref<8x16x17xf32, #tpu.memory_space<vmem>>[vector<16xi32>, vector<16xi32>, vector<16xi32>], vector<16xf32>,
        %parallel_loop3A_856 = arith.addf %parallel_loop3A_840, %parallel_loop3A_855 : vector<16xf32>
        %parallel_loop3A_857 = arith.constant 11 : i32
        %parallel_loop3A_858 = vector.broadcast %parallel_loop3A_857 : i32 to vector<16xi32>
        %parallel_loop3A_859 = tpu.vector_load_idx %arg12[%parallel_loop3A_115, %parallel_loop3A_804, %parallel_loop3A_858] : memref<8x16x17xf32, #tpu.memory_space<vmem>>[vector<16xi32>, vector<16xi32>, vector<16xi32>], vector<16xf32>,
        %parallel_loop3A_860 = arith.addf %parallel_loop3A_844, %parallel_loop3A_859 : vector<16xf32>
        %parallel_loop3A_861 = arith.constant 12 : i32
        %parallel_loop3A_862 = vector.broadcast %parallel_loop3A_861 : i32 to vector<16xi32>
        %parallel_loop3A_863 = tpu.vector_load_idx %arg12[%parallel_loop3A_115, %parallel_loop3A_804, %parallel_loop3A_862] : memref<8x16x17xf32, #tpu.memory_space<vmem>>[vector<16xi32>, vector<16xi32>, vector<16xi32>], vector<16xf32>,
        %parallel_loop3A_864 = arith.addf %parallel_loop3A_848, %parallel_loop3A_863 : vector<16xf32>
        %parallel_loop3A_865 = arith.constant 13 : i32
        %parallel_loop3A_866 = vector.broadcast %parallel_loop3A_865 : i32 to vector<16xi32>
        %parallel_loop3A_867 = tpu.vector_load_idx %arg12[%parallel_loop3A_115, %parallel_loop3A_804, %parallel_loop3A_866] : memref<8x16x17xf32, #tpu.memory_space<vmem>>[vector<16xi32>, vector<16xi32>, vector<16xi32>], vector<16xf32>,
        %parallel_loop3A_868 = arith.addf %parallel_loop3A_852, %parallel_loop3A_867 : vector<16xf32>
        %parallel_loop3A_869 = arith.constant 14 : i32
        %parallel_loop3A_870 = vector.broadcast %parallel_loop3A_869 : i32 to vector<16xi32>
        %parallel_loop3A_871 = tpu.vector_load_idx %arg12[%parallel_loop3A_115, %parallel_loop3A_804, %parallel_loop3A_870] : memref<8x16x17xf32, #tpu.memory_space<vmem>>[vector<16xi32>, vector<16xi32>, vector<16xi32>], vector<16xf32>,
        %parallel_loop3A_872 = arith.addf %parallel_loop3A_856, %parallel_loop3A_871 : vector<16xf32>
        %parallel_loop3A_873 = arith.constant 15 : i32
        %parallel_loop3A_874 = vector.broadcast %parallel_loop3A_873 : i32 to vector<16xi32>
        %parallel_loop3A_875 = tpu.vector_load_idx %arg12[%parallel_loop3A_115, %parallel_loop3A_804, %parallel_loop3A_874] : memref<8x16x17xf32, #tpu.memory_space<vmem>>[vector<16xi32>, vector<16xi32>, vector<16xi32>], vector<16xf32>,
        %parallel_loop3A_876 = arith.addf %parallel_loop3A_860, %parallel_loop3A_875 : vector<16xf32>
        %parallel_loop3A_877 = arith.addf %parallel_loop3A_864, %parallel_loop3A_868 : vector<16xf32>
        %parallel_loop3A_878 = arith.addf %parallel_loop3A_872, %parallel_loop3A_876 : vector<16xf32>
        %parallel_loop3A_879 = arith.addf %parallel_loop3A_877, %parallel_loop3A_878 : vector<16xf32>
        %parallel_loop3A_880 = arith.constant 16 : i32
        %parallel_loop3A_881 = arith.muli %parallel_loop3A_111, %parallel_loop3A_880 : i32
        %parallel_loop3A_882 = arith.addi %min3A_79, %parallel_loop3A_881 : i32
        %parallel_loop3A_883 = arith.index_cast %parallel_loop3A_882 : i32 to index
        %parallel_loop3A_884 = tpu.vector_load %arg13[%parallel_loop3A_883] {strides = array<i32>} : memref<10000xf32, #tpu.memory_space<vmem>>, vector<16xf32>,
        tpu.vector_store %arg13[%parallel_loop3A_883], %parallel_loop3A_879 {strides = array<i32>} : memref<10000xf32, #tpu.memory_space<vmem>>, vector<16xf32>,
      } {sc.loop_unroll_factor = 2 : i64, sc.parallel_access}
      %add3A_82 = arith.constant 2 : i32
      %add3A_83 = arith.addi %mul3A_36, %add3A_82 : i32
      %lt3A = arith.constant 80 : i32
      %lt3A_84 = arith.cmpi slt, %add3A_83, %lt3A : i32
      %convert_element_type3A = arith.extui %lt3A_84 : i1 to i32
      %cond3A = arith.constant 0 : i32
      %cond3A_85 = arith.cmpi ne, %convert_element_type3A, %cond3A : i32
      scf.if %cond3A_85 {
        %add3A_111 = arith.constant 2 : i32
        %add3A_112 = arith.addi %mul3A_36, %add3A_111 : i32
        %mul3A_113 = arith.constant 128 : i32
        %mul3A_114 = arith.muli %add3A_112, %mul3A_113 : i32
        %min3A_115 = arith.constant 9872 : i32
        %min3A_116 = arith.minsi %mul3A_114, %min3A_115 : i32
        %dma_start3A_117 = arith.constant 0 : i32
        %dma_start3A_118 = arith.constant 0 : i32
        %dma_start3A_119 = tpu.memref_slice %arg8[%dma_start3A_117, %dma_start3A_118] : memref<128x128xbf16, #tpu.memory_space<vmem>> -> memref<128x128xbf16, #tpu.memory_space<vmem>>
        %dma_start3A_120 = tpu.memref_slice %arg6[%min3A_116] : memref<10000xi32, #tpu.memory_space<vmem>> -> memref<128xi32, #tpu.memory_space<vmem>>
        %dma_start3A_121 = arith.constant 0 : i32
        %dma_start3A_122 = tpu.memref_slice %dma_start3A_120[%dma_start3A_121] : memref<128xi32, #tpu.memory_space<vmem>> -> memref<128xi32, #tpu.memory_space<vmem>>
        %dma_start3A_123 = arith.constant 0 : i32
        %dma_start3A_124 = arith.constant 0 : i32
        %dma_start3A_125 = tpu.memref_slice %arg14[%dma_start3A_123, %dma_start3A_124] : memref<10000x128xbf16, #tpu.memory_space<vmem_shared>> -> memref<10000x128xbf16, #tpu.memory_space<vmem_shared>>
        tpu.enqueue_indirect_dma source(%dma_start3A_125 : memref<10000x128xbf16, #tpu.memory_space<vmem_shared>>) target(%dma_start3A_119 : memref<128x128xbf16, #tpu.memory_space<vmem>>) offsets(%dma_start3A_122 : memref<128xi32, #tpu.memory_space<vmem>>) semaphore(%arg15 : memref<!tpu.dma_semaphore, #tpu.memory_space<semaphore_mem>>)
        %dma_start3A_126 = arith.constant 0 : i32
        %dma_start3A_127 = arith.constant 0 : i32
        %dma_start3A_128 = tpu.memref_slice %arg10[%dma_start3A_126, %dma_start3A_127] : memref<128x128xbf16, #tpu.memory_space<vmem>> -> memref<128x128xbf16, #tpu.memory_space<vmem>>
        %dma_start3A_129 = tpu.memref_slice %arg7[%min3A_116] : memref<10000xi32, #tpu.memory_space<vmem>> -> memref<128xi32, #tpu.memory_space<vmem>>
        %dma_start3A_130 = arith.constant 0 : i32
        %dma_start3A_131 = tpu.memref_slice %dma_start3A_129[%dma_start3A_130] : memref<128xi32, #tpu.memory_space<vmem>> -> memref<128xi32, #tpu.memory_space<vmem>>
        %dma_start3A_132 = arith.constant 0 : i32
        %dma_start3A_133 = arith.constant 0 : i32
        %dma_start3A_134 = tpu.memref_slice %arg14[%dma_start3A_132, %dma_start3A_133] : memref<10000x128xbf16, #tpu.memory_space<vmem_shared>> -> memref<10000x128xbf16, #tpu.memory_space<vmem_shared>>
        tpu.enqueue_indirect_dma source(%dma_start3A_134 : memref<10000x128xbf16, #tpu.memory_space<vmem_shared>>) target(%dma_start3A_128 : memref<128x128xbf16, #tpu.memory_space<vmem>>) offsets(%dma_start3A_131 : memref<128xi32, #tpu.memory_space<vmem>>) semaphore(%arg15 : memref<!tpu.dma_semaphore, #tpu.memory_space<semaphore_mem>>)
      } else {
      }
      %dma_wait3A_86 = arith.constant 0 : i32
      %dma_wait3A_87 = arith.constant 0 : i32
      %dma_wait3A_88 = tpu.memref_slice %arg9[%dma_wait3A_86, %dma_wait3A_87] : memref<128x128xbf16, #tpu.memory_space<vmem>> -> memref<128x128xbf16, #tpu.memory_space<vmem>>
      %dma_wait3A_89 = arith.constant 0 : i32
      %dma_wait3A_90 = tpu.memref_slice %arg6[%dma_wait3A_89] : memref<10000xi32, #tpu.memory_space<vmem>> -> memref<128xi32, #tpu.memory_space<vmem>>
      %dma_wait3A_91 = arith.constant 0 : i32
      %dma_wait3A_92 = arith.constant 0 : i32
      %dma_wait3A_93 = tpu.memref_slice %arg14[%dma_wait3A_91, %dma_wait3A_92] : memref<10000x128xbf16, #tpu.memory_space<vmem_shared>> -> memref<10000x128xbf16, #tpu.memory_space<vmem_shared>>
      tpu.wait_indirect_dma semaphore(%arg16 : memref<!tpu.dma_semaphore, #tpu.memory_space<semaphore_mem>>) src(%dma_wait3A_93 : memref<10000x128xbf16, #tpu.memory_space<vmem_shared>>) dst(%dma_wait3A_88 : memref<128x128xbf16, #tpu.memory_space<vmem>>)
      %dma_wait3A_94 = arith.constant 0 : i32
      %dma_wait3A_95 = arith.constant 0 : i32
      %dma_wait3A_96 = tpu.memref_slice %arg11[%dma_wait3A_94, %dma_wait3A_95] : memref<128x128xbf16, #tpu.memory_space<vmem>> -> memref<128x128xbf16, #tpu.memory_space<vmem>>
      %dma_wait3A_97 = arith.constant 0 : i32
      %dma_wait3A_98 = tpu.memref_slice %arg7[%dma_wait3A_97] : memref<10000xi32, #tpu.memory_space<vmem>> -> memref<128xi32, #tpu.memory_space<vmem>>
      %dma_wait3A_99 = arith.constant 0 : i32
      %dma_wait3A_100 = arith.constant 0 : i32
      %dma_wait3A_101 = tpu.memref_slice %arg14[%dma_wait3A_99, %dma_wait3A_100] : memref<10000x128xbf16, #tpu.memory_space<vmem_shared>> -> memref<10000x128xbf16, #tpu.memory_space<vmem_shared>>
      tpu.wait_indirect_dma semaphore(%arg16 : memref<!tpu.dma_semaphore, #tpu.memory_space<semaphore_mem>>) src(%dma_wait3A_101 : memref<10000x128xbf16, #tpu.memory_space<vmem_shared>>) dst(%dma_wait3A_96 : memref<128x128xbf16, #tpu.memory_space<vmem>>)
      %add3A_102 = arith.constant 1 : i32
      %add3A_103 = arith.addi %mul3A_36, %add3A_102 : i32
      %mul3A_104 = arith.constant 128 : i32
      %mul3A_105 = arith.muli %add3A_103, %mul3A_104 : i32
      %min3A_106 = arith.constant 9872 : i32
      %min3A_107 = arith.minsi %mul3A_105, %min3A_106 : i32
      %parallel_loop3A_108 = arith.constant 0 : i32
      %parallel_loop3A_109 = arith.constant 8 : i32
      %parallel_loop3A_110 = arith.constant 1 : i32
      scf.for %parallel_loop3A_111 = %parallel_loop3A_108 to %parallel_loop3A_109 step %parallel_loop3A_110  : i32 {
        %parallel_loop3A_112 = arith.constant 0 : i32
        %parallel_loop3A_113 = vector.broadcast %parallel_loop3A_112 : i32 to vector<16xi32>
        %parallel_loop3A_114 = vector.broadcast %parallel_loop3A_111 : i32 to vector<16xi32>
        %parallel_loop3A_115 = arith.addi %parallel_loop3A_113, %parallel_loop3A_114 : vector<16xi32>
        %parallel_loop3A_116 = arith.constant 16 : i32
        %parallel_loop3A_117 = arith.muli %parallel_loop3A_111, %parallel_loop3A_116 : i32
        %parallel_loop3A_118 = arith.constant 0 : i32
        %parallel_loop3A_119 = arith.addi %parallel_loop3A_117, %parallel_loop3A_118 : i32
        %parallel_loop3A_120 = arith.index_cast %parallel_loop3A_119 : i32 to index
        %parallel_loop3A_121 = arith.constant 0 : index
        %parallel_loop3A_122 = tpu.vector_load %arg9[%parallel_loop3A_120, %parallel_loop3A_121] {strides = array<i32>} : memref<128x128xbf16, #tpu.memory_space<vmem>>, vector<32xbf16>,
        %parallel_loop3A_123 = arith.index_cast %parallel_loop3A_119 : i32 to index
        %parallel_loop3A_124 = arith.constant 0 : index
        %parallel_loop3A_125 = tpu.vector_load %arg11[%parallel_loop3A_123, %parallel_loop3A_124] {strides = array<i32>} : memref<128x128xbf16, #tpu.memory_space<vmem>>, vector<32xbf16>,
        %parallel_loop3A_126 = arith.mulf %parallel_loop3A_122, %parallel_loop3A_125 : vector<32xbf16>
        %parallel_loop3A_127 = arith.index_cast %parallel_loop3A_119 : i32 to index
        %parallel_loop3A_128 = arith.constant 32 : index
        %parallel_loop3A_129 = tpu.vector_load %arg9[%parallel_loop3A_127, %parallel_loop3A_128] {strides = array<i32>} : memref<128x128xbf16, #tpu.memory_space<vmem>>, vector<32xbf16>,
        %parallel_loop3A_130 = arith.index_cast %parallel_loop3A_119 : i32 to index
        %parallel_loop3A_131 = arith.constant 32 : index
        %parallel_loop3A_132 = tpu.vector_load %arg11[%parallel_loop3A_130, %parallel_loop3A_131] {strides = array<i32>} : memref<128x128xbf16, #tpu.memory_space<vmem>>, vector<32xbf16>,
        %parallel_loop3A_133 = arith.mulf %parallel_loop3A_129, %parallel_loop3A_132 : vector<32xbf16>
        %parallel_loop3A_134 = arith.index_cast %parallel_loop3A_119 : i32 to index
        %parallel_loop3A_135 = arith.constant 64 : index
        %parallel_loop3A_136 = tpu.vector_load %arg9[%parallel_loop3A_134, %parallel_loop3A_135] {strides = array<i32>} : memref<128x128xbf16, #tpu.memory_space<vmem>>, vector<32xbf16>,
        %parallel_loop3A_137 = arith.index_cast %parallel_loop3A_119 : i32 to index
        %parallel_loop3A_138 = arith.constant 64 : index
        %parallel_loop3A_139 = tpu.vector_load %arg11[%parallel_loop3A_137, %parallel_loop3A_138] {strides = array<i32>} : memref<128x128xbf16, #tpu.memory_space<vmem>>, vector<32xbf16>,
        %parallel_loop3A_140 = arith.mulf %parallel_loop3A_136, %parallel_loop3A_139 : vector<32xbf16>
        %parallel_loop3A_141 = arith.index_cast %parallel_loop3A_119 : i32 to index
        %parallel_loop3A_142 = arith.constant 96 : index
        %parallel_loop3A_143 = tpu.vector_load %arg9[%parallel_loop3A_141, %parallel_loop3A_142] {strides = array<i32>} : memref<128x128xbf16, #tpu.memory_space<vmem>>, vector<32xbf16>,
        %parallel_loop3A_144 = arith.index_cast %parallel_loop3A_119 : i32 to index
        %parallel_loop3A_145 = arith.constant 96 : index
        %parallel_loop3A_146 = tpu.vector_load %arg11[%parallel_loop3A_144, %parallel_loop3A_145] {strides = array<i32>} : memref<128x128xbf16, #tpu.memory_space<vmem>>, vector<32xbf16>,
        %parallel_loop3A_147 = arith.mulf %parallel_loop3A_143, %parallel_loop3A_146 : vector<32xbf16>
        %parallel_loop3A_148 = arith.addf %parallel_loop3A_126, %parallel_loop3A_133 : vector<32xbf16>
        %parallel_loop3A_149 = arith.addf %parallel_loop3A_140, %parallel_loop3A_147 : vector<32xbf16>
        %parallel_loop3A_150 = arith.addf %parallel_loop3A_148, %parallel_loop3A_149 : vector<32xbf16>
        %parallel_loop3A_151 = tpu.unpack_subelements %parallel_loop3A_150, 0 {pack_format = #tpu.pack_format<interleaved>} : vector<32xbf16> -> vector<16xf32>
        %parallel_loop3A_152 = tpu.unpack_subelements %parallel_loop3A_150, 1 {pack_format = #tpu.pack_format<interleaved>} : vector<32xbf16> -> vector<16xf32>
        %parallel_loop3A_153 = arith.addf %parallel_loop3A_151, %parallel_loop3A_152 : vector<16xf32>
        %parallel_loop3A_154 = arith.constant 0 : i32
        %parallel_loop3A_155 = arith.index_cast %parallel_loop3A_111 : i32 to index
        %parallel_loop3A_156 = arith.index_cast %parallel_loop3A_154 : i32 to index
        %parallel_loop3A_157 = arith.constant 0 : index
        %parallel_loop3A_158 = tpu.vector_load %arg12[%parallel_loop3A_155, %parallel_loop3A_156, %parallel_loop3A_157] {strides = array<i32>} : memref<8x16x17xf32, #tpu.memory_space<vmem>>, vector<16xf32>,
        tpu.vector_store %arg12[%parallel_loop3A_155, %parallel_loop3A_156, %parallel_loop3A_157], %parallel_loop3A_153 {strides = array<i32>} : memref<8x16x17xf32, #tpu.memory_space<vmem>>, vector<16xf32>,
        %parallel_loop3A_159 = arith.constant 16 : i32
        %parallel_loop3A_160 = arith.muli %parallel_loop3A_111, %parallel_loop3A_159 : i32
        %parallel_loop3A_161 = arith.constant 1 : i32
        %parallel_loop3A_162 = arith.addi %parallel_loop3A_160, %parallel_loop3A_161 : i32
        %parallel_loop3A_163 = arith.index_cast %parallel_loop3A_162 : i32 to index
        %parallel_loop3A_164 = arith.constant 0 : index
        %parallel_loop3A_165 = tpu.vector_load %arg9[%parallel_loop3A_163, %parallel_loop3A_164] {strides = array<i32>} : memref<128x128xbf16, #tpu.memory_space<vmem>>, vector<32xbf16>,
        %parallel_loop3A_166 = arith.index_cast %parallel_loop3A_162 : i32 to index
        %parallel_loop3A_167 = arith.constant 0 : index
        %parallel_loop3A_168 = tpu.vector_load %arg11[%parallel_loop3A_166, %parallel_loop3A_167] {strides = array<i32>} : memref<128x128xbf16, #tpu.memory_space<vmem>>, vector<32xbf16>,
        %parallel_loop3A_169 = arith.mulf %parallel_loop3A_165, %parallel_loop3A_168 : vector<32xbf16>
        %parallel_loop3A_170 = arith.index_cast %parallel_loop3A_162 : i32 to index
        %parallel_loop3A_171 = arith.constant 32 : index
        %parallel_loop3A_172 = tpu.vector_load %arg9[%parallel_loop3A_170, %parallel_loop3A_171] {strides = array<i32>} : memref<128x128xbf16, #tpu.memory_space<vmem>>, vector<32xbf16>,
        %parallel_loop3A_173 = arith.index_cast %parallel_loop3A_162 : i32 to index
        %parallel_loop3A_174 = arith.constant 32 : index
        %parallel_loop3A_175 = tpu.vector_load %arg11[%parallel_loop3A_173, %parallel_loop3A_174] {strides = array<i32>} : memref<128x128xbf16, #tpu.memory_space<vmem>>, vector<32xbf16>,
        %parallel_loop3A_176 = arith.mulf %parallel_loop3A_172, %parallel_loop3A_175 : vector<32xbf16>
        %parallel_loop3A_177 = arith.index_cast %parallel_loop3A_162 : i32 to index
        %parallel_loop3A_178 = arith.constant 64 : index
        %parallel_loop3A_179 = tpu.vector_load %arg9[%parallel_loop3A_177, %parallel_loop3A_178] {strides = array<i32>} : memref<128x128xbf16, #tpu.memory_space<vmem>>, vector<32xbf16>,
        %parallel_loop3A_180 = arith.index_cast %parallel_loop3A_162 : i32 to index
        %parallel_loop3A_181 = arith.constant 64 : index
        %parallel_loop3A_182 = tpu.vector_load %arg11[%parallel_loop3A_180, %parallel_loop3A_181] {strides = array<i32>} : memref<128x128xbf16, #tpu.memory_space<vmem>>, vector<32xbf16>,
        %parallel_loop3A_183 = arith.mulf %parallel_loop3A_179, %parallel_loop3A_182 : vector<32xbf16>
        %parallel_loop3A_184 = arith.index_cast %parallel_loop3A_162 : i32 to index
        %parallel_loop3A_185 = arith.constant 96 : index
        %parallel_loop3A_186 = tpu.vector_load %arg9[%parallel_loop3A_184, %parallel_loop3A_185] {strides = array<i32>} : memref<128x128xbf16, #tpu.memory_space<vmem>>, vector<32xbf16>,
        %parallel_loop3A_187 = arith.index_cast %parallel_loop3A_162 : i32 to index
        %parallel_loop3A_188 = arith.constant 96 : index
        %parallel_loop3A_189 = tpu.vector_load %arg11[%parallel_loop3A_187, %parallel_loop3A_188] {strides = array<i32>} : memref<128x128xbf16, #tpu.memory_space<vmem>>, vector<32xbf16>,
        %parallel_loop3A_190 = arith.mulf %parallel_loop3A_186, %parallel_loop3A_189 : vector<32xbf16>
        %parallel_loop3A_191 = arith.addf %parallel_loop3A_169, %parallel_loop3A_176 : vector<32xbf16>
        %parallel_loop3A_192 = arith.addf %parallel_loop3A_183, %parallel_loop3A_190 : vector<32xbf16>
        %parallel_loop3A_193 = arith.addf %parallel_loop3A_191, %parallel_loop3A_192 : vector<32xbf16>
        %parallel_loop3A_194 = tpu.unpack_subelements %parallel_loop3A_193, 0 {pack_format = #tpu.pack_format<interleaved>} : vector<32xbf16> -> vector<16xf32>
        %parallel_loop3A_195 = tpu.unpack_subelements %parallel_loop3A_193, 1 {pack_format = #tpu.pack_format<interleaved>} : vector<32xbf16> -> vector<16xf32>
        %parallel_loop3A_196 = arith.addf %parallel_loop3A_194, %parallel_loop3A_195 : vector<16xf32>
        %parallel_loop3A_197 = arith.constant 1 : i32
        %parallel_loop3A_198 = arith.index_cast %parallel_loop3A_111 : i32 to index
        %parallel_loop3A_199 = arith.index_cast %parallel_loop3A_197 : i32 to index
        %parallel_loop3A_200 = arith.constant 0 : index
        %parallel_loop3A_201 = tpu.vector_load %arg12[%parallel_loop3A_198, %parallel_loop3A_199, %parallel_loop3A_200] {strides = array<i32>} : memref<8x16x17xf32, #tpu.memory_space<vmem>>, vector<16xf32>,
        tpu.vector_store %arg12[%parallel_loop3A_198, %parallel_loop3A_199, %parallel_loop3A_200], %parallel_loop3A_196 {strides = array<i32>} : memref<8x16x17xf32, #tpu.memory_space<vmem>>, vector<16xf32>,
        %parallel_loop3A_202 = arith.constant 16 : i32
        %parallel_loop3A_203 = arith.muli %parallel_loop3A_111, %parallel_loop3A_202 : i32
        %parallel_loop3A_204 = arith.constant 2 : i32
        %parallel_loop3A_205 = arith.addi %parallel_loop3A_203, %parallel_loop3A_204 : i32
        %parallel_loop3A_206 = arith.index_cast %parallel_loop3A_205 : i32 to index
        %parallel_loop3A_207 = arith.constant 0 : index
        %parallel_loop3A_208 = tpu.vector_load %arg9[%parallel_loop3A_206, %parallel_loop3A_207] {strides = array<i32>} : memref<128x128xbf16, #tpu.memory_space<vmem>>, vector<32xbf16>,
        %parallel_loop3A_209 = arith.index_cast %parallel_loop3A_205 : i32 to index
        %parallel_loop3A_210 = arith.constant 0 : index
        %parallel_loop3A_211 = tpu.vector_load %arg11[%parallel_loop3A_209, %parallel_loop3A_210] {strides = array<i32>} : memref<128x128xbf16, #tpu.memory_space<vmem>>, vector<32xbf16>,
        %parallel_loop3A_212 = arith.mulf %parallel_loop3A_208, %parallel_loop3A_211 : vector<32xbf16>
        %parallel_loop3A_213 = arith.index_cast %parallel_loop3A_205 : i32 to index
        %parallel_loop3A_214 = arith.constant 32 : index
        %parallel_loop3A_215 = tpu.vector_load %arg9[%parallel_loop3A_213, %parallel_loop3A_214] {strides = array<i32>} : memref<128x128xbf16, #tpu.memory_space<vmem>>, vector<32xbf16>,
        %parallel_loop3A_216 = arith.index_cast %parallel_loop3A_205 : i32 to index
        %parallel_loop3A_217 = arith.constant 32 : index
        %parallel_loop3A_218 = tpu.vector_load %arg11[%parallel_loop3A_216, %parallel_loop3A_217] {strides = array<i32>} : memref<128x128xbf16, #tpu.memory_space<vmem>>, vector<32xbf16>,
        %parallel_loop3A_219 = arith.mulf %parallel_loop3A_215, %parallel_loop3A_218 : vector<32xbf16>
        %parallel_loop3A_220 = arith.index_cast %parallel_loop3A_205 : i32 to index
        %parallel_loop3A_221 = arith.constant 64 : index
        %parallel_loop3A_222 = tpu.vector_load %arg9[%parallel_loop3A_220, %parallel_loop3A_221] {strides = array<i32>} : memref<128x128xbf16, #tpu.memory_space<vmem>>, vector<32xbf16>,
        %parallel_loop3A_223 = arith.index_cast %parallel_loop3A_205 : i32 to index
        %parallel_loop3A_224 = arith.constant 64 : index
        %parallel_loop3A_225 = tpu.vector_load %arg11[%parallel_loop3A_223, %parallel_loop3A_224] {strides = array<i32>} : memref<128x128xbf16, #tpu.memory_space<vmem>>, vector<32xbf16>,
        %parallel_loop3A_226 = arith.mulf %parallel_loop3A_222, %parallel_loop3A_225 : vector<32xbf16>
        %parallel_loop3A_227 = arith.index_cast %parallel_loop3A_205 : i32 to index
        %parallel_loop3A_228 = arith.constant 96 : index
        %parallel_loop3A_229 = tpu.vector_load %arg9[%parallel_loop3A_227, %parallel_loop3A_228] {strides = array<i32>} : memref<128x128xbf16, #tpu.memory_space<vmem>>, vector<32xbf16>,
        %parallel_loop3A_230 = arith.index_cast %parallel_loop3A_205 : i32 to index
        %parallel_loop3A_231 = arith.constant 96 : index
        %parallel_loop3A_232 = tpu.vector_load %arg11[%parallel_loop3A_230, %parallel_loop3A_231] {strides = array<i32>} : memref<128x128xbf16, #tpu.memory_space<vmem>>, vector<32xbf16>,
        %parallel_loop3A_233 = arith.mulf %parallel_loop3A_229, %parallel_loop3A_232 : vector<32xbf16>
        %parallel_loop3A_234 = arith.addf %parallel_loop3A_212, %parallel_loop3A_219 : vector<32xbf16>
        %parallel_loop3A_235 = arith.addf %parallel_loop3A_226, %parallel_loop3A_233 : vector<32xbf16>
        %parallel_loop3A_236 = arith.addf %parallel_loop3A_234, %parallel_loop3A_235 : vector<32xbf16>
        %parallel_loop3A_237 = tpu.unpack_subelements %parallel_loop3A_236, 0 {pack_format = #tpu.pack_format<interleaved>} : vector<32xbf16> -> vector<16xf32>
        %parallel_loop3A_238 = tpu.unpack_subelements %parallel_loop3A_236, 1 {pack_format = #tpu.pack_format<interleaved>} : vector<32xbf16> -> vector<16xf32>
        %parallel_loop3A_239 = arith.addf %parallel_loop3A_237, %parallel_loop3A_238 : vector<16xf32>
        %parallel_loop3A_240 = arith.constant 2 : i32
        %parallel_loop3A_241 = arith.index_cast %parallel_loop3A_111 : i32 to index
        %parallel_loop3A_242 = arith.index_cast %parallel_loop3A_240 : i32 to index
        %parallel_loop3A_243 = arith.constant 0 : index
        %parallel_loop3A_244 = tpu.vector_load %arg12[%parallel_loop3A_241, %parallel_loop3A_242, %parallel_loop3A_243] {strides = array<i32>} : memref<8x16x17xf32, #tpu.memory_space<vmem>>, vector<16xf32>,
        tpu.vector_store %arg12[%parallel_loop3A_241, %parallel_loop3A_242, %parallel_loop3A_243], %parallel_loop3A_239 {strides = array<i32>} : memref<8x16x17xf32, #tpu.memory_space<vmem>>, vector<16xf32>,
        %parallel_loop3A_245 = arith.constant 16 : i32
        %parallel_loop3A_246 = arith.muli %parallel_loop3A_111, %parallel_loop3A_245 : i32
        %parallel_loop3A_247 = arith.constant 3 : i32
        %parallel_loop3A_248 = arith.addi %parallel_loop3A_246, %parallel_loop3A_247 : i32
        %parallel_loop3A_249 = arith.index_cast %parallel_loop3A_248 : i32 to index
        %parallel_loop3A_250 = arith.constant 0 : index
        %parallel_loop3A_251 = tpu.vector_load %arg9[%parallel_loop3A_249, %parallel_loop3A_250] {strides = array<i32>} : memref<128x128xbf16, #tpu.memory_space<vmem>>, vector<32xbf16>,
        %parallel_loop3A_252 = arith.index_cast %parallel_loop3A_248 : i32 to index
        %parallel_loop3A_253 = arith.constant 0 : index
        %parallel_loop3A_254 = tpu.vector_load %arg11[%parallel_loop3A_252, %parallel_loop3A_253] {strides = array<i32>} : memref<128x128xbf16, #tpu.memory_space<vmem>>, vector<32xbf16>,
        %parallel_loop3A_255 = arith.mulf %parallel_loop3A_251, %parallel_loop3A_254 : vector<32xbf16>
        %parallel_loop3A_256 = arith.index_cast %parallel_loop3A_248 : i32 to index
        %parallel_loop3A_257 = arith.constant 32 : index
        %parallel_loop3A_258 = tpu.vector_load %arg9[%parallel_loop3A_256, %parallel_loop3A_257] {strides = array<i32>} : memref<128x128xbf16, #tpu.memory_space<vmem>>, vector<32xbf16>,
        %parallel_loop3A_259 = arith.index_cast %parallel_loop3A_248 : i32 to index
        %parallel_loop3A_260 = arith.constant 32 : index
        %parallel_loop3A_261 = tpu.vector_load %arg11[%parallel_loop3A_259, %parallel_loop3A_260] {strides = array<i32>} : memref<128x128xbf16, #tpu.memory_space<vmem>>, vector<32xbf16>,
        %parallel_loop3A_262 = arith.mulf %parallel_loop3A_258, %parallel_loop3A_261 : vector<32xbf16>
        %parallel_loop3A_263 = arith.index_cast %parallel_loop3A_248 : i32 to index
        %parallel_loop3A_264 = arith.constant 64 : index
        %parallel_loop3A_265 = tpu.vector_load %arg9[%parallel_loop3A_263, %parallel_loop3A_264] {strides = array<i32>} : memref<128x128xbf16, #tpu.memory_space<vmem>>, vector<32xbf16>,
        %parallel_loop3A_266 = arith.index_cast %parallel_loop3A_248 : i32 to index
        %parallel_loop3A_267 = arith.constant 64 : index
        %parallel_loop3A_268 = tpu.vector_load %arg11[%parallel_loop3A_266, %parallel_loop3A_267] {strides = array<i32>} : memref<128x128xbf16, #tpu.memory_space<vmem>>, vector<32xbf16>,
        %parallel_loop3A_269 = arith.mulf %parallel_loop3A_265, %parallel_loop3A_268 : vector<32xbf16>
        %parallel_loop3A_270 = arith.index_cast %parallel_loop3A_248 : i32 to index
        %parallel_loop3A_271 = arith.constant 96 : index
        %parallel_loop3A_272 = tpu.vector_load %arg9[%parallel_loop3A_270, %parallel_loop3A_271] {strides = array<i32>} : memref<128x128xbf16, #tpu.memory_space<vmem>>, vector<32xbf16>,
        %parallel_loop3A_273 = arith.index_cast %parallel_loop3A_248 : i32 to index
        %parallel_loop3A_274 = arith.constant 96 : index
        %parallel_loop3A_275 = tpu.vector_load %arg11[%parallel_loop3A_273, %parallel_loop3A_274] {strides = array<i32>} : memref<128x128xbf16, #tpu.memory_space<vmem>>, vector<32xbf16>,
        %parallel_loop3A_276 = arith.mulf %parallel_loop3A_272, %parallel_loop3A_275 : vector<32xbf16>
        %parallel_loop3A_277 = arith.addf %parallel_loop3A_255, %parallel_loop3A_262 : vector<32xbf16>
        %parallel_loop3A_278 = arith.addf %parallel_loop3A_269, %parallel_loop3A_276 : vector<32xbf16>
        %parallel_loop3A_279 = arith.addf %parallel_loop3A_277, %parallel_loop3A_278 : vector<32xbf16>
        %parallel_loop3A_280 = tpu.unpack_subelements %parallel_loop3A_279, 0 {pack_format = #tpu.pack_format<interleaved>} : vector<32xbf16> -> vector<16xf32>
        %parallel_loop3A_281 = tpu.unpack_subelements %parallel_loop3A_279, 1 {pack_format = #tpu.pack_format<interleaved>} : vector<32xbf16> -> vector<16xf32>
        %parallel_loop3A_282 = arith.addf %parallel_loop3A_280, %parallel_loop3A_281 : vector<16xf32>
        %parallel_loop3A_283 = arith.constant 3 : i32
        %parallel_loop3A_284 = arith.index_cast %parallel_loop3A_111 : i32 to index
        %parallel_loop3A_285 = arith.index_cast %parallel_loop3A_283 : i32 to index
        %parallel_loop3A_286 = arith.constant 0 : index
        %parallel_loop3A_287 = tpu.vector_load %arg12[%parallel_loop3A_284, %parallel_loop3A_285, %parallel_loop3A_286] {strides = array<i32>} : memref<8x16x17xf32, #tpu.memory_space<vmem>>, vector<16xf32>,
        tpu.vector_store %arg12[%parallel_loop3A_284, %parallel_loop3A_285, %parallel_loop3A_286], %parallel_loop3A_282 {strides = array<i32>} : memref<8x16x17xf32, #tpu.memory_space<vmem>>, vector<16xf32>,
        %parallel_loop3A_288 = arith.constant 16 : i32
        %parallel_loop3A_289 = arith.muli %parallel_loop3A_111, %parallel_loop3A_288 : i32
        %parallel_loop3A_290 = arith.constant 4 : i32
        %parallel_loop3A_291 = arith.addi %parallel_loop3A_289, %parallel_loop3A_290 : i32
        %parallel_loop3A_292 = arith.index_cast %parallel_loop3A_291 : i32 to index
        %parallel_loop3A_293 = arith.constant 0 : index
        %parallel_loop3A_294 = tpu.vector_load %arg9[%parallel_loop3A_292, %parallel_loop3A_293] {strides = array<i32>} : memref<128x128xbf16, #tpu.memory_space<vmem>>, vector<32xbf16>,
        %parallel_loop3A_295 = arith.index_cast %parallel_loop3A_291 : i32 to index
        %parallel_loop3A_296 = arith.constant 0 : index
        %parallel_loop3A_297 = tpu.vector_load %arg11[%parallel_loop3A_295, %parallel_loop3A_296] {strides = array<i32>} : memref<128x128xbf16, #tpu.memory_space<vmem>>, vector<32xbf16>,
        %parallel_loop3A_298 = arith.mulf %parallel_loop3A_294, %parallel_loop3A_297 : vector<32xbf16>
        %parallel_loop3A_299 = arith.index_cast %parallel_loop3A_291 : i32 to index
        %parallel_loop3A_300 = arith.constant 32 : index
        %parallel_loop3A_301 = tpu.vector_load %arg9[%parallel_loop3A_299, %parallel_loop3A_300] {strides = array<i32>} : memref<128x128xbf16, #tpu.memory_space<vmem>>, vector<32xbf16>,
        %parallel_loop3A_302 = arith.index_cast %parallel_loop3A_291 : i32 to index
        %parallel_loop3A_303 = arith.constant 32 : index
        %parallel_loop3A_304 = tpu.vector_load %arg11[%parallel_loop3A_302, %parallel_loop3A_303] {strides = array<i32>} : memref<128x128xbf16, #tpu.memory_space<vmem>>, vector<32xbf16>,
        %parallel_loop3A_305 = arith.mulf %parallel_loop3A_301, %parallel_loop3A_304 : vector<32xbf16>
        %parallel_loop3A_306 = arith.index_cast %parallel_loop3A_291 : i32 to index
        %parallel_loop3A_307 = arith.constant 64 : index
        %parallel_loop3A_308 = tpu.vector_load %arg9[%parallel_loop3A_306, %parallel_loop3A_307] {strides = array<i32>} : memref<128x128xbf16, #tpu.memory_space<vmem>>, vector<32xbf16>,
        %parallel_loop3A_309 = arith.index_cast %parallel_loop3A_291 : i32 to index
        %parallel_loop3A_310 = arith.constant 64 : index
        %parallel_loop3A_311 = tpu.vector_load %arg11[%parallel_loop3A_309, %parallel_loop3A_310] {strides = array<i32>} : memref<128x128xbf16, #tpu.memory_space<vmem>>, vector<32xbf16>,
        %parallel_loop3A_312 = arith.mulf %parallel_loop3A_308, %parallel_loop3A_311 : vector<32xbf16>
        %parallel_loop3A_313 = arith.index_cast %parallel_loop3A_291 : i32 to index
        %parallel_loop3A_314 = arith.constant 96 : index
        %parallel_loop3A_315 = tpu.vector_load %arg9[%parallel_loop3A_313, %parallel_loop3A_314] {strides = array<i32>} : memref<128x128xbf16, #tpu.memory_space<vmem>>, vector<32xbf16>,
        %parallel_loop3A_316 = arith.index_cast %parallel_loop3A_291 : i32 to index
        %parallel_loop3A_317 = arith.constant 96 : index
        %parallel_loop3A_318 = tpu.vector_load %arg11[%parallel_loop3A_316, %parallel_loop3A_317] {strides = array<i32>} : memref<128x128xbf16, #tpu.memory_space<vmem>>, vector<32xbf16>,
        %parallel_loop3A_319 = arith.mulf %parallel_loop3A_315, %parallel_loop3A_318 : vector<32xbf16>
        %parallel_loop3A_320 = arith.addf %parallel_loop3A_298, %parallel_loop3A_305 : vector<32xbf16>
        %parallel_loop3A_321 = arith.addf %parallel_loop3A_312, %parallel_loop3A_319 : vector<32xbf16>
        %parallel_loop3A_322 = arith.addf %parallel_loop3A_320, %parallel_loop3A_321 : vector<32xbf16>
        %parallel_loop3A_323 = tpu.unpack_subelements %parallel_loop3A_322, 0 {pack_format = #tpu.pack_format<interleaved>} : vector<32xbf16> -> vector<16xf32>
        %parallel_loop3A_324 = tpu.unpack_subelements %parallel_loop3A_322, 1 {pack_format = #tpu.pack_format<interleaved>} : vector<32xbf16> -> vector<16xf32>
        %parallel_loop3A_325 = arith.addf %parallel_loop3A_323, %parallel_loop3A_324 : vector<16xf32>
        %parallel_loop3A_326 = arith.constant 4 : i32
        %parallel_loop3A_327 = arith.index_cast %parallel_loop3A_111 : i32 to index
        %parallel_loop3A_328 = arith.index_cast %parallel_loop3A_326 : i32 to index
        %parallel_loop3A_329 = arith.constant 0 : index
        %parallel_loop3A_330 = tpu.vector_load %arg12[%parallel_loop3A_327, %parallel_loop3A_328, %parallel_loop3A_329] {strides = array<i32>} : memref<8x16x17xf32, #tpu.memory_space<vmem>>, vector<16xf32>,
        tpu.vector_store %arg12[%parallel_loop3A_327, %parallel_loop3A_328, %parallel_loop3A_329], %parallel_loop3A_325 {strides = array<i32>} : memref<8x16x17xf32, #tpu.memory_space<vmem>>, vector<16xf32>,
        %parallel_loop3A_331 = arith.constant 16 : i32
        %parallel_loop3A_332 = arith.muli %parallel_loop3A_111, %parallel_loop3A_331 : i32
        %parallel_loop3A_333 = arith.constant 5 : i32
        %parallel_loop3A_334 = arith.addi %parallel_loop3A_332, %parallel_loop3A_333 : i32
        %parallel_loop3A_335 = arith.index_cast %parallel_loop3A_334 : i32 to index
        %parallel_loop3A_336 = arith.constant 0 : index
        %parallel_loop3A_337 = tpu.vector_load %arg9[%parallel_loop3A_335, %parallel_loop3A_336] {strides = array<i32>} : memref<128x128xbf16, #tpu.memory_space<vmem>>, vector<32xbf16>,
        %parallel_loop3A_338 = arith.index_cast %parallel_loop3A_334 : i32 to index
        %parallel_loop3A_339 = arith.constant 0 : index
        %parallel_loop3A_340 = tpu.vector_load %arg11[%parallel_loop3A_338, %parallel_loop3A_339] {strides = array<i32>} : memref<128x128xbf16, #tpu.memory_space<vmem>>, vector<32xbf16>,
        %parallel_loop3A_341 = arith.mulf %parallel_loop3A_337, %parallel_loop3A_340 : vector<32xbf16>
        %parallel_loop3A_342 = arith.index_cast %parallel_loop3A_334 : i32 to index
        %parallel_loop3A_343 = arith.constant 32 : index
        %parallel_loop3A_344 = tpu.vector_load %arg9[%parallel_loop3A_342, %parallel_loop3A_343] {strides = array<i32>} : memref<128x128xbf16, #tpu.memory_space<vmem>>, vector<32xbf16>,
        %parallel_loop3A_345 = arith.index_cast %parallel_loop3A_334 : i32 to index
        %parallel_loop3A_346 = arith.constant 32 : index
        %parallel_loop3A_347 = tpu.vector_load %arg11[%parallel_loop3A_345, %parallel_loop3A_346] {strides = array<i32>} : memref<128x128xbf16, #tpu.memory_space<vmem>>, vector<32xbf16>,
        %parallel_loop3A_348 = arith.mulf %parallel_loop3A_344, %parallel_loop3A_347 : vector<32xbf16>
        %parallel_loop3A_349 = arith.index_cast %parallel_loop3A_334 : i32 to index
        %parallel_loop3A_350 = arith.constant 64 : index
        %parallel_loop3A_351 = tpu.vector_load %arg9[%parallel_loop3A_349, %parallel_loop3A_350] {strides = array<i32>} : memref<128x128xbf16, #tpu.memory_space<vmem>>, vector<32xbf16>,
        %parallel_loop3A_352 = arith.index_cast %parallel_loop3A_334 : i32 to index
        %parallel_loop3A_353 = arith.constant 64 : index
        %parallel_loop3A_354 = tpu.vector_load %arg11[%parallel_loop3A_352, %parallel_loop3A_353] {strides = array<i32>} : memref<128x128xbf16, #tpu.memory_space<vmem>>, vector<32xbf16>,
        %parallel_loop3A_355 = arith.mulf %parallel_loop3A_351, %parallel_loop3A_354 : vector<32xbf16>
        %parallel_loop3A_356 = arith.index_cast %parallel_loop3A_334 : i32 to index
        %parallel_loop3A_357 = arith.constant 96 : index
        %parallel_loop3A_358 = tpu.vector_load %arg9[%parallel_loop3A_356, %parallel_loop3A_357] {strides = array<i32>} : memref<128x128xbf16, #tpu.memory_space<vmem>>, vector<32xbf16>,
        %parallel_loop3A_359 = arith.index_cast %parallel_loop3A_334 : i32 to index
        %parallel_loop3A_360 = arith.constant 96 : index
        %parallel_loop3A_361 = tpu.vector_load %arg11[%parallel_loop3A_359, %parallel_loop3A_360] {strides = array<i32>} : memref<128x128xbf16, #tpu.memory_space<vmem>>, vector<32xbf16>,
        %parallel_loop3A_362 = arith.mulf %parallel_loop3A_358, %parallel_loop3A_361 : vector<32xbf16>
        %parallel_loop3A_363 = arith.addf %parallel_loop3A_341, %parallel_loop3A_348 : vector<32xbf16>
        %parallel_loop3A_364 = arith.addf %parallel_loop3A_355, %parallel_loop3A_362 : vector<32xbf16>
        %parallel_loop3A_365 = arith.addf %parallel_loop3A_363, %parallel_loop3A_364 : vector<32xbf16>
        %parallel_loop3A_366 = tpu.unpack_subelements %parallel_loop3A_365, 0 {pack_format = #tpu.pack_format<interleaved>} : vector<32xbf16> -> vector<16xf32>
        %parallel_loop3A_367 = tpu.unpack_subelements %parallel_loop3A_365, 1 {pack_format = #tpu.pack_format<interleaved>} : vector<32xbf16> -> vector<16xf32>
        %parallel_loop3A_368 = arith.addf %parallel_loop3A_366, %parallel_loop3A_367 : vector<16xf32>
        %parallel_loop3A_369 = arith.constant 5 : i32
        %parallel_loop3A_370 = arith.index_cast %parallel_loop3A_111 : i32 to index
        %parallel_loop3A_371 = arith.index_cast %parallel_loop3A_369 : i32 to index
        %parallel_loop3A_372 = arith.constant 0 : index
        %parallel_loop3A_373 = tpu.vector_load %arg12[%parallel_loop3A_370, %parallel_loop3A_371, %parallel_loop3A_372] {strides = array<i32>} : memref<8x16x17xf32, #tpu.memory_space<vmem>>, vector<16xf32>,
        tpu.vector_store %arg12[%parallel_loop3A_370, %parallel_loop3A_371, %parallel_loop3A_372], %parallel_loop3A_368 {strides = array<i32>} : memref<8x16x17xf32, #tpu.memory_space<vmem>>, vector<16xf32>,
        %parallel_loop3A_374 = arith.constant 16 : i32
        %parallel_loop3A_375 = arith.muli %parallel_loop3A_111, %parallel_loop3A_374 : i32
        %parallel_loop3A_376 = arith.constant 6 : i32
        %parallel_loop3A_377 = arith.addi %parallel_loop3A_375, %parallel_loop3A_376 : i32
        %parallel_loop3A_378 = arith.index_cast %parallel_loop3A_377 : i32 to index
        %parallel_loop3A_379 = arith.constant 0 : index
        %parallel_loop3A_380 = tpu.vector_load %arg9[%parallel_loop3A_378, %parallel_loop3A_379] {strides = array<i32>} : memref<128x128xbf16, #tpu.memory_space<vmem>>, vector<32xbf16>,
        %parallel_loop3A_381 = arith.index_cast %parallel_loop3A_377 : i32 to index
        %parallel_loop3A_382 = arith.constant 0 : index
        %parallel_loop3A_383 = tpu.vector_load %arg11[%parallel_loop3A_381, %parallel_loop3A_382] {strides = array<i32>} : memref<128x128xbf16, #tpu.memory_space<vmem>>, vector<32xbf16>,
        %parallel_loop3A_384 = arith.mulf %parallel_loop3A_380, %parallel_loop3A_383 : vector<32xbf16>
        %parallel_loop3A_385 = arith.index_cast %parallel_loop3A_377 : i32 to index
        %parallel_loop3A_386 = arith.constant 32 : index
        %parallel_loop3A_387 = tpu.vector_load %arg9[%parallel_loop3A_385, %parallel_loop3A_386] {strides = array<i32>} : memref<128x128xbf16, #tpu.memory_space<vmem>>, vector<32xbf16>,
        %parallel_loop3A_388 = arith.index_cast %parallel_loop3A_377 : i32 to index
        %parallel_loop3A_389 = arith.constant 32 : index
        %parallel_loop3A_390 = tpu.vector_load %arg11[%parallel_loop3A_388, %parallel_loop3A_389] {strides = array<i32>} : memref<128x128xbf16, #tpu.memory_space<vmem>>, vector<32xbf16>,
        %parallel_loop3A_391 = arith.mulf %parallel_loop3A_387, %parallel_loop3A_390 : vector<32xbf16>
        %parallel_loop3A_392 = arith.index_cast %parallel_loop3A_377 : i32 to index
        %parallel_loop3A_393 = arith.constant 64 : index
        %parallel_loop3A_394 = tpu.vector_load %arg9[%parallel_loop3A_392, %parallel_loop3A_393] {strides = array<i32>} : memref<128x128xbf16, #tpu.memory_space<vmem>>, vector<32xbf16>,
        %parallel_loop3A_395 = arith.index_cast %parallel_loop3A_377 : i32 to index
        %parallel_loop3A_396 = arith.constant 64 : index
        %parallel_loop3A_397 = tpu.vector_load %arg11[%parallel_loop3A_395, %parallel_loop3A_396] {strides = array<i32>} : memref<128x128xbf16, #tpu.memory_space<vmem>>, vector<32xbf16>,
        %parallel_loop3A_398 = arith.mulf %parallel_loop3A_394, %parallel_loop3A_397 : vector<32xbf16>
        %parallel_loop3A_399 = arith.index_cast %parallel_loop3A_377 : i32 to index
        %parallel_loop3A_400 = arith.constant 96 : index
        %parallel_loop3A_401 = tpu.vector_load %arg9[%parallel_loop3A_399, %parallel_loop3A_400] {strides = array<i32>} : memref<128x128xbf16, #tpu.memory_space<vmem>>, vector<32xbf16>,
        %parallel_loop3A_402 = arith.index_cast %parallel_loop3A_377 : i32 to index
        %parallel_loop3A_403 = arith.constant 96 : index
        %parallel_loop3A_404 = tpu.vector_load %arg11[%parallel_loop3A_402, %parallel_loop3A_403] {strides = array<i32>} : memref<128x128xbf16, #tpu.memory_space<vmem>>, vector<32xbf16>,
        %parallel_loop3A_405 = arith.mulf %parallel_loop3A_401, %parallel_loop3A_404 : vector<32xbf16>
        %parallel_loop3A_406 = arith.addf %parallel_loop3A_384, %parallel_loop3A_391 : vector<32xbf16>
        %parallel_loop3A_407 = arith.addf %parallel_loop3A_398, %parallel_loop3A_405 : vector<32xbf16>
        %parallel_loop3A_408 = arith.addf %parallel_loop3A_406, %parallel_loop3A_407 : vector<32xbf16>
        %parallel_loop3A_409 = tpu.unpack_subelements %parallel_loop3A_408, 0 {pack_format = #tpu.pack_format<interleaved>} : vector<32xbf16> -> vector<16xf32>
        %parallel_loop3A_410 = tpu.unpack_subelements %parallel_loop3A_408, 1 {pack_format = #tpu.pack_format<interleaved>} : vector<32xbf16> -> vector<16xf32>
        %parallel_loop3A_411 = arith.addf %parallel_loop3A_409, %parallel_loop3A_410 : vector<16xf32>
        %parallel_loop3A_412 = arith.constant 6 : i32
        %parallel_loop3A_413 = arith.index_cast %parallel_loop3A_111 : i32 to index
        %parallel_loop3A_414 = arith.index_cast %parallel_loop3A_412 : i32 to index
        %parallel_loop3A_415 = arith.constant 0 : index
        %parallel_loop3A_416 = tpu.vector_load %arg12[%parallel_loop3A_413, %parallel_loop3A_414, %parallel_loop3A_415] {strides = array<i32>} : memref<8x16x17xf32, #tpu.memory_space<vmem>>, vector<16xf32>,
        tpu.vector_store %arg12[%parallel_loop3A_413, %parallel_loop3A_414, %parallel_loop3A_415], %parallel_loop3A_411 {strides = array<i32>} : memref<8x16x17xf32, #tpu.memory_space<vmem>>, vector<16xf32>,
        %parallel_loop3A_417 = arith.constant 16 : i32
        %parallel_loop3A_418 = arith.muli %parallel_loop3A_111, %parallel_loop3A_417 : i32
        %parallel_loop3A_419 = arith.constant 7 : i32
        %parallel_loop3A_420 = arith.addi %parallel_loop3A_418, %parallel_loop3A_419 : i32
        %parallel_loop3A_421 = arith.index_cast %parallel_loop3A_420 : i32 to index
        %parallel_loop3A_422 = arith.constant 0 : index
        %parallel_loop3A_423 = tpu.vector_load %arg9[%parallel_loop3A_421, %parallel_loop3A_422] {strides = array<i32>} : memref<128x128xbf16, #tpu.memory_space<vmem>>, vector<32xbf16>,
        %parallel_loop3A_424 = arith.index_cast %parallel_loop3A_420 : i32 to index
        %parallel_loop3A_425 = arith.constant 0 : index
        %parallel_loop3A_426 = tpu.vector_load %arg11[%parallel_loop3A_424, %parallel_loop3A_425] {strides = array<i32>} : memref<128x128xbf16, #tpu.memory_space<vmem>>, vector<32xbf16>,
        %parallel_loop3A_427 = arith.mulf %parallel_loop3A_423, %parallel_loop3A_426 : vector<32xbf16>
        %parallel_loop3A_428 = arith.index_cast %parallel_loop3A_420 : i32 to index
        %parallel_loop3A_429 = arith.constant 32 : index
        %parallel_loop3A_430 = tpu.vector_load %arg9[%parallel_loop3A_428, %parallel_loop3A_429] {strides = array<i32>} : memref<128x128xbf16, #tpu.memory_space<vmem>>, vector<32xbf16>,
        %parallel_loop3A_431 = arith.index_cast %parallel_loop3A_420 : i32 to index
        %parallel_loop3A_432 = arith.constant 32 : index
        %parallel_loop3A_433 = tpu.vector_load %arg11[%parallel_loop3A_431, %parallel_loop3A_432] {strides = array<i32>} : memref<128x128xbf16, #tpu.memory_space<vmem>>, vector<32xbf16>,
        %parallel_loop3A_434 = arith.mulf %parallel_loop3A_430, %parallel_loop3A_433 : vector<32xbf16>
        %parallel_loop3A_435 = arith.index_cast %parallel_loop3A_420 : i32 to index
        %parallel_loop3A_436 = arith.constant 64 : index
        %parallel_loop3A_437 = tpu.vector_load %arg9[%parallel_loop3A_435, %parallel_loop3A_436] {strides = array<i32>} : memref<128x128xbf16, #tpu.memory_space<vmem>>, vector<32xbf16>,
        %parallel_loop3A_438 = arith.index_cast %parallel_loop3A_420 : i32 to index
        %parallel_loop3A_439 = arith.constant 64 : index
        %parallel_loop3A_440 = tpu.vector_load %arg11[%parallel_loop3A_438, %parallel_loop3A_439] {strides = array<i32>} : memref<128x128xbf16, #tpu.memory_space<vmem>>, vector<32xbf16>,
        %parallel_loop3A_441 = arith.mulf %parallel_loop3A_437, %parallel_loop3A_440 : vector<32xbf16>
        %parallel_loop3A_442 = arith.index_cast %parallel_loop3A_420 : i32 to index
        %parallel_loop3A_443 = arith.constant 96 : index
        %parallel_loop3A_444 = tpu.vector_load %arg9[%parallel_loop3A_442, %parallel_loop3A_443] {strides = array<i32>} : memref<128x128xbf16, #tpu.memory_space<vmem>>, vector<32xbf16>,
        %parallel_loop3A_445 = arith.index_cast %parallel_loop3A_420 : i32 to index
        %parallel_loop3A_446 = arith.constant 96 : index
        %parallel_loop3A_447 = tpu.vector_load %arg11[%parallel_loop3A_445, %parallel_loop3A_446] {strides = array<i32>} : memref<128x128xbf16, #tpu.memory_space<vmem>>, vector<32xbf16>,
        %parallel_loop3A_448 = arith.mulf %parallel_loop3A_444, %parallel_loop3A_447 : vector<32xbf16>
        %parallel_loop3A_449 = arith.addf %parallel_loop3A_427, %parallel_loop3A_434 : vector<32xbf16>
        %parallel_loop3A_450 = arith.addf %parallel_loop3A_441, %parallel_loop3A_448 : vector<32xbf16>
        %parallel_loop3A_451 = arith.addf %parallel_loop3A_449, %parallel_loop3A_450 : vector<32xbf16>
        %parallel_loop3A_452 = tpu.unpack_subelements %parallel_loop3A_451, 0 {pack_format = #tpu.pack_format<interleaved>} : vector<32xbf16> -> vector<16xf32>
        %parallel_loop3A_453 = tpu.unpack_subelements %parallel_loop3A_451, 1 {pack_format = #tpu.pack_format<interleaved>} : vector<32xbf16> -> vector<16xf32>
        %parallel_loop3A_454 = arith.addf %parallel_loop3A_452, %parallel_loop3A_453 : vector<16xf32>
        %parallel_loop3A_455 = arith.constant 7 : i32
        %parallel_loop3A_456 = arith.index_cast %parallel_loop3A_111 : i32 to index
        %parallel_loop3A_457 = arith.index_cast %parallel_loop3A_455 : i32 to index
        %parallel_loop3A_458 = arith.constant 0 : index
        %parallel_loop3A_459 = tpu.vector_load %arg12[%parallel_loop3A_456, %parallel_loop3A_457, %parallel_loop3A_458] {strides = array<i32>} : memref<8x16x17xf32, #tpu.memory_space<vmem>>, vector<16xf32>,
        tpu.vector_store %arg12[%parallel_loop3A_456, %parallel_loop3A_457, %parallel_loop3A_458], %parallel_loop3A_454 {strides = array<i32>} : memref<8x16x17xf32, #tpu.memory_space<vmem>>, vector<16xf32>,
        %parallel_loop3A_460 = arith.constant 16 : i32
        %parallel_loop3A_461 = arith.muli %parallel_loop3A_111, %parallel_loop3A_460 : i32
        %parallel_loop3A_462 = arith.constant 8 : i32
        %parallel_loop3A_463 = arith.addi %parallel_loop3A_461, %parallel_loop3A_462 : i32
        %parallel_loop3A_464 = arith.index_cast %parallel_loop3A_463 : i32 to index
        %parallel_loop3A_465 = arith.constant 0 : index
        %parallel_loop3A_466 = tpu.vector_load %arg9[%parallel_loop3A_464, %parallel_loop3A_465] {strides = array<i32>} : memref<128x128xbf16, #tpu.memory_space<vmem>>, vector<32xbf16>,
        %parallel_loop3A_467 = arith.index_cast %parallel_loop3A_463 : i32 to index
        %parallel_loop3A_468 = arith.constant 0 : index
        %parallel_loop3A_469 = tpu.vector_load %arg11[%parallel_loop3A_467, %parallel_loop3A_468] {strides = array<i32>} : memref<128x128xbf16, #tpu.memory_space<vmem>>, vector<32xbf16>,
        %parallel_loop3A_470 = arith.mulf %parallel_loop3A_466, %parallel_loop3A_469 : vector<32xbf16>
        %parallel_loop3A_471 = arith.index_cast %parallel_loop3A_463 : i32 to index
        %parallel_loop3A_472 = arith.constant 32 : index
        %parallel_loop3A_473 = tpu.vector_load %arg9[%parallel_loop3A_471, %parallel_loop3A_472] {strides = array<i32>} : memref<128x128xbf16, #tpu.memory_space<vmem>>, vector<32xbf16>,
        %parallel_loop3A_474 = arith.index_cast %parallel_loop3A_463 : i32 to index
        %parallel_loop3A_475 = arith.constant 32 : index
        %parallel_loop3A_476 = tpu.vector_load %arg11[%parallel_loop3A_474, %parallel_loop3A_475] {strides = array<i32>} : memref<128x128xbf16, #tpu.memory_space<vmem>>, vector<32xbf16>,
        %parallel_loop3A_477 = arith.mulf %parallel_loop3A_473, %parallel_loop3A_476 : vector<32xbf16>
        %parallel_loop3A_478 = arith.index_cast %parallel_loop3A_463 : i32 to index
        %parallel_loop3A_479 = arith.constant 64 : index
        %parallel_loop3A_480 = tpu.vector_load %arg9[%parallel_loop3A_478, %parallel_loop3A_479] {strides = array<i32>} : memref<128x128xbf16, #tpu.memory_space<vmem>>, vector<32xbf16>,
        %parallel_loop3A_481 = arith.index_cast %parallel_loop3A_463 : i32 to index
        %parallel_loop3A_482 = arith.constant 64 : index
        %parallel_loop3A_483 = tpu.vector_load %arg11[%parallel_loop3A_481, %parallel_loop3A_482] {strides = array<i32>} : memref<128x128xbf16, #tpu.memory_space<vmem>>, vector<32xbf16>,
        %parallel_loop3A_484 = arith.mulf %parallel_loop3A_480, %parallel_loop3A_483 : vector<32xbf16>
        %parallel_loop3A_485 = arith.index_cast %parallel_loop3A_463 : i32 to index
        %parallel_loop3A_486 = arith.constant 96 : index
        %parallel_loop3A_487 = tpu.vector_load %arg9[%parallel_loop3A_485, %parallel_loop3A_486] {strides = array<i32>} : memref<128x128xbf16, #tpu.memory_space<vmem>>, vector<32xbf16>,
        %parallel_loop3A_488 = arith.index_cast %parallel_loop3A_463 : i32 to index
        %parallel_loop3A_489 = arith.constant 96 : index
        %parallel_loop3A_490 = tpu.vector_load %arg11[%parallel_loop3A_488, %parallel_loop3A_489] {strides = array<i32>} : memref<128x128xbf16, #tpu.memory_space<vmem>>, vector<32xbf16>,
        %parallel_loop3A_491 = arith.mulf %parallel_loop3A_487, %parallel_loop3A_490 : vector<32xbf16>
        %parallel_loop3A_492 = arith.addf %parallel_loop3A_470, %parallel_loop3A_477 : vector<32xbf16>
        %parallel_loop3A_493 = arith.addf %parallel_loop3A_484, %parallel_loop3A_491 : vector<32xbf16>
        %parallel_loop3A_494 = arith.addf %parallel_loop3A_492, %parallel_loop3A_493 : vector<32xbf16>
        %parallel_loop3A_495 = tpu.unpack_subelements %parallel_loop3A_494, 0 {pack_format = #tpu.pack_format<interleaved>} : vector<32xbf16> -> vector<16xf32>
        %parallel_loop3A_496 = tpu.unpack_subelements %parallel_loop3A_494, 1 {pack_format = #tpu.pack_format<interleaved>} : vector<32xbf16> -> vector<16xf32>
        %parallel_loop3A_497 = arith.addf %parallel_loop3A_495, %parallel_loop3A_496 : vector<16xf32>
        %parallel_loop3A_498 = arith.constant 8 : i32
        %parallel_loop3A_499 = arith.index_cast %parallel_loop3A_111 : i32 to index
        %parallel_loop3A_500 = arith.index_cast %parallel_loop3A_498 : i32 to index
        %parallel_loop3A_501 = arith.constant 0 : index
        %parallel_loop3A_502 = tpu.vector_load %arg12[%parallel_loop3A_499, %parallel_loop3A_500, %parallel_loop3A_501] {strides = array<i32>} : memref<8x16x17xf32, #tpu.memory_space<vmem>>, vector<16xf32>,
        tpu.vector_store %arg12[%parallel_loop3A_499, %parallel_loop3A_500, %parallel_loop3A_501], %parallel_loop3A_497 {strides = array<i32>} : memref<8x16x17xf32, #tpu.memory_space<vmem>>, vector<16xf32>,
        %parallel_loop3A_503 = arith.constant 16 : i32
        %parallel_loop3A_504 = arith.muli %parallel_loop3A_111, %parallel_loop3A_503 : i32
        %parallel_loop3A_505 = arith.constant 9 : i32
        %parallel_loop3A_506 = arith.addi %parallel_loop3A_504, %parallel_loop3A_505 : i32
        %parallel_loop3A_507 = arith.index_cast %parallel_loop3A_506 : i32 to index
        %parallel_loop3A_508 = arith.constant 0 : index
        %parallel_loop3A_509 = tpu.vector_load %arg9[%parallel_loop3A_507, %parallel_loop3A_508] {strides = array<i32>} : memref<128x128xbf16, #tpu.memory_space<vmem>>, vector<32xbf16>,
        %parallel_loop3A_510 = arith.index_cast %parallel_loop3A_506 : i32 to index
        %parallel_loop3A_511 = arith.constant 0 : index
        %parallel_loop3A_512 = tpu.vector_load %arg11[%parallel_loop3A_510, %parallel_loop3A_511] {strides = array<i32>} : memref<128x128xbf16, #tpu.memory_space<vmem>>, vector<32xbf16>,
        %parallel_loop3A_513 = arith.mulf %parallel_loop3A_509, %parallel_loop3A_512 : vector<32xbf16>
        %parallel_loop3A_514 = arith.index_cast %parallel_loop3A_506 : i32 to index
        %parallel_loop3A_515 = arith.constant 32 : index
        %parallel_loop3A_516 = tpu.vector_load %arg9[%parallel_loop3A_514, %parallel_loop3A_515] {strides = array<i32>} : memref<128x128xbf16, #tpu.memory_space<vmem>>, vector<32xbf16>,
        %parallel_loop3A_517 = arith.index_cast %parallel_loop3A_506 : i32 to index
        %parallel_loop3A_518 = arith.constant 32 : index
        %parallel_loop3A_519 = tpu.vector_load %arg11[%parallel_loop3A_517, %parallel_loop3A_518] {strides = array<i32>} : memref<128x128xbf16, #tpu.memory_space<vmem>>, vector<32xbf16>,
        %parallel_loop3A_520 = arith.mulf %parallel_loop3A_516, %parallel_loop3A_519 : vector<32xbf16>
        %parallel_loop3A_521 = arith.index_cast %parallel_loop3A_506 : i32 to index
        %parallel_loop3A_522 = arith.constant 64 : index
        %parallel_loop3A_523 = tpu.vector_load %arg9[%parallel_loop3A_521, %parallel_loop3A_522] {strides = array<i32>} : memref<128x128xbf16, #tpu.memory_space<vmem>>, vector<32xbf16>,
        %parallel_loop3A_524 = arith.index_cast %parallel_loop3A_506 : i32 to index
        %parallel_loop3A_525 = arith.constant 64 : index
        %parallel_loop3A_526 = tpu.vector_load %arg11[%parallel_loop3A_524, %parallel_loop3A_525] {strides = array<i32>} : memref<128x128xbf16, #tpu.memory_space<vmem>>, vector<32xbf16>,
        %parallel_loop3A_527 = arith.mulf %parallel_loop3A_523, %parallel_loop3A_526 : vector<32xbf16>
        %parallel_loop3A_528 = arith.index_cast %parallel_loop3A_506 : i32 to index
        %parallel_loop3A_529 = arith.constant 96 : index
        %parallel_loop3A_530 = tpu.vector_load %arg9[%parallel_loop3A_528, %parallel_loop3A_529] {strides = array<i32>} : memref<128x128xbf16, #tpu.memory_space<vmem>>, vector<32xbf16>,
        %parallel_loop3A_531 = arith.index_cast %parallel_loop3A_506 : i32 to index
        %parallel_loop3A_532 = arith.constant 96 : index
        %parallel_loop3A_533 = tpu.vector_load %arg11[%parallel_loop3A_531, %parallel_loop3A_532] {strides = array<i32>} : memref<128x128xbf16, #tpu.memory_space<vmem>>, vector<32xbf16>,
        %parallel_loop3A_534 = arith.mulf %parallel_loop3A_530, %parallel_loop3A_533 : vector<32xbf16>
        %parallel_loop3A_535 = arith.addf %parallel_loop3A_513, %parallel_loop3A_520 : vector<32xbf16>
        %parallel_loop3A_536 = arith.addf %parallel_loop3A_527, %parallel_loop3A_534 : vector<32xbf16>
        %parallel_loop3A_537 = arith.addf %parallel_loop3A_535, %parallel_loop3A_536 : vector<32xbf16>
        %parallel_loop3A_538 = tpu.unpack_subelements %parallel_loop3A_537, 0 {pack_format = #tpu.pack_format<interleaved>} : vector<32xbf16> -> vector<16xf32>
        %parallel_loop3A_539 = tpu.unpack_subelements %parallel_loop3A_537, 1 {pack_format = #tpu.pack_format<interleaved>} : vector<32xbf16> -> vector<16xf32>
        %parallel_loop3A_540 = arith.addf %parallel_loop3A_538, %parallel_loop3A_539 : vector<16xf32>
        %parallel_loop3A_541 = arith.constant 9 : i32
        %parallel_loop3A_542 = arith.index_cast %parallel_loop3A_111 : i32 to index
        %parallel_loop3A_543 = arith.index_cast %parallel_loop3A_541 : i32 to index
        %parallel_loop3A_544 = arith.constant 0 : index
        %parallel_loop3A_545 = tpu.vector_load %arg12[%parallel_loop3A_542, %parallel_loop3A_543, %parallel_loop3A_544] {strides = array<i32>} : memref<8x16x17xf32, #tpu.memory_space<vmem>>, vector<16xf32>,
        tpu.vector_store %arg12[%parallel_loop3A_542, %parallel_loop3A_543, %parallel_loop3A_544], %parallel_loop3A_540 {strides = array<i32>} : memref<8x16x17xf32, #tpu.memory_space<vmem>>, vector<16xf32>,
        %parallel_loop3A_546 = arith.constant 16 : i32
        %parallel_loop3A_547 = arith.muli %parallel_loop3A_111, %parallel_loop3A_546 : i32
        %parallel_loop3A_548 = arith.constant 10 : i32
        %parallel_loop3A_549 = arith.addi %parallel_loop3A_547, %parallel_loop3A_548 : i32
        %parallel_loop3A_550 = arith.index_cast %parallel_loop3A_549 : i32 to index
        %parallel_loop3A_551 = arith.constant 0 : index
        %parallel_loop3A_552 = tpu.vector_load %arg9[%parallel_loop3A_550, %parallel_loop3A_551] {strides = array<i32>} : memref<128x128xbf16, #tpu.memory_space<vmem>>, vector<32xbf16>,
        %parallel_loop3A_553 = arith.index_cast %parallel_loop3A_549 : i32 to index
        %parallel_loop3A_554 = arith.constant 0 : index
        %parallel_loop3A_555 = tpu.vector_load %arg11[%parallel_loop3A_553, %parallel_loop3A_554] {strides = array<i32>} : memref<128x128xbf16, #tpu.memory_space<vmem>>, vector<32xbf16>,
        %parallel_loop3A_556 = arith.mulf %parallel_loop3A_552, %parallel_loop3A_555 : vector<32xbf16>
        %parallel_loop3A_557 = arith.index_cast %parallel_loop3A_549 : i32 to index
        %parallel_loop3A_558 = arith.constant 32 : index
        %parallel_loop3A_559 = tpu.vector_load %arg9[%parallel_loop3A_557, %parallel_loop3A_558] {strides = array<i32>} : memref<128x128xbf16, #tpu.memory_space<vmem>>, vector<32xbf16>,
        %parallel_loop3A_560 = arith.index_cast %parallel_loop3A_549 : i32 to index
        %parallel_loop3A_561 = arith.constant 32 : index
        %parallel_loop3A_562 = tpu.vector_load %arg11[%parallel_loop3A_560, %parallel_loop3A_561] {strides = array<i32>} : memref<128x128xbf16, #tpu.memory_space<vmem>>, vector<32xbf16>,
        %parallel_loop3A_563 = arith.mulf %parallel_loop3A_559, %parallel_loop3A_562 : vector<32xbf16>
        %parallel_loop3A_564 = arith.index_cast %parallel_loop3A_549 : i32 to index
        %parallel_loop3A_565 = arith.constant 64 : index
        %parallel_loop3A_566 = tpu.vector_load %arg9[%parallel_loop3A_564, %parallel_loop3A_565] {strides = array<i32>} : memref<128x128xbf16, #tpu.memory_space<vmem>>, vector<32xbf16>,
        %parallel_loop3A_567 = arith.index_cast %parallel_loop3A_549 : i32 to index
        %parallel_loop3A_568 = arith.constant 64 : index
        %parallel_loop3A_569 = tpu.vector_load %arg11[%parallel_loop3A_567, %parallel_loop3A_568] {strides = array<i32>} : memref<128x128xbf16, #tpu.memory_space<vmem>>, vector<32xbf16>,
        %parallel_loop3A_570 = arith.mulf %parallel_loop3A_566, %parallel_loop3A_569 : vector<32xbf16>
        %parallel_loop3A_571 = arith.index_cast %parallel_loop3A_549 : i32 to index
        %parallel_loop3A_572 = arith.constant 96 : index
        %parallel_loop3A_573 = tpu.vector_load %arg9[%parallel_loop3A_571, %parallel_loop3A_572] {strides = array<i32>} : memref<128x128xbf16, #tpu.memory_space<vmem>>, vector<32xbf16>,
        %parallel_loop3A_574 = arith.index_cast %parallel_loop3A_549 : i32 to index
        %parallel_loop3A_575 = arith.constant 96 : index
        %parallel_loop3A_576 = tpu.vector_load %arg11[%parallel_loop3A_574, %parallel_loop3A_575] {strides = array<i32>} : memref<128x128xbf16, #tpu.memory_space<vmem>>, vector<32xbf16>,
        %parallel_loop3A_577 = arith.mulf %parallel_loop3A_573, %parallel_loop3A_576 : vector<32xbf16>
        %parallel_loop3A_578 = arith.addf %parallel_loop3A_556, %parallel_loop3A_563 : vector<32xbf16>
        %parallel_loop3A_579 = arith.addf %parallel_loop3A_570, %parallel_loop3A_577 : vector<32xbf16>
        %parallel_loop3A_580 = arith.addf %parallel_loop3A_578, %parallel_loop3A_579 : vector<32xbf16>
        %parallel_loop3A_581 = tpu.unpack_subelements %parallel_loop3A_580, 0 {pack_format = #tpu.pack_format<interleaved>} : vector<32xbf16> -> vector<16xf32>
        %parallel_loop3A_582 = tpu.unpack_subelements %parallel_loop3A_580, 1 {pack_format = #tpu.pack_format<interleaved>} : vector<32xbf16> -> vector<16xf32>
        %parallel_loop3A_583 = arith.addf %parallel_loop3A_581, %parallel_loop3A_582 : vector<16xf32>
        %parallel_loop3A_584 = arith.constant 10 : i32
        %parallel_loop3A_585 = arith.index_cast %parallel_loop3A_111 : i32 to index
        %parallel_loop3A_586 = arith.index_cast %parallel_loop3A_584 : i32 to index
        %parallel_loop3A_587 = arith.constant 0 : index
        %parallel_loop3A_588 = tpu.vector_load %arg12[%parallel_loop3A_585, %parallel_loop3A_586, %parallel_loop3A_587] {strides = array<i32>} : memref<8x16x17xf32, #tpu.memory_space<vmem>>, vector<16xf32>,
        tpu.vector_store %arg12[%parallel_loop3A_585, %parallel_loop3A_586, %parallel_loop3A_587], %parallel_loop3A_583 {strides = array<i32>} : memref<8x16x17xf32, #tpu.memory_space<vmem>>, vector<16xf32>,
        %parallel_loop3A_589 = arith.constant 16 : i32
        %parallel_loop3A_590 = arith.muli %parallel_loop3A_111, %parallel_loop3A_589 : i32
        %parallel_loop3A_591 = arith.constant 11 : i32
        %parallel_loop3A_592 = arith.addi %parallel_loop3A_590, %parallel_loop3A_591 : i32
        %parallel_loop3A_593 = arith.index_cast %parallel_loop3A_592 : i32 to index
        %parallel_loop3A_594 = arith.constant 0 : index
        %parallel_loop3A_595 = tpu.vector_load %arg9[%parallel_loop3A_593, %parallel_loop3A_594] {strides = array<i32>} : memref<128x128xbf16, #tpu.memory_space<vmem>>, vector<32xbf16>,
        %parallel_loop3A_596 = arith.index_cast %parallel_loop3A_592 : i32 to index
        %parallel_loop3A_597 = arith.constant 0 : index
        %parallel_loop3A_598 = tpu.vector_load %arg11[%parallel_loop3A_596, %parallel_loop3A_597] {strides = array<i32>} : memref<128x128xbf16, #tpu.memory_space<vmem>>, vector<32xbf16>,
        %parallel_loop3A_599 = arith.mulf %parallel_loop3A_595, %parallel_loop3A_598 : vector<32xbf16>
        %parallel_loop3A_600 = arith.index_cast %parallel_loop3A_592 : i32 to index
        %parallel_loop3A_601 = arith.constant 32 : index
        %parallel_loop3A_602 = tpu.vector_load %arg9[%parallel_loop3A_600, %parallel_loop3A_601] {strides = array<i32>} : memref<128x128xbf16, #tpu.memory_space<vmem>>, vector<32xbf16>,
        %parallel_loop3A_603 = arith.index_cast %parallel_loop3A_592 : i32 to index
        %parallel_loop3A_604 = arith.constant 32 : index
        %parallel_loop3A_605 = tpu.vector_load %arg11[%parallel_loop3A_603, %parallel_loop3A_604] {strides = array<i32>} : memref<128x128xbf16, #tpu.memory_space<vmem>>, vector<32xbf16>,
        %parallel_loop3A_606 = arith.mulf %parallel_loop3A_602, %parallel_loop3A_605 : vector<32xbf16>
        %parallel_loop3A_607 = arith.index_cast %parallel_loop3A_592 : i32 to index
        %parallel_loop3A_608 = arith.constant 64 : index
        %parallel_loop3A_609 = tpu.vector_load %arg9[%parallel_loop3A_607, %parallel_loop3A_608] {strides = array<i32>} : memref<128x128xbf16, #tpu.memory_space<vmem>>, vector<32xbf16>,
        %parallel_loop3A_610 = arith.index_cast %parallel_loop3A_592 : i32 to index
        %parallel_loop3A_611 = arith.constant 64 : index
        %parallel_loop3A_612 = tpu.vector_load %arg11[%parallel_loop3A_610, %parallel_loop3A_611] {strides = array<i32>} : memref<128x128xbf16, #tpu.memory_space<vmem>>, vector<32xbf16>,
        %parallel_loop3A_613 = arith.mulf %parallel_loop3A_609, %parallel_loop3A_612 : vector<32xbf16>
        %parallel_loop3A_614 = arith.index_cast %parallel_loop3A_592 : i32 to index
        %parallel_loop3A_615 = arith.constant 96 : index
        %parallel_loop3A_616 = tpu.vector_load %arg9[%parallel_loop3A_614, %parallel_loop3A_615] {strides = array<i32>} : memref<128x128xbf16, #tpu.memory_space<vmem>>, vector<32xbf16>,
        %parallel_loop3A_617 = arith.index_cast %parallel_loop3A_592 : i32 to index
        %parallel_loop3A_618 = arith.constant 96 : index
        %parallel_loop3A_619 = tpu.vector_load %arg11[%parallel_loop3A_617, %parallel_loop3A_618] {strides = array<i32>} : memref<128x128xbf16, #tpu.memory_space<vmem>>, vector<32xbf16>,
        %parallel_loop3A_620 = arith.mulf %parallel_loop3A_616, %parallel_loop3A_619 : vector<32xbf16>
        %parallel_loop3A_621 = arith.addf %parallel_loop3A_599, %parallel_loop3A_606 : vector<32xbf16>
        %parallel_loop3A_622 = arith.addf %parallel_loop3A_613, %parallel_loop3A_620 : vector<32xbf16>
        %parallel_loop3A_623 = arith.addf %parallel_loop3A_621, %parallel_loop3A_622 : vector<32xbf16>
        %parallel_loop3A_624 = tpu.unpack_subelements %parallel_loop3A_623, 0 {pack_format = #tpu.pack_format<interleaved>} : vector<32xbf16> -> vector<16xf32>
        %parallel_loop3A_625 = tpu.unpack_subelements %parallel_loop3A_623, 1 {pack_format = #tpu.pack_format<interleaved>} : vector<32xbf16> -> vector<16xf32>
        %parallel_loop3A_626 = arith.addf %parallel_loop3A_624, %parallel_loop3A_625 : vector<16xf32>
        %parallel_loop3A_627 = arith.constant 11 : i32
        %parallel_loop3A_628 = arith.index_cast %parallel_loop3A_111 : i32 to index
        %parallel_loop3A_629 = arith.index_cast %parallel_loop3A_627 : i32 to index
        %parallel_loop3A_630 = arith.constant 0 : index
        %parallel_loop3A_631 = tpu.vector_load %arg12[%parallel_loop3A_628, %parallel_loop3A_629, %parallel_loop3A_630] {strides = array<i32>} : memref<8x16x17xf32, #tpu.memory_space<vmem>>, vector<16xf32>,
        tpu.vector_store %arg12[%parallel_loop3A_628, %parallel_loop3A_629, %parallel_loop3A_630], %parallel_loop3A_626 {strides = array<i32>} : memref<8x16x17xf32, #tpu.memory_space<vmem>>, vector<16xf32>,
        %parallel_loop3A_632 = arith.constant 16 : i32
        %parallel_loop3A_633 = arith.muli %parallel_loop3A_111, %parallel_loop3A_632 : i32
        %parallel_loop3A_634 = arith.constant 12 : i32
        %parallel_loop3A_635 = arith.addi %parallel_loop3A_633, %parallel_loop3A_634 : i32
        %parallel_loop3A_636 = arith.index_cast %parallel_loop3A_635 : i32 to index
        %parallel_loop3A_637 = arith.constant 0 : index
        %parallel_loop3A_638 = tpu.vector_load %arg9[%parallel_loop3A_636, %parallel_loop3A_637] {strides = array<i32>} : memref<128x128xbf16, #tpu.memory_space<vmem>>, vector<32xbf16>,
        %parallel_loop3A_639 = arith.index_cast %parallel_loop3A_635 : i32 to index
        %parallel_loop3A_640 = arith.constant 0 : index
        %parallel_loop3A_641 = tpu.vector_load %arg11[%parallel_loop3A_639, %parallel_loop3A_640] {strides = array<i32>} : memref<128x128xbf16, #tpu.memory_space<vmem>>, vector<32xbf16>,
        %parallel_loop3A_642 = arith.mulf %parallel_loop3A_638, %parallel_loop3A_641 : vector<32xbf16>
        %parallel_loop3A_643 = arith.index_cast %parallel_loop3A_635 : i32 to index
        %parallel_loop3A_644 = arith.constant 32 : index
        %parallel_loop3A_645 = tpu.vector_load %arg9[%parallel_loop3A_643, %parallel_loop3A_644] {strides = array<i32>} : memref<128x128xbf16, #tpu.memory_space<vmem>>, vector<32xbf16>,
        %parallel_loop3A_646 = arith.index_cast %parallel_loop3A_635 : i32 to index
        %parallel_loop3A_647 = arith.constant 32 : index
        %parallel_loop3A_648 = tpu.vector_load %arg11[%parallel_loop3A_646, %parallel_loop3A_647] {strides = array<i32>} : memref<128x128xbf16, #tpu.memory_space<vmem>>, vector<32xbf16>,
        %parallel_loop3A_649 = arith.mulf %parallel_loop3A_645, %parallel_loop3A_648 : vector<32xbf16>
        %parallel_loop3A_650 = arith.index_cast %parallel_loop3A_635 : i32 to index
        %parallel_loop3A_651 = arith.constant 64 : index
        %parallel_loop3A_652 = tpu.vector_load %arg9[%parallel_loop3A_650, %parallel_loop3A_651] {strides = array<i32>} : memref<128x128xbf16, #tpu.memory_space<vmem>>, vector<32xbf16>,
        %parallel_loop3A_653 = arith.index_cast %parallel_loop3A_635 : i32 to index
        %parallel_loop3A_654 = arith.constant 64 : index
        %parallel_loop3A_655 = tpu.vector_load %arg11[%parallel_loop3A_653, %parallel_loop3A_654] {strides = array<i32>} : memref<128x128xbf16, #tpu.memory_space<vmem>>, vector<32xbf16>,
        %parallel_loop3A_656 = arith.mulf %parallel_loop3A_652, %parallel_loop3A_655 : vector<32xbf16>
        %parallel_loop3A_657 = arith.index_cast %parallel_loop3A_635 : i32 to index
        %parallel_loop3A_658 = arith.constant 96 : index
        %parallel_loop3A_659 = tpu.vector_load %arg9[%parallel_loop3A_657, %parallel_loop3A_658] {strides = array<i32>} : memref<128x128xbf16, #tpu.memory_space<vmem>>, vector<32xbf16>,
        %parallel_loop3A_660 = arith.index_cast %parallel_loop3A_635 : i32 to index
        %parallel_loop3A_661 = arith.constant 96 : index
        %parallel_loop3A_662 = tpu.vector_load %arg11[%parallel_loop3A_660, %parallel_loop3A_661] {strides = array<i32>} : memref<128x128xbf16, #tpu.memory_space<vmem>>, vector<32xbf16>,
        %parallel_loop3A_663 = arith.mulf %parallel_loop3A_659, %parallel_loop3A_662 : vector<32xbf16>
        %parallel_loop3A_664 = arith.addf %parallel_loop3A_642, %parallel_loop3A_649 : vector<32xbf16>
        %parallel_loop3A_665 = arith.addf %parallel_loop3A_656, %parallel_loop3A_663 : vector<32xbf16>
        %parallel_loop3A_666 = arith.addf %parallel_loop3A_664, %parallel_loop3A_665 : vector<32xbf16>
        %parallel_loop3A_667 = tpu.unpack_subelements %parallel_loop3A_666, 0 {pack_format = #tpu.pack_format<interleaved>} : vector<32xbf16> -> vector<16xf32>
        %parallel_loop3A_668 = tpu.unpack_subelements %parallel_loop3A_666, 1 {pack_format = #tpu.pack_format<interleaved>} : vector<32xbf16> -> vector<16xf32>
        %parallel_loop3A_669 = arith.addf %parallel_loop3A_667, %parallel_loop3A_668 : vector<16xf32>
        %parallel_loop3A_670 = arith.constant 12 : i32
        %parallel_loop3A_671 = arith.index_cast %parallel_loop3A_111 : i32 to index
        %parallel_loop3A_672 = arith.index_cast %parallel_loop3A_670 : i32 to index
        %parallel_loop3A_673 = arith.constant 0 : index
        %parallel_loop3A_674 = tpu.vector_load %arg12[%parallel_loop3A_671, %parallel_loop3A_672, %parallel_loop3A_673] {strides = array<i32>} : memref<8x16x17xf32, #tpu.memory_space<vmem>>, vector<16xf32>,
        tpu.vector_store %arg12[%parallel_loop3A_671, %parallel_loop3A_672, %parallel_loop3A_673], %parallel_loop3A_669 {strides = array<i32>} : memref<8x16x17xf32, #tpu.memory_space<vmem>>, vector<16xf32>,
        %parallel_loop3A_675 = arith.constant 16 : i32
        %parallel_loop3A_676 = arith.muli %parallel_loop3A_111, %parallel_loop3A_675 : i32
        %parallel_loop3A_677 = arith.constant 13 : i32
        %parallel_loop3A_678 = arith.addi %parallel_loop3A_676, %parallel_loop3A_677 : i32
        %parallel_loop3A_679 = arith.index_cast %parallel_loop3A_678 : i32 to index
        %parallel_loop3A_680 = arith.constant 0 : index
        %parallel_loop3A_681 = tpu.vector_load %arg9[%parallel_loop3A_679, %parallel_loop3A_680] {strides = array<i32>} : memref<128x128xbf16, #tpu.memory_space<vmem>>, vector<32xbf16>,
        %parallel_loop3A_682 = arith.index_cast %parallel_loop3A_678 : i32 to index
        %parallel_loop3A_683 = arith.constant 0 : index
        %parallel_loop3A_684 = tpu.vector_load %arg11[%parallel_loop3A_682, %parallel_loop3A_683] {strides = array<i32>} : memref<128x128xbf16, #tpu.memory_space<vmem>>, vector<32xbf16>,
        %parallel_loop3A_685 = arith.mulf %parallel_loop3A_681, %parallel_loop3A_684 : vector<32xbf16>
        %parallel_loop3A_686 = arith.index_cast %parallel_loop3A_678 : i32 to index
        %parallel_loop3A_687 = arith.constant 32 : index
        %parallel_loop3A_688 = tpu.vector_load %arg9[%parallel_loop3A_686, %parallel_loop3A_687] {strides = array<i32>} : memref<128x128xbf16, #tpu.memory_space<vmem>>, vector<32xbf16>,
        %parallel_loop3A_689 = arith.index_cast %parallel_loop3A_678 : i32 to index
        %parallel_loop3A_690 = arith.constant 32 : index
        %parallel_loop3A_691 = tpu.vector_load %arg11[%parallel_loop3A_689, %parallel_loop3A_690] {strides = array<i32>} : memref<128x128xbf16, #tpu.memory_space<vmem>>, vector<32xbf16>,
        %parallel_loop3A_692 = arith.mulf %parallel_loop3A_688, %parallel_loop3A_691 : vector<32xbf16>
        %parallel_loop3A_693 = arith.index_cast %parallel_loop3A_678 : i32 to index
        %parallel_loop3A_694 = arith.constant 64 : index
        %parallel_loop3A_695 = tpu.vector_load %arg9[%parallel_loop3A_693, %parallel_loop3A_694] {strides = array<i32>} : memref<128x128xbf16, #tpu.memory_space<vmem>>, vector<32xbf16>,
        %parallel_loop3A_696 = arith.index_cast %parallel_loop3A_678 : i32 to index
        %parallel_loop3A_697 = arith.constant 64 : index
        %parallel_loop3A_698 = tpu.vector_load %arg11[%parallel_loop3A_696, %parallel_loop3A_697] {strides = array<i32>} : memref<128x128xbf16, #tpu.memory_space<vmem>>, vector<32xbf16>,
        %parallel_loop3A_699 = arith.mulf %parallel_loop3A_695, %parallel_loop3A_698 : vector<32xbf16>
        %parallel_loop3A_700 = arith.index_cast %parallel_loop3A_678 : i32 to index
        %parallel_loop3A_701 = arith.constant 96 : index
        %parallel_loop3A_702 = tpu.vector_load %arg9[%parallel_loop3A_700, %parallel_loop3A_701] {strides = array<i32>} : memref<128x128xbf16, #tpu.memory_space<vmem>>, vector<32xbf16>,
        %parallel_loop3A_703 = arith.index_cast %parallel_loop3A_678 : i32 to index
        %parallel_loop3A_704 = arith.constant 96 : index
        %parallel_loop3A_705 = tpu.vector_load %arg11[%parallel_loop3A_703, %parallel_loop3A_704] {strides = array<i32>} : memref<128x128xbf16, #tpu.memory_space<vmem>>, vector<32xbf16>,
        %parallel_loop3A_706 = arith.mulf %parallel_loop3A_702, %parallel_loop3A_705 : vector<32xbf16>
        %parallel_loop3A_707 = arith.addf %parallel_loop3A_685, %parallel_loop3A_692 : vector<32xbf16>
        %parallel_loop3A_708 = arith.addf %parallel_loop3A_699, %parallel_loop3A_706 : vector<32xbf16>
        %parallel_loop3A_709 = arith.addf %parallel_loop3A_707, %parallel_loop3A_708 : vector<32xbf16>
        %parallel_loop3A_710 = tpu.unpack_subelements %parallel_loop3A_709, 0 {pack_format = #tpu.pack_format<interleaved>} : vector<32xbf16> -> vector<16xf32>
        %parallel_loop3A_711 = tpu.unpack_subelements %parallel_loop3A_709, 1 {pack_format = #tpu.pack_format<interleaved>} : vector<32xbf16> -> vector<16xf32>
        %parallel_loop3A_712 = arith.addf %parallel_loop3A_710, %parallel_loop3A_711 : vector<16xf32>
        %parallel_loop3A_713 = arith.constant 13 : i32
        %parallel_loop3A_714 = arith.index_cast %parallel_loop3A_111 : i32 to index
        %parallel_loop3A_715 = arith.index_cast %parallel_loop3A_713 : i32 to index
        %parallel_loop3A_716 = arith.constant 0 : index
        %parallel_loop3A_717 = tpu.vector_load %arg12[%parallel_loop3A_714, %parallel_loop3A_715, %parallel_loop3A_716] {strides = array<i32>} : memref<8x16x17xf32, #tpu.memory_space<vmem>>, vector<16xf32>,
        tpu.vector_store %arg12[%parallel_loop3A_714, %parallel_loop3A_715, %parallel_loop3A_716], %parallel_loop3A_712 {strides = array<i32>} : memref<8x16x17xf32, #tpu.memory_space<vmem>>, vector<16xf32>,
        %parallel_loop3A_718 = arith.constant 16 : i32
        %parallel_loop3A_719 = arith.muli %parallel_loop3A_111, %parallel_loop3A_718 : i32
        %parallel_loop3A_720 = arith.constant 14 : i32
        %parallel_loop3A_721 = arith.addi %parallel_loop3A_719, %parallel_loop3A_720 : i32
        %parallel_loop3A_722 = arith.index_cast %parallel_loop3A_721 : i32 to index
        %parallel_loop3A_723 = arith.constant 0 : index
        %parallel_loop3A_724 = tpu.vector_load %arg9[%parallel_loop3A_722, %parallel_loop3A_723] {strides = array<i32>} : memref<128x128xbf16, #tpu.memory_space<vmem>>, vector<32xbf16>,
        %parallel_loop3A_725 = arith.index_cast %parallel_loop3A_721 : i32 to index
        %parallel_loop3A_726 = arith.constant 0 : index
        %parallel_loop3A_727 = tpu.vector_load %arg11[%parallel_loop3A_725, %parallel_loop3A_726] {strides = array<i32>} : memref<128x128xbf16, #tpu.memory_space<vmem>>, vector<32xbf16>,
        %parallel_loop3A_728 = arith.mulf %parallel_loop3A_724, %parallel_loop3A_727 : vector<32xbf16>
        %parallel_loop3A_729 = arith.index_cast %parallel_loop3A_721 : i32 to index
        %parallel_loop3A_730 = arith.constant 32 : index
        %parallel_loop3A_731 = tpu.vector_load %arg9[%parallel_loop3A_729, %parallel_loop3A_730] {strides = array<i32>} : memref<128x128xbf16, #tpu.memory_space<vmem>>, vector<32xbf16>,
        %parallel_loop3A_732 = arith.index_cast %parallel_loop3A_721 : i32 to index
        %parallel_loop3A_733 = arith.constant 32 : index
        %parallel_loop3A_734 = tpu.vector_load %arg11[%parallel_loop3A_732, %parallel_loop3A_733] {strides = array<i32>} : memref<128x128xbf16, #tpu.memory_space<vmem>>, vector<32xbf16>,
        %parallel_loop3A_735 = arith.mulf %parallel_loop3A_731, %parallel_loop3A_734 : vector<32xbf16>
        %parallel_loop3A_736 = arith.index_cast %parallel_loop3A_721 : i32 to index
        %parallel_loop3A_737 = arith.constant 64 : index
        %parallel_loop3A_738 = tpu.vector_load %arg9[%parallel_loop3A_736, %parallel_loop3A_737] {strides = array<i32>} : memref<128x128xbf16, #tpu.memory_space<vmem>>, vector<32xbf16>,
        %parallel_loop3A_739 = arith.index_cast %parallel_loop3A_721 : i32 to index
        %parallel_loop3A_740 = arith.constant 64 : index
        %parallel_loop3A_741 = tpu.vector_load %arg11[%parallel_loop3A_739, %parallel_loop3A_740] {strides = array<i32>} : memref<128x128xbf16, #tpu.memory_space<vmem>>, vector<32xbf16>,
        %parallel_loop3A_742 = arith.mulf %parallel_loop3A_738, %parallel_loop3A_741 : vector<32xbf16>
        %parallel_loop3A_743 = arith.index_cast %parallel_loop3A_721 : i32 to index
        %parallel_loop3A_744 = arith.constant 96 : index
        %parallel_loop3A_745 = tpu.vector_load %arg9[%parallel_loop3A_743, %parallel_loop3A_744] {strides = array<i32>} : memref<128x128xbf16, #tpu.memory_space<vmem>>, vector<32xbf16>,
        %parallel_loop3A_746 = arith.index_cast %parallel_loop3A_721 : i32 to index
        %parallel_loop3A_747 = arith.constant 96 : index
        %parallel_loop3A_748 = tpu.vector_load %arg11[%parallel_loop3A_746, %parallel_loop3A_747] {strides = array<i32>} : memref<128x128xbf16, #tpu.memory_space<vmem>>, vector<32xbf16>,
        %parallel_loop3A_749 = arith.mulf %parallel_loop3A_745, %parallel_loop3A_748 : vector<32xbf16>
        %parallel_loop3A_750 = arith.addf %parallel_loop3A_728, %parallel_loop3A_735 : vector<32xbf16>
        %parallel_loop3A_751 = arith.addf %parallel_loop3A_742, %parallel_loop3A_749 : vector<32xbf16>
        %parallel_loop3A_752 = arith.addf %parallel_loop3A_750, %parallel_loop3A_751 : vector<32xbf16>
        %parallel_loop3A_753 = tpu.unpack_subelements %parallel_loop3A_752, 0 {pack_format = #tpu.pack_format<interleaved>} : vector<32xbf16> -> vector<16xf32>
        %parallel_loop3A_754 = tpu.unpack_subelements %parallel_loop3A_752, 1 {pack_format = #tpu.pack_format<interleaved>} : vector<32xbf16> -> vector<16xf32>
        %parallel_loop3A_755 = arith.addf %parallel_loop3A_753, %parallel_loop3A_754 : vector<16xf32>
        %parallel_loop3A_756 = arith.constant 14 : i32
        %parallel_loop3A_757 = arith.index_cast %parallel_loop3A_111 : i32 to index
        %parallel_loop3A_758 = arith.index_cast %parallel_loop3A_756 : i32 to index
        %parallel_loop3A_759 = arith.constant 0 : index
        %parallel_loop3A_760 = tpu.vector_load %arg12[%parallel_loop3A_757, %parallel_loop3A_758, %parallel_loop3A_759] {strides = array<i32>} : memref<8x16x17xf32, #tpu.memory_space<vmem>>, vector<16xf32>,
        tpu.vector_store %arg12[%parallel_loop3A_757, %parallel_loop3A_758, %parallel_loop3A_759], %parallel_loop3A_755 {strides = array<i32>} : memref<8x16x17xf32, #tpu.memory_space<vmem>>, vector<16xf32>,
        %parallel_loop3A_761 = arith.constant 16 : i32
        %parallel_loop3A_762 = arith.muli %parallel_loop3A_111, %parallel_loop3A_761 : i32
        %parallel_loop3A_763 = arith.constant 15 : i32
        %parallel_loop3A_764 = arith.addi %parallel_loop3A_762, %parallel_loop3A_763 : i32
        %parallel_loop3A_765 = arith.index_cast %parallel_loop3A_764 : i32 to index
        %parallel_loop3A_766 = arith.constant 0 : index
        %parallel_loop3A_767 = tpu.vector_load %arg9[%parallel_loop3A_765, %parallel_loop3A_766] {strides = array<i32>} : memref<128x128xbf16, #tpu.memory_space<vmem>>, vector<32xbf16>,
        %parallel_loop3A_768 = arith.index_cast %parallel_loop3A_764 : i32 to index
        %parallel_loop3A_769 = arith.constant 0 : index
        %parallel_loop3A_770 = tpu.vector_load %arg11[%parallel_loop3A_768, %parallel_loop3A_769] {strides = array<i32>} : memref<128x128xbf16, #tpu.memory_space<vmem>>, vector<32xbf16>,
        %parallel_loop3A_771 = arith.mulf %parallel_loop3A_767, %parallel_loop3A_770 : vector<32xbf16>
        %parallel_loop3A_772 = arith.index_cast %parallel_loop3A_764 : i32 to index
        %parallel_loop3A_773 = arith.constant 32 : index
        %parallel_loop3A_774 = tpu.vector_load %arg9[%parallel_loop3A_772, %parallel_loop3A_773] {strides = array<i32>} : memref<128x128xbf16, #tpu.memory_space<vmem>>, vector<32xbf16>,
        %parallel_loop3A_775 = arith.index_cast %parallel_loop3A_764 : i32 to index
        %parallel_loop3A_776 = arith.constant 32 : index
        %parallel_loop3A_777 = tpu.vector_load %arg11[%parallel_loop3A_775, %parallel_loop3A_776] {strides = array<i32>} : memref<128x128xbf16, #tpu.memory_space<vmem>>, vector<32xbf16>,
        %parallel_loop3A_778 = arith.mulf %parallel_loop3A_774, %parallel_loop3A_777 : vector<32xbf16>
        %parallel_loop3A_779 = arith.index_cast %parallel_loop3A_764 : i32 to index
        %parallel_loop3A_780 = arith.constant 64 : index
        %parallel_loop3A_781 = tpu.vector_load %arg9[%parallel_loop3A_779, %parallel_loop3A_780] {strides = array<i32>} : memref<128x128xbf16, #tpu.memory_space<vmem>>, vector<32xbf16>,
        %parallel_loop3A_782 = arith.index_cast %parallel_loop3A_764 : i32 to index
        %parallel_loop3A_783 = arith.constant 64 : index
        %parallel_loop3A_784 = tpu.vector_load %arg11[%parallel_loop3A_782, %parallel_loop3A_783] {strides = array<i32>} : memref<128x128xbf16, #tpu.memory_space<vmem>>, vector<32xbf16>,
        %parallel_loop3A_785 = arith.mulf %parallel_loop3A_781, %parallel_loop3A_784 : vector<32xbf16>
        %parallel_loop3A_786 = arith.index_cast %parallel_loop3A_764 : i32 to index
        %parallel_loop3A_787 = arith.constant 96 : index
        %parallel_loop3A_788 = tpu.vector_load %arg9[%parallel_loop3A_786, %parallel_loop3A_787] {strides = array<i32>} : memref<128x128xbf16, #tpu.memory_space<vmem>>, vector<32xbf16>,
        %parallel_loop3A_789 = arith.index_cast %parallel_loop3A_764 : i32 to index
        %parallel_loop3A_790 = arith.constant 96 : index
        %parallel_loop3A_791 = tpu.vector_load %arg11[%parallel_loop3A_789, %parallel_loop3A_790] {strides = array<i32>} : memref<128x128xbf16, #tpu.memory_space<vmem>>, vector<32xbf16>,
        %parallel_loop3A_792 = arith.mulf %parallel_loop3A_788, %parallel_loop3A_791 : vector<32xbf16>
        %parallel_loop3A_793 = arith.addf %parallel_loop3A_771, %parallel_loop3A_778 : vector<32xbf16>
        %parallel_loop3A_794 = arith.addf %parallel_loop3A_785, %parallel_loop3A_792 : vector<32xbf16>
        %parallel_loop3A_795 = arith.addf %parallel_loop3A_793, %parallel_loop3A_794 : vector<32xbf16>
        %parallel_loop3A_796 = tpu.unpack_subelements %parallel_loop3A_795, 0 {pack_format = #tpu.pack_format<interleaved>} : vector<32xbf16> -> vector<16xf32>
        %parallel_loop3A_797 = tpu.unpack_subelements %parallel_loop3A_795, 1 {pack_format = #tpu.pack_format<interleaved>} : vector<32xbf16> -> vector<16xf32>
        %parallel_loop3A_798 = arith.addf %parallel_loop3A_796, %parallel_loop3A_797 : vector<16xf32>
        %parallel_loop3A_799 = arith.constant 15 : i32
        %parallel_loop3A_800 = arith.index_cast %parallel_loop3A_111 : i32 to index
        %parallel_loop3A_801 = arith.index_cast %parallel_loop3A_799 : i32 to index
        %parallel_loop3A_802 = arith.constant 0 : index
        %parallel_loop3A_803 = tpu.vector_load %arg12[%parallel_loop3A_800, %parallel_loop3A_801, %parallel_loop3A_802] {strides = array<i32>} : memref<8x16x17xf32, #tpu.memory_space<vmem>>, vector<16xf32>,
        tpu.vector_store %arg12[%parallel_loop3A_800, %parallel_loop3A_801, %parallel_loop3A_802], %parallel_loop3A_798 {strides = array<i32>} : memref<8x16x17xf32, #tpu.memory_space<vmem>>, vector<16xf32>,
        %parallel_loop3A_804 = tpu.iota {dimensions = array<i32: 0>} : vector<16xi32>
        %parallel_loop3A_805 = arith.constant 0.000000e+00 : f32
        %parallel_loop3A_806 = vector.broadcast %parallel_loop3A_805 : f32 to vector<16xf32>
        %parallel_loop3A_807 = arith.constant 0.000000e+00 : f32
        %parallel_loop3A_808 = vector.broadcast %parallel_loop3A_807 : f32 to vector<16xf32>
        %parallel_loop3A_809 = arith.constant 0.000000e+00 : f32
        %parallel_loop3A_810 = vector.broadcast %parallel_loop3A_809 : f32 to vector<16xf32>
        %parallel_loop3A_811 = arith.constant 0.000000e+00 : f32
        %parallel_loop3A_812 = vector.broadcast %parallel_loop3A_811 : f32 to vector<16xf32>
        %parallel_loop3A_813 = arith.constant 0 : i32
        %parallel_loop3A_814 = vector.broadcast %parallel_loop3A_813 : i32 to vector<16xi32>
        %parallel_loop3A_815 = tpu.vector_load_idx %arg12[%parallel_loop3A_115, %parallel_loop3A_804, %parallel_loop3A_814] : memref<8x16x17xf32, #tpu.memory_space<vmem>>[vector<16xi32>, vector<16xi32>, vector<16xi32>], vector<16xf32>,
        %parallel_loop3A_816 = arith.addf %parallel_loop3A_806, %parallel_loop3A_815 : vector<16xf32>
        %parallel_loop3A_817 = arith.constant 1 : i32
        %parallel_loop3A_818 = vector.broadcast %parallel_loop3A_817 : i32 to vector<16xi32>
        %parallel_loop3A_819 = tpu.vector_load_idx %arg12[%parallel_loop3A_115, %parallel_loop3A_804, %parallel_loop3A_818] : memref<8x16x17xf32, #tpu.memory_space<vmem>>[vector<16xi32>, vector<16xi32>, vector<16xi32>], vector<16xf32>,
        %parallel_loop3A_820 = arith.addf %parallel_loop3A_808, %parallel_loop3A_819 : vector<16xf32>
        %parallel_loop3A_821 = arith.constant 2 : i32
        %parallel_loop3A_822 = vector.broadcast %parallel_loop3A_821 : i32 to vector<16xi32>
        %parallel_loop3A_823 = tpu.vector_load_idx %arg12[%parallel_loop3A_115, %parallel_loop3A_804, %parallel_loop3A_822] : memref<8x16x17xf32, #tpu.memory_space<vmem>>[vector<16xi32>, vector<16xi32>, vector<16xi32>], vector<16xf32>,
        %parallel_loop3A_824 = arith.addf %parallel_loop3A_810, %parallel_loop3A_823 : vector<16xf32>
        %parallel_loop3A_825 = arith.constant 3 : i32
        %parallel_loop3A_826 = vector.broadcast %parallel_loop3A_825 : i32 to vector<16xi32>
        %parallel_loop3A_827 = tpu.vector_load_idx %arg12[%parallel_loop3A_115, %parallel_loop3A_804, %parallel_loop3A_826] : memref<8x16x17xf32, #tpu.memory_space<vmem>>[vector<16xi32>, vector<16xi32>, vector<16xi32>], vector<16xf32>,
        %parallel_loop3A_828 = arith.addf %parallel_loop3A_812, %parallel_loop3A_827 : vector<16xf32>
        %parallel_loop3A_829 = arith.constant 4 : i32
        %parallel_loop3A_830 = vector.broadcast %parallel_loop3A_829 : i32 to vector<16xi32>
        %parallel_loop3A_831 = tpu.vector_load_idx %arg12[%parallel_loop3A_115, %parallel_loop3A_804, %parallel_loop3A_830] : memref<8x16x17xf32, #tpu.memory_space<vmem>>[vector<16xi32>, vector<16xi32>, vector<16xi32>], vector<16xf32>,
        %parallel_loop3A_832 = arith.addf %parallel_loop3A_816, %parallel_loop3A_831 : vector<16xf32>
        %parallel_loop3A_833 = arith.constant 5 : i32
        %parallel_loop3A_834 = vector.broadcast %parallel_loop3A_833 : i32 to vector<16xi32>
        %parallel_loop3A_835 = tpu.vector_load_idx %arg12[%parallel_loop3A_115, %parallel_loop3A_804, %parallel_loop3A_834] : memref<8x16x17xf32, #tpu.memory_space<vmem>>[vector<16xi32>, vector<16xi32>, vector<16xi32>], vector<16xf32>,
        %parallel_loop3A_836 = arith.addf %parallel_loop3A_820, %parallel_loop3A_835 : vector<16xf32>
        %parallel_loop3A_837 = arith.constant 6 : i32
        %parallel_loop3A_838 = vector.broadcast %parallel_loop3A_837 : i32 to vector<16xi32>
        %parallel_loop3A_839 = tpu.vector_load_idx %arg12[%parallel_loop3A_115, %parallel_loop3A_804, %parallel_loop3A_838] : memref<8x16x17xf32, #tpu.memory_space<vmem>>[vector<16xi32>, vector<16xi32>, vector<16xi32>], vector<16xf32>,
        %parallel_loop3A_840 = arith.addf %parallel_loop3A_824, %parallel_loop3A_839 : vector<16xf32>
        %parallel_loop3A_841 = arith.constant 7 : i32
        %parallel_loop3A_842 = vector.broadcast %parallel_loop3A_841 : i32 to vector<16xi32>
        %parallel_loop3A_843 = tpu.vector_load_idx %arg12[%parallel_loop3A_115, %parallel_loop3A_804, %parallel_loop3A_842] : memref<8x16x17xf32, #tpu.memory_space<vmem>>[vector<16xi32>, vector<16xi32>, vector<16xi32>], vector<16xf32>,
        %parallel_loop3A_844 = arith.addf %parallel_loop3A_828, %parallel_loop3A_843 : vector<16xf32>
        %parallel_loop3A_845 = arith.constant 8 : i32
        %parallel_loop3A_846 = vector.broadcast %parallel_loop3A_845 : i32 to vector<16xi32>
        %parallel_loop3A_847 = tpu.vector_load_idx %arg12[%parallel_loop3A_115, %parallel_loop3A_804, %parallel_loop3A_846] : memref<8x16x17xf32, #tpu.memory_space<vmem>>[vector<16xi32>, vector<16xi32>, vector<16xi32>], vector<16xf32>,
        %parallel_loop3A_848 = arith.addf %parallel_loop3A_832, %parallel_loop3A_847 : vector<16xf32>
        %parallel_loop3A_849 = arith.constant 9 : i32
        %parallel_loop3A_850 = vector.broadcast %parallel_loop3A_849 : i32 to vector<16xi32>
        %parallel_loop3A_851 = tpu.vector_load_idx %arg12[%parallel_loop3A_115, %parallel_loop3A_804, %parallel_loop3A_850] : memref<8x16x17xf32, #tpu.memory_space<vmem>>[vector<16xi32>, vector<16xi32>, vector<16xi32>], vector<16xf32>,
        %parallel_loop3A_852 = arith.addf %parallel_loop3A_836, %parallel_loop3A_851 : vector<16xf32>
        %parallel_loop3A_853 = arith.constant 10 : i32
        %parallel_loop3A_854 = vector.broadcast %parallel_loop3A_853 : i32 to vector<16xi32>
        %parallel_loop3A_855 = tpu.vector_load_idx %arg12[%parallel_loop3A_115, %parallel_loop3A_804, %parallel_loop3A_854] : memref<8x16x17xf32, #tpu.memory_space<vmem>>[vector<16xi32>, vector<16xi32>, vector<16xi32>], vector<16xf32>,
        %parallel_loop3A_856 = arith.addf %parallel_loop3A_840, %parallel_loop3A_855 : vector<16xf32>
        %parallel_loop3A_857 = arith.constant 11 : i32
        %parallel_loop3A_858 = vector.broadcast %parallel_loop3A_857 : i32 to vector<16xi32>
        %parallel_loop3A_859 = tpu.vector_load_idx %arg12[%parallel_loop3A_115, %parallel_loop3A_804, %parallel_loop3A_858] : memref<8x16x17xf32, #tpu.memory_space<vmem>>[vector<16xi32>, vector<16xi32>, vector<16xi32>], vector<16xf32>,
        %parallel_loop3A_860 = arith.addf %parallel_loop3A_844, %parallel_loop3A_859 : vector<16xf32>
        %parallel_loop3A_861 = arith.constant 12 : i32
        %parallel_loop3A_862 = vector.broadcast %parallel_loop3A_861 : i32 to vector<16xi32>
        %parallel_loop3A_863 = tpu.vector_load_idx %arg12[%parallel_loop3A_115, %parallel_loop3A_804, %parallel_loop3A_862] : memref<8x16x17xf32, #tpu.memory_space<vmem>>[vector<16xi32>, vector<16xi32>, vector<16xi32>], vector<16xf32>,
        %parallel_loop3A_864 = arith.addf %parallel_loop3A_848, %parallel_loop3A_863 : vector<16xf32>
        %parallel_loop3A_865 = arith.constant 13 : i32
        %parallel_loop3A_866 = vector.broadcast %parallel_loop3A_865 : i32 to vector<16xi32>
        %parallel_loop3A_867 = tpu.vector_load_idx %arg12[%parallel_loop3A_115, %parallel_loop3A_804, %parallel_loop3A_866] : memref<8x16x17xf32, #tpu.memory_space<vmem>>[vector<16xi32>, vector<16xi32>, vector<16xi32>], vector<16xf32>,
        %parallel_loop3A_868 = arith.addf %parallel_loop3A_852, %parallel_loop3A_867 : vector<16xf32>
        %parallel_loop3A_869 = arith.constant 14 : i32
        %parallel_loop3A_870 = vector.broadcast %parallel_loop3A_869 : i32 to vector<16xi32>
        %parallel_loop3A_871 = tpu.vector_load_idx %arg12[%parallel_loop3A_115, %parallel_loop3A_804, %parallel_loop3A_870] : memref<8x16x17xf32, #tpu.memory_space<vmem>>[vector<16xi32>, vector<16xi32>, vector<16xi32>], vector<16xf32>,
        %parallel_loop3A_872 = arith.addf %parallel_loop3A_856, %parallel_loop3A_871 : vector<16xf32>
        %parallel_loop3A_873 = arith.constant 15 : i32
        %parallel_loop3A_874 = vector.broadcast %parallel_loop3A_873 : i32 to vector<16xi32>
        %parallel_loop3A_875 = tpu.vector_load_idx %arg12[%parallel_loop3A_115, %parallel_loop3A_804, %parallel_loop3A_874] : memref<8x16x17xf32, #tpu.memory_space<vmem>>[vector<16xi32>, vector<16xi32>, vector<16xi32>], vector<16xf32>,
        %parallel_loop3A_876 = arith.addf %parallel_loop3A_860, %parallel_loop3A_875 : vector<16xf32>
        %parallel_loop3A_877 = arith.addf %parallel_loop3A_864, %parallel_loop3A_868 : vector<16xf32>
        %parallel_loop3A_878 = arith.addf %parallel_loop3A_872, %parallel_loop3A_876 : vector<16xf32>
        %parallel_loop3A_879 = arith.addf %parallel_loop3A_877, %parallel_loop3A_878 : vector<16xf32>
        %parallel_loop3A_880 = arith.constant 16 : i32
        %parallel_loop3A_881 = arith.muli %parallel_loop3A_111, %parallel_loop3A_880 : i32
        %parallel_loop3A_882 = arith.addi %min3A_107, %parallel_loop3A_881 : i32
        %parallel_loop3A_883 = arith.index_cast %parallel_loop3A_882 : i32 to index
        %parallel_loop3A_884 = tpu.vector_load %arg13[%parallel_loop3A_883] {strides = array<i32>} : memref<10000xf32, #tpu.memory_space<vmem>>, vector<16xf32>,
        tpu.vector_store %arg13[%parallel_loop3A_883], %parallel_loop3A_879 {strides = array<i32>} : memref<10000xf32, #tpu.memory_space<vmem>>, vector<16xf32>,
      } {sc.loop_unroll_factor = 2 : i64, sc.parallel_access}
    }
    %scan3A_29 = arith.constant 40 : i32
    "tpu.region"() ({
      %run_scoped3A = tpu.sem_alloc : memref<!tpu.dma_semaphore, #tpu.memory_space<semaphore_mem>>
      %dma_start3A_30 = tpu.memref_slice %arg5[%mul3A_2] : memref<320000xf32, #tpu.memory_space<hbm>> -> memref<10000xf32, #tpu.memory_space<hbm>>
      %dma_start3A_31 = tpu.memref_slice %arg5[%mul3A_2] : memref<320000xf32, #tpu.memory_space<hbm>> -> memref<10000xf32, #tpu.memory_space<hbm>>
      tpu.enqueue_dma source(%arg13 : memref<10000xf32, #tpu.memory_space<vmem>>) target(%dma_start3A_31 : memref<10000xf32, #tpu.memory_space<hbm>>) target_semaphore(%run_scoped3A : memref<!tpu.dma_semaphore, #tpu.memory_space<semaphore_mem>>)
      %dma_wait3A = tpu.memref_slice %arg5[%mul3A_2] : memref<320000xf32, #tpu.memory_space<hbm>> -> memref<10000xf32, #tpu.memory_space<hbm>>
      %dma_wait3A_32 = tpu.memref_slice %arg5[%mul3A_2] : memref<320000xf32, #tpu.memory_space<hbm>> -> memref<10000xf32, #tpu.memory_space<hbm>>
      tpu.wait_dma2 semaphore(%run_scoped3A : memref<!tpu.dma_semaphore, #tpu.memory_space<semaphore_mem>>) src(%arg13 : memref<10000xf32, #tpu.memory_space<vmem>>) dst(%dma_wait3A_32 : memref<10000xf32, #tpu.memory_space<hbm>>)
      tpu.yield
    }) : () -> ()
    return
  }
}

</mosaic_0001>

<sc_bundles>
// kernel: _dot_pred.3.cloned.1.call-start
scs
__scs_entry_jumppad:
0x0: {  	(pc) =	sbr.rel $0x88, $3  }
0x1: {  	(tag) =	ssettag $0x0;
	lr =	simm.s32 $0x1  }
0x2: {  	[smem:$0x3F9E] =	sst lr;
	_ =	strace $0xD0000000  }
0x3: {  	_ = 	snop  }
0x4: {  	_ = 	snop  }
0x5: {  	_ = 	snop  }
0x6: {  	_ = 	snop  }
0x7: {  	_ = 	snop  }
__scs_overlays_trampoline_lowered:
0x8: {  	[smem:$0x3FAD] =	sst s0  }
0x9: {  	[smem:$0x3FAE] =	sst s1  }
0xa: {  	[smem:$0x3FAF] =	sst s2  }
0xb: {  	[smem:$0x3FB0] =	sst s3  }
0xc: {  	[smem:$0x3FB1] =	sst s4  }
0xd: {  	[smem:$0x3FB2] =	sst s5  }
0xe: {  	[smem:$0x3FB3] =	sst s6  }
0xf: {  	[smem:$0x3FB4] =	sst s7  }
0x10: {  	[smem:$0x3FB5] =	sst s8  }
0x11: {  	[smem:$0x3FB6] =	sst s9;
	s0 =	simm.s32 @!p0 $0x0  }
0x12: {  	s1 =	sld [smem:$0x3F9C];
	s0 =	simm.s32 @p0 $0x1  }
0x13: {  	[smem:$0x3FB7] =	sst s0;
	s0 =	simm.s32 @!p1 $0x0  }
0x14: {  	s2 =	sld [smem:$0x3F9B];
	s0 =	simm.s32 @p1 $0x1  }
0x15: {  	[smem:$0x3FB8] =	sst s0;
	s0 =	simm.s32 @!p2 $0x0  }
0x16: {  	s3 =	sld [smem:$0x3FDB];
	s0 =	simm.s32 @p2 $0x1  }
0x17: {  	s4 =	simm.s32 $0x1BF5;
	[smem:$0x3FBA] =	sst s0  }
0x18: {  	s0 =	sld [smem:$0x3F9D];
	_ =	swait.ge [sflag:s4], $0x0  }
0x19: {  	s7 =	sld [smem:$0x3F9E]  }
0x1a: {  	s8 =	sadd.s32 $0xFFFFE003, lr  }
0x1b: {  	s9 =	sadd.s32 $0xFFFFFEF7, lr;
	s5 =	simm.s32 $0xFFFFFFFF;
	p2 =	slt.u32 s8, $0xFFFFF086  }
0x1c: {  	p1 =	slt.u32 s9, $0xF7A;
	s5 =	simm.s32 @!p2 $0x0  }
0x1d: {  	s5 =	simm.s32 @p1 $0x1;
	p0 =	seq.s32 s7, s2  }
0x1e: {  	s7 =	smul.u32 @!p0 $0xF7A, s2;
	p2 =	seq.s32 @!p0 s5, $0x0  }
0x1f: {  	s9 =	smul.u32 $0xF7A, s1;
	s8 =	simm.s32 @!p0 $0x1BF5;
	p2 =	por !p2, p0  }
0x20: {  	[sflag:s8] =	ssyncset.s32 @!p0 $0xFFFFF086;
	s6 =	sadd.s32 @!p0 s3, s7;
	s7 =	simm.s32 @!p0 $0x108  }
0x21: {  	s3 =	sadd.s32 s3, s9;
	s6 =	sadd.s32 @!p0 $0x88, s6;
	s7 =	simm.s32 @p2 $0x1082  }
0x22: {  	[simem:s7], [sflag:s8] =	dma.local @!p0 [hbm:s6], $0xF7A  }
0x23: {  	s9 =	sor.u32 $0xD0000000, s2;
	s6 =	simm.s32 $0x108;
	_ =	swait.ge @!p0 [sflag:s8], $0x0  }
0x24: {  	s3 =	sadd.s32 $0x88, s3;
	s6 =	simm.s32 @!p1 $0x1082;
	[sflag:s4] =	ssyncset.s32 $0xFFFFF086  }
0x25: {  	[simem:s6], [sflag:s4] =	dma.local [hbm:s3], $0xF7A  }
0x26: {  	[smem:$0x3F9E] =	sst s1;
	(tag) =	ssettag s2;
	_ =	strace s9  }
0x27: {  	s1 =	sld [smem:$0x3FAE]  }
0x28: {  	s2 =	sld [smem:$0x3FAF]  }
0x29: {  	s4 =	sld [smem:$0x3FB1]  }
0x2a: {  	p0 =	seq.s32 s5, $0x0;
	s5 =	sld [smem:$0x3FB2]  }
0x2b: {  	s6 =	sld [smem:$0x3FB3]  }
0x2c: {  	s7 =	sld [smem:$0x3FB4]  }
0x2d: {  	s3 =	simm.s32 $0x108;
	s8 =	sld [smem:$0x3FB5]  }
0x2e: {  	s3 =	simm.s32 @!p0 $0x1082;
	s9 =	sld [smem:$0x3FB6]  }
0x2f: {  	lr =	sadd.s32 s0, s3;
	s0 =	sld [smem:$0x3FAD]  }
0x30: {  	s3 =	sld [smem:$0x3FB0]  }
0x31: {  	[smem:$0x3FB9] =	sst s10  }
0x32: {  	s10 =	sld [smem:$0x3FB7];
	_ =	sdelay $0x3  }
0x33: {  	p0 =	seq.s32 s10, $0x1;
	s10 =	sld [smem:$0x3FB9];
	_ =	sdelay $0x3  }
0x34: {  	[smem:$0x3FB9] =	sst s10  }
0x35: {  	s10 =	sld [smem:$0x3FB8];
	_ =	sdelay $0x3  }
0x36: {  	p1 =	seq.s32 s10, $0x1;
	s10 =	sld [smem:$0x3FB9];
	_ =	sdelay $0x3  }
0x37: {  	[smem:$0x3FB9] =	sst s10  }
0x38: {  	s10 =	sld [smem:$0x3FBA]  }
0x39: {  	_ = 	snop;
	(pc) =	sbr.ind lr, $3  }
0x3a: {  	_ = 	snop  }
0x3b: {  	_ = 	snop  }
0x3c: {  	p2 =	seq.s32 s10, $0x1;
	s10 =	sld [smem:$0x3FB9]  }
0x3d: {  	_ =	shalt  }
0x3e: {  	_ =	shalt  }
0x3f: {  	_ =	shalt  }
0x40: {  	_ =	shalt  }
0x41: {  	_ =	shalt  }
0x42: {  	_ =	shalt  }
0x43: {  	_ =	shalt  }
0x44: {  	_ =	shalt  }
0x45: {  	_ =	shalt  }
0x46: {  	_ =	shalt  }
0x47: {  	_ =	shalt  }
0x48: {  	_ =	shalt  }
0x49: {  	_ =	shalt  }
0x4a: {  	_ =	shalt  }
0x4b: {  	_ =	shalt  }
0x4c: {  	_ =	shalt  }
0x4d: {  	_ =	shalt  }
0x4e: {  	_ =	shalt  }
0x4f: {  	_ =	shalt  }
0x50: {  	_ =	shalt  }
0x51: {  	_ =	shalt  }
0x52: {  	_ =	shalt  }
0x53: {  	_ =	shalt  }
0x54: {  	_ =	shalt  }
0x55: {  	_ =	shalt  }
0x56: {  	_ =	shalt  }
0x57: {  	_ =	shalt  }
0x58: {  	_ =	shalt  }
0x59: {  	_ =	shalt  }
0x5a: {  	_ =	shalt  }
0x5b: {  	_ =	shalt  }
0x5c: {  	_ =	shalt  }
0x5d: {  	_ =	shalt  }
0x5e: {  	_ =	shalt  }
0x5f: {  	_ =	shalt  }
0x60: {  	_ =	shalt  }
0x61: {  	_ =	shalt  }
0x62: {  	_ =	shalt  }
0x63: {  	_ =	shalt  }
0x64: {  	_ =	shalt  }
0x65: {  	_ =	shalt  }
0x66: {  	_ =	shalt  }
0x67: {  	_ =	shalt  }
0x68: {  	_ =	shalt  }
0x69: {  	_ =	shalt  }
0x6a: {  	_ =	shalt  }
0x6b: {  	_ =	shalt  }
0x6c: {  	_ =	shalt  }
0x6d: {  	_ =	shalt  }
0x6e: {  	_ =	shalt  }
0x6f: {  	_ =	shalt  }
0x70: {  	_ =	shalt  }
0x71: {  	_ =	shalt  }
0x72: {  	_ =	shalt  }
0x73: {  	_ =	shalt  }
0x74: {  	_ =	shalt  }
0x75: {  	_ =	shalt  }
0x76: {  	_ =	shalt  }
0x77: {  	_ =	shalt  }
0x78: {  	_ =	shalt  }
0x79: {  	_ =	shalt  }
0x7a: {  	_ =	shalt  }
0x7b: {  	_ =	shalt  }
0x7c: {  	_ =	shalt  }
0x7d: {  	_ =	shalt  }
0x7e: {  	_ =	shalt  }
0x7f: {  	_ =	shalt  }
0x80: {  	_ =	shalt  }
0x81: {  	_ =	shalt  }
0x82: {  	_ =	shalt  }
0x83: {  	_ =	shalt  }
0x84: {  	_ =	shalt  }
0x85: {  	_ =	shalt  }
0x86: {  	_ =	shalt  }
0x87: {  	_ =	shalt  }
.Lfunc_end0:
.L_simem_size_0:
called_computation_lowered:
.L_overlay_start_0:
0x88: {  	s2 =	sld [smem:$0x3FD9]  }
0x89: {  	s3 =	sld [smem:$0x3FFE];
	_ =	sdelay $0x1  }
0x8a: {  	s1 =	srdreg.scid  }
0x8b: {  	s0 =	sand.u32 $0x1, s1  }
0x8c: {  	s17 =	sshll.u32 s0, $0xA;
	s2 =	sadd.s32 s3, s2  }
0x8d: {  	s2 =	sadd.s32 s2, s17  }
0x8e: {  	[smem:$0x3FC5] =	sst s2  }
0x8f: {  	_ = 	snop  }
0x90: {  	s2 =	sld [smem:$0x3FC8]  }
0x91: {  	s18 =	sld [smem:$0x3FC7]  }
0x92: {  	s4 =	sld [smem:$0x3FD0];
	(tm) =	ssettm $0x1  }
0x93: {  	s5 =	sld [smem:$0x3FFB];
	_ =	sdelay $0x3  }
0x94: {  	_ =	strace s5  }
0x95: {  	s5 =	sld [smem:$0x3FFC];
	_ =	sdelay $0x3  }
0x96: {  	_ =	strace s5  }
0x97: {  	s5 =	sld [smem:$0x3FFD];
	_ =	sdelay $0x3  }
0x98: {  	_ =	strace s5  }
0x99: {  	_ =	strace $0x8FFFFFFF  }
0x9a: {  	s19 =	sld [smem:$0x3FDB];
	_ =	sdelay $0x1  }
0x9b: {  	s6 =	simm.s32 $_scs_section_size  }
0x9c: {  	s7 =	simm.s32 $_size__tile_overlayer_lowered;
	s8 =	simm.s32 $_tile_overlayer_lowered  }
0x9d: {  	s22 =	simm.s32 $0x1BFF;
	s21 =	sshll.u32 s8, $0x1;
	s5 =	sadd.s32 s6, s19  }
0x9e: {  	s9 =	simm.s32 $0x0;
	s20 =	sshll.u32 s7, $0x1;
	s7 =	sadd.s32 s21, s5  }
0x9f: {  	[timem:s9], [sflag:s22] =	dma.local [hbm:s7], s20  }
0xa0: {  	_ =	swait.ge [sflag:s22], s20  }
0xa1: {  	s6 =	ssub.s32 $0x0, s20;
	[sflag:s22] =	ssyncset.done $0x0  }
0xa2: {  	[sflag:s22] =	ssyncadd.s32 s6;
	_ =	sdelay $0x1  }
0xa3: {  	s23 =	simm.s32 $0x1B8B  }
0xa4: {  	_ =	swait.ge [sflag:s23], $0x1  }
0xa5: {  	[sflag:s23] =	ssyncset.done $0x0  }
0xa6: {  	s25 =	simm.s32 $0x1B8E;
	s24 =	sld [smem:$0x3FFE];
	[sflag:s23] =	ssyncadd.s32 $0xFFFFFFFF  }
0xa7: {  	s26 =	simm.s32 $execute0_lowered;
	[smem:$0x3FD2] =	sst s25  }
0xa8: {  	s7 =	sshll.u32 s26, $0x1;
	_ =	strace $0x80000046;
	[dreg:$0x1] =	wrdreg $0xFFFFFFFF  }
0xa9: {  	s28 =	simm.s32 $_size_execute0_lowered;
	s5 =	sadd.s32 s5, s7;
	[dreg:$0x0] =	wrdreg $0x0  }
0xaa: {  	s7 =	sshll.u32 s28, $0x1;
	[dreg:$0x2] =	wrdreg s5  }
0xab: {  	[dreg:$0x3] =	wrdreg s7  }
0xac: {  	[dreg:$0x4] =	wrdreg $0xC0  }
0xad: {  	_ =	task [dreg:s9], $0x5FFFF  }
0xae: {  	[dreg:$0x1] =	wrdreg $0xFFFFFFFF  }
0xaf: {  	[dreg:$0x0] =	wrdreg $0x60  }
0xb0: {  	[dreg:$0x2] =	wrdreg s24  }
0xb1: {  	[dreg:$0x3] =	wrdreg s2  }
0xb2: {  	[dreg:$0x4] =	wrdreg s18  }
0xb3: {  	[dreg:$0x5] =	wrdreg s4  }
0xb4: {  	[dreg:$0x6] =	wrdreg $0x101300  }
0xb5: {  	[dreg:$0x7] =	wrdreg $0x9  }
0xb6: {  	_ =	task.clear_ibuf [dreg:s9], $0x8FFFF;
	_ =	strace $0x90000046  }
0xb7: {  	s29 =	simm.s32 $0x9;
	_ =	strace $0x80000048  }
0xb8: {  	_ =	swait.ge [sflag:s29], $0x1  }
0xb9: {  	[sflag:s29] =	ssyncadd.s32 $0xFFFFFFFF  }
0xba: {  	_ =	strace $0x90000048  }
0xbb: {  	_ =	sfence  }
0xbc: {  	s30 =	sld [smem:$0x0];
	_ =	sdelay $0x2  }
0xbd: {  	s31 =	sshll.u32 s1, $0xD;
	s1 =	sshrl.u32 s1, $0x2  }
0xbe: {  	s3 =	sand.u32 $0x4000, s31;
	s1 =	sadd.s32 s1, s30  }
0xbf: {  	s0 =	sor.u32 s3, s0;
	s1 =	sshll.u32 s1, $0x11  }
0xc0: {  	s0 =	sor.u32 s1, s0  }
0xc1: {  	s0 =	sadd.s32 $0x8F2B, s0  }
0xc2: {  	[sflag:s0] =	ssyncadd.remote.s32 $0x1  }
0xc3: {  	_ =	sfence.sel $0xFFFF  }
0xc4: {  	[dreg:$0x0] =	wrdreg $0xFFFFFFFF;
	(pc) =	sbr.abs _section_cstart, $3  }
0xc5: {  	[dreg:$0x1] =	wrdreg $0xFFFFFFFF  }
0xc6: {  	_ =	task.clear_ibuf [dreg:s9], $0x2FFFF;
	_ =	strace $0x9FFFFFFF  }
0xc7: {  	(tm) =	ssettm $0x7FFFFFFF  }
tec
execute0_lowered:
.L_overlay_start_1:
0x0: {  	(tag) =	ssettag $0x1  }
0x1: {  	s0 =	rddreg [dreg:$0x0]  }
0x2: {  	s6 =	rddreg [dreg:$0x1]  }
0x3: {  	s7 =	rddreg [dreg:$0x2]  }
0x4: {  	s8 =	rddreg [dreg:$0x3]  }
0x5: {  	s2 =	rddreg [dreg:$0x4];
	s3 =	simm.s32 $0x0  }
0x6: {  	s1 =	stileid.u32;
	s4 =	srdreg.scid;
	s12 =	simm.s32 $0x2710  }
0x7: {  	s13 =	simm.s32 $0x80;
	s14 =	simm.s32 $0x4E20;
	s15 =	simm.s32 $0x8E20  }
0x8: {  	s16 =	simm.s32 $0x6E20;
	s17 =	simm.s32 $0xAE20;
	s18 =	simm.s32 $0x1  }
0x9: {  	s19 =	simm.s32 $0xCE20;
	s20 =	simm.s32 $0x2;
	s21 =	simm.s32 $0xDA20  }
0xa: {  	v0 =	vlaneseq.u32;
	s22 =	simm.s32 $0x0;
	[smem:$0x7FF] =	sst s3;
	s5 =	smul.u32 $0x1380, s1  }
0xb: {  	s4 =	sand.u32 $0x1, s4;
	s10 =	sshll.u32 s1, $0x1;
	s11 =	smul.u32 $0x27000, s1;
	v0 =	vmul.u32 $0x18, v0  }
0xc: {  	s31 =	sshll.u32 s1, $0x6;
	_ =	strace $0x80000047;
	s9 =	ssub.s32 $0x2, s4  }
0xd: {  	s4 =	sor.u32 s4, s10;
	s0 =	sadd.s32 s5, s0;
	s29 =	sshrl.u32 s9, $0x1;
	v1 =	vor.u32 $0x1, v0;
	v2 =	vor.u32 $0x2, v0;
	v3 =	vor.u32 $0x3, v0  }
0xe: {  	s30 =	sshrl.u32 s11, $0x2;
	s10 =	smul.u32 $0x4E2, s4;
	s5 =	sor.u32 $0x1C03, s31;
	v4 =	vor.u32 $0x4, v0;
	v5 =	vor.u32 $0x5, v0;
	v6 =	vor.u32 $0x6, v0  }
0xf: {  	v7 =	vor.u32 $0x7, v0;
	v8 =	vadd.s32 $0x8, v0;
	v9 =	vadd.s32 $0x9, v0;
	s9 =	ssub.s32 s9, s29;
	s11 =	sadd.s32 s30, s2;
	s4 =	sadd.s32 $0x400, s0  }
0x10: {  	v10 =	vadd.s32 $0xA, v0;
	v11 =	vadd.s32 $0xB, v0;
	v12 =	vadd.s32 $0xC, v0;
	s6 =	sadd.s32 s6, s10;
	s7 =	sadd.s32 s7, s10;
	s8 =	sadd.s32 s8, s10  }
0x11: {  	v13 =	vadd.s32 $0xD, v0;
	v14 =	vadd.s32 $0xE, v0;
	v15 =	vadd.s32 $0xF, v0;
	s9 =	smax.u32 s9, $0x1;
	s10 =	sshrl.u32 s11, $0x3;
	s11 =	simm.s32 $0x3  }
.LBB2_1:
0x12: {  	[spmem:s10], [sflag:s5] =	dma.local [hbm:s4], $0x1400  }
0x13: {  	_ =	swait.ge [sflag:s11], $0x1400  }
0x14: {  	[sflag:s11] =	ssyncset.done $0x0  }
0x15: {  	[sflag:s11] =	ssyncadd.s32 $0xFFFFEC00  }
0x16: {  	[bflag:$0x0] =	sbarrier.arrive $0xFFFF  }
0x17: {  	[tilespmem:s3], [sflag:$0x3] =	stream.linear.gather [hbm4b:s6+s3], $0x2710, $0x38;
	[tilespmem:$0x19D70] =	vst v63  }
0x18: {  	_ =	swait.ge [sflag:s11], $0x2710  }
0x19: {  	[sflag:s11] =	ssyncset.done $0x0  }
0x1a: {  	[sflag:s11] =	ssyncadd.s32 $0xFFFFD8F0  }
0x1b: {  	[tilespmem:s12], [sflag:$0x3] =	stream.linear.gather [hbm4b:s7+s3], $0x2710, $0x38;
	[tilespmem:$0x19D70] =	vst v63  }
0x1c: {  	_ =	swait.ge [sflag:s11], $0x2710  }
0x1d: {  	[sflag:s11] =	ssyncset.done $0x0  }
0x1e: {  	[sflag:s11] =	ssyncadd.s32 $0xFFFFD8F0  }
0x1f: {  	[tilespmem:s14], [sflag:$0x1] =	stream.indirect.gather [spmem:s2], $0x40, s3, s13, $0xb8;
	[tilespmem:$0x19D70] =	vst v63  }
0x20: {  	s23 =	simm.s32 $0x0  }
0x21: {  	[tilespmem:s15], [sflag:$0x1] =	stream.indirect.gather [spmem:s2], $0x40, s12, s13, $0xb8;
	[tilespmem:$0x19D70] =	vst v63  }
.LBB2_2:
0x22: {  	s25 =	sshll.u32 s23, $0x8  }
0x23: {  	s0 =	sor.u32 $0x80, s25  }
0x24: {  	s24 =	smin.u32 s0, $0x2690  }
0x25: {  	[tilespmem:s16], [sflag:$0x2] =	stream.indirect.gather [spmem:s2], $0x40, s24, s13, $0xb8;
	[tilespmem:$0x19D70] =	vst v63  }
0x26: {  	s0 =	sadd.s32 $0x2710, s24  }
0x27: {  	[tilespmem:s17], [sflag:$0x2] =	stream.indirect.gather [spmem:s2], $0x40, s0, s13, $0xb8;
	[tilespmem:$0x19D70] =	vst v63  }
0x28: {  	_ =	swait.ge [sflag:s18], $0x2000  }
0x29: {  	[sflag:s18] =	ssyncset.done $0x0  }
0x2a: {  	[sflag:s18] =	ssyncadd.s32 $0xFFFFE000  }
0x2b: {  	s31 =	smin.u32 s25, $0x2690;
	_ =	swait.ge [sflag:s18], $0x2000  }
0x2c: {  	s0 =	sadd.s32 $0xDA20, s31;
	[sflag:s18] =	ssyncset.done $0x0  }
0x2d: {  	s26 =	simm.s32 $0x0;
	v16 =	vmov s0;
	[sflag:s18] =	ssyncadd.s32 $0xFFFFE000  }
.LBB2_3:
0x2e: {  	s0 =	sshll.u32 s26, $0xA  }
0x2f: {  	s0 =	sand.u32 $0x7FFFFC00, s0  }
0x30: {  	v17 =	vld [tilespmem:s0+$0x4E20]  }
0x31: {  	v18 =	vld [tilespmem:s0+$0x8E20]  }
0x32: {  	v19 =	vld [tilespmem:s0+$0x4E30]  }
0x33: {  	v20 =	vld [tilespmem:s0+$0x8E30]  }
0x34: {  	v21 =	vld [tilespmem:s0+$0x4E40]  }
0x35: {  	v22 =	vld [tilespmem:s0+$0x8E40]  }
0x36: {  	v23 =	vld [tilespmem:s0+$0x4E50]  }
0x37: {  	v24 =	vld [tilespmem:s0+$0x8E50];
	_ =	sdelay $0x3  }
0x38: {  	v17 =	vmul.bf16 v18, v17;
	v18 =	vmul.bf16 v20, v19  }
0x39: {  	v19 =	vmul.bf16 v22, v21;
	v46 =	vmul.bf16 v24, v23;
	_ =	sdelay $0x1  }
0x3a: {  	v17 =	vadd.bf16 v18, v17;
	v18 =	vadd.bf16 v46, v19;
	_ =	sdelay $0x1  }
0x3b: {  	v17 =	vadd.bf16 v18, v17;
	_ =	sdelay $0x1  }
0x3c: {  	s28 =	smul.u32 $0x600, s26;
	v18 =	vunpack.i.u.bf16.f32 v17;
	v17 =	vunpack.i.l.bf16.f32 v17  }
0x3d: {  	v17 =	vadd.f32 v17, v18  }
0x3e: {  	s31 =	sshra.s32 s28, $0x2  }
0x3f: {  	[tilespmem:s31+$0xCE20] =	vst v17  }
0x40: {  	v17 =	vld [tilespmem:s0+$0x4E60]  }
0x41: {  	v18 =	vld [tilespmem:s0+$0x8E60]  }
0x42: {  	v19 =	vld [tilespmem:s0+$0x4E70]  }
0x43: {  	v47 =	vld [tilespmem:s0+$0x8E70]  }
0x44: {  	v48 =	vld [tilespmem:s0+$0x4E80]  }
0x45: {  	s28 =	sor.u32 $0x1, s26;
	v49 =	vld [tilespmem:s0+$0x8E80]  }
0x46: {  	s29 =	sshll.u32 s28, $0xA;
	v50 =	vld [tilespmem:s0+$0x4E90]  }
0x47: {  	s30 =	sand.u32 $0x7FFFFC00, s29;
	v51 =	vld [tilespmem:s0+$0x8E90]  }
0x48: {  	v25 =	vld [tilespmem:s30+$0x4E20]  }
0x49: {  	v26 =	vld [tilespmem:s30+$0x8E20]  }
0x4a: {  	v27 =	vld [tilespmem:s30+$0x4E30]  }
0x4b: {  	v54 =	vld [tilespmem:s30+$0x4E40];
	v17 =	vmul.bf16 v18, v17;
	v18 =	vmul.bf16 v47, v19  }
0x4c: {  	v55 =	vld [tilespmem:s30+$0x8E40];
	v52 =	vmul.bf16 v49, v48;
	v53 =	vmul.bf16 v51, v50  }
0x4d: {  	v56 =	vld [tilespmem:s30+$0x4E50]  }
0x4e: {  	v57 =	vld [tilespmem:s30+$0x8E50];
	v17 =	vadd.bf16 v18, v17;
	v18 =	vadd.bf16 v53, v52  }
0x4f: {  	v19 =	vld [tilespmem:s30+$0x8E30]  }
0x50: {  	v17 =	vadd.bf16 v18, v17;
	_ =	sdelay $0x1  }
0x51: {  	v18 =	vunpack.i.u.bf16.f32 v17;
	v17 =	vunpack.i.l.bf16.f32 v17  }
0x52: {  	v22 =	vmul.bf16 v55, v54;
	v20 =	vmul.bf16 v57, v56;
	v17 =	vadd.f32 v17, v18  }
0x53: {  	v19 =	vmul.bf16 v19, v27;
	v18 =	vmul.bf16 v26, v25  }
0x54: {  	[tilespmem:s31+$0xCE38] =	vst v17  }
0x55: {  	v18 =	vadd.bf16 v19, v18;
	v19 =	vadd.bf16 v20, v22;
	v17 =	vld [tilespmem:s0+$0x4EA0]  }
0x56: {  	v58 =	vld [tilespmem:s0+$0x8EA0]  }
0x57: {  	v59 =	vld [tilespmem:s0+$0x4EB0];
	v18 =	vadd.bf16 v19, v18  }
0x58: {  	v60 =	vld [tilespmem:s0+$0x4EC0]  }
0x59: {  	s29 =	smul.u32 $0x600, s28;
	v62 =	vld [tilespmem:s0+$0x8EC0];
	v61 =	vunpack.i.u.bf16.f32 v18;
	v18 =	vunpack.i.l.bf16.f32 v18  }
0x5a: {  	v63 =	vld [tilespmem:s0+$0x4ED0];
	v18 =	vadd.f32 v18, v61  }
0x5b: {  	s29 =	sshra.s32 s29, $0x2;
	v30 =	vld [tilespmem:s0+$0x8ED0]  }
0x5c: {  	v19 =	vld [tilespmem:s0+$0x8EB0];
	[tilespmem:s29+$0xCE20] =	vst v18  }
0x5d: {  	v18 =	vld [tilespmem:s30+$0x4E60]  }
0x5e: {  	v31 =	vld [tilespmem:s30+$0x8E60]  }
0x5f: {  	v32 =	vld [tilespmem:s30+$0x4E70]  }
0x60: {  	v17 =	vmul.bf16 v58, v17;
	v34 =	vmul.bf16 v62, v60;
	v33 =	vld [tilespmem:s30+$0x8E70]  }
0x61: {  	v35 =	vmul.bf16 v30, v63;
	v19 =	vmul.bf16 v19, v59;
	v36 =	vld [tilespmem:s30+$0x4E80]  }
0x62: {  	v37 =	vld [tilespmem:s30+$0x8E80]  }
0x63: {  	v38 =	vld [tilespmem:s30+$0x4E90];
	v17 =	vadd.bf16 v19, v17;
	v19 =	vadd.bf16 v35, v34  }
0x64: {  	v39 =	vld [tilespmem:s30+$0x8E90]  }
0x65: {  	v17 =	vadd.bf16 v19, v17;
	_ =	sdelay $0x1  }
0x66: {  	v19 =	vunpack.i.u.bf16.f32 v17;
	v17 =	vunpack.i.l.bf16.f32 v17  }
0x67: {  	v18 =	vmul.bf16 v31, v18;
	v40 =	vmul.bf16 v37, v36;
	v17 =	vadd.f32 v17, v19  }
0x68: {  	v21 =	vmul.bf16 v39, v38;
	v19 =	vmul.bf16 v33, v32  }
0x69: {  	[tilespmem:s31+$0xCE50] =	vst v17  }
0x6a: {  	v18 =	vadd.bf16 v19, v18;
	v19 =	vadd.bf16 v21, v40;
	v17 =	vld [tilespmem:s0+$0x4EE0]  }
0x6b: {  	v41 =	vld [tilespmem:s0+$0x8EE0]  }
0x6c: {  	v42 =	vld [tilespmem:s0+$0x4EF0];
	v18 =	vadd.bf16 v19, v18  }
0x6d: {  	v43 =	vld [tilespmem:s0+$0x4F00]  }
0x6e: {  	v45 =	vld [tilespmem:s0+$0x8F00];
	v44 =	vunpack.i.u.bf16.f32 v18;
	v18 =	vunpack.i.l.bf16.f32 v18  }
0x6f: {  	v46 =	vld [tilespmem:s0+$0x4F10];
	v18 =	vadd.f32 v18, v44  }
0x70: {  	v47 =	vld [tilespmem:s0+$0x8F10]  }
0x71: {  	v19 =	vld [tilespmem:s0+$0x8EF0];
	[tilespmem:s29+$0xCE38] =	vst v18  }
0x72: {  	v18 =	vld [tilespmem:s30+$0x4EA0]  }
0x73: {  	v48 =	vld [tilespmem:s30+$0x8EA0]  }
0x74: {  	v49 =	vld [tilespmem:s30+$0x4EB0]  }
0x75: {  	v17 =	vmul.bf16 v41, v17;
	v51 =	vmul.bf16 v45, v43;
	v50 =	vld [tilespmem:s30+$0x8EB0]  }
0x76: {  	v52 =	vmul.bf16 v47, v46;
	v19 =	vmul.bf16 v19, v42;
	v53 =	vld [tilespmem:s30+$0x4EC0]  }
0x77: {  	v54 =	vld [tilespmem:s30+$0x8EC0]  }
0x78: {  	v55 =	vld [tilespmem:s30+$0x4ED0];
	v17 =	vadd.bf16 v19, v17;
	v19 =	vadd.bf16 v52, v51  }
0x79: {  	v56 =	vld [tilespmem:s30+$0x8ED0]  }
0x7a: {  	v17 =	vadd.bf16 v19, v17;
	_ =	sdelay $0x1  }
0x7b: {  	v19 =	vunpack.i.u.bf16.f32 v17;
	v17 =	vunpack.i.l.bf16.f32 v17  }
0x7c: {  	v18 =	vmul.bf16 v48, v18;
	v57 =	vmul.bf16 v54, v53;
	v17 =	vadd.f32 v17, v19  }
0x7d: {  	v21 =	vmul.bf16 v56, v55;
	v19 =	vmul.bf16 v50, v49  }
0x7e: {  	[tilespmem:s31+$0xCE68] =	vst v17  }
0x7f: {  	v18 =	vadd.bf16 v19, v18;
	v19 =	vadd.bf16 v21, v57;
	v17 =	vld [tilespmem:s0+$0x4F20]  }
0x80: {  	v58 =	vld [tilespmem:s0+$0x8F20]  }
0x81: {  	v59 =	vld [tilespmem:s0+$0x4F30];
	v18 =	vadd.bf16 v19, v18  }
0x82: {  	v60 =	vld [tilespmem:s0+$0x4F40]  }
0x83: {  	v62 =	vld [tilespmem:s0+$0x8F40];
	v61 =	vunpack.i.u.bf16.f32 v18;
	v18 =	vunpack.i.l.bf16.f32 v18  }
0x84: {  	v63 =	vld [tilespmem:s0+$0x4F50];
	v18 =	vadd.f32 v18, v61  }
0x85: {  	v30 =	vld [tilespmem:s0+$0x8F50]  }
0x86: {  	v19 =	vld [tilespmem:s0+$0x8F30];
	[tilespmem:s29+$0xCE50] =	vst v18  }
0x87: {  	v18 =	vld [tilespmem:s30+$0x4EE0]  }
0x88: {  	v31 =	vld [tilespmem:s30+$0x8EE0]  }
0x89: {  	v32 =	vld [tilespmem:s30+$0x4EF0]  }
0x8a: {  	v17 =	vmul.bf16 v58, v17;
	v34 =	vmul.bf16 v62, v60;
	v33 =	vld [tilespmem:s30+$0x8EF0]  }
0x8b: {  	v35 =	vmul.bf16 v30, v63;
	v19 =	vmul.bf16 v19, v59;
	v36 =	vld [tilespmem:s30+$0x4F00]  }
0x8c: {  	v37 =	vld [tilespmem:s30+$0x8F00]  }
0x8d: {  	v38 =	vld [tilespmem:s30+$0x4F10];
	v17 =	vadd.bf16 v19, v17;
	v19 =	vadd.bf16 v35, v34  }
0x8e: {  	v39 =	vld [tilespmem:s30+$0x8F10]  }
0x8f: {  	v17 =	vadd.bf16 v19, v17;
	_ =	sdelay $0x1  }
0x90: {  	v19 =	vunpack.i.u.bf16.f32 v17;
	v17 =	vunpack.i.l.bf16.f32 v17  }
0x91: {  	v18 =	vmul.bf16 v31, v18;
	v40 =	vmul.bf16 v37, v36;
	v17 =	vadd.f32 v17, v19  }
0x92: {  	v21 =	vmul.bf16 v39, v38;
	v19 =	vmul.bf16 v33, v32  }
0x93: {  	[tilespmem:s31+$0xCE80] =	vst v17  }
0x94: {  	v18 =	vadd.bf16 v19, v18;
	v19 =	vadd.bf16 v21, v40;
	v17 =	vld [tilespmem:s0+$0x4F60]  }
0x95: {  	v41 =	vld [tilespmem:s0+$0x8F60]  }
0x96: {  	v42 =	vld [tilespmem:s0+$0x4F70];
	v18 =	vadd.bf16 v19, v18  }
0x97: {  	v43 =	vld [tilespmem:s0+$0x4F80]  }
0x98: {  	v45 =	vld [tilespmem:s0+$0x8F80];
	v44 =	vunpack.i.u.bf16.f32 v18;
	v18 =	vunpack.i.l.bf16.f32 v18  }
0x99: {  	v46 =	vld [tilespmem:s0+$0x4F90];
	v18 =	vadd.f32 v18, v44  }
0x9a: {  	v47 =	vld [tilespmem:s0+$0x8F90]  }
0x9b: {  	v19 =	vld [tilespmem:s0+$0x8F70];
	[tilespmem:s29+$0xCE68] =	vst v18  }
0x9c: {  	v18 =	vld [tilespmem:s30+$0x4F20]  }
0x9d: {  	v48 =	vld [tilespmem:s30+$0x8F20]  }
0x9e: {  	v49 =	vld [tilespmem:s30+$0x4F30]  }
0x9f: {  	v17 =	vmul.bf16 v41, v17;
	v51 =	vmul.bf16 v45, v43;
	v50 =	vld [tilespmem:s30+$0x8F30]  }
0xa0: {  	v52 =	vmul.bf16 v47, v46;
	v19 =	vmul.bf16 v19, v42;
	v53 =	vld [tilespmem:s30+$0x4F40]  }
0xa1: {  	v54 =	vld [tilespmem:s30+$0x8F40]  }
0xa2: {  	v55 =	vld [tilespmem:s30+$0x4F50];
	v17 =	vadd.bf16 v19, v17;
	v19 =	vadd.bf16 v52, v51  }
0xa3: {  	v56 =	vld [tilespmem:s30+$0x8F50]  }
0xa4: {  	v17 =	vadd.bf16 v19, v17;
	_ =	sdelay $0x1  }
0xa5: {  	v19 =	vunpack.i.u.bf16.f32 v17;
	v17 =	vunpack.i.l.bf16.f32 v17  }
0xa6: {  	v18 =	vmul.bf16 v48, v18;
	v57 =	vmul.bf16 v54, v53;
	v17 =	vadd.f32 v17, v19  }
0xa7: {  	v21 =	vmul.bf16 v56, v55;
	v19 =	vmul.bf16 v50, v49  }
0xa8: {  	[tilespmem:s31+$0xCE98] =	vst v17  }
0xa9: {  	v18 =	vadd.bf16 v19, v18;
	v19 =	vadd.bf16 v21, v57;
	v17 =	vld [tilespmem:s0+$0x4FA0]  }
0xaa: {  	v58 =	vld [tilespmem:s0+$0x8FA0]  }
0xab: {  	v59 =	vld [tilespmem:s0+$0x4FB0];
	v18 =	vadd.bf16 v19, v18  }
0xac: {  	v60 =	vld [tilespmem:s0+$0x4FC0]  }
0xad: {  	v62 =	vld [tilespmem:s0+$0x8FC0];
	v61 =	vunpack.i.u.bf16.f32 v18;
	v18 =	vunpack.i.l.bf16.f32 v18  }
0xae: {  	v63 =	vld [tilespmem:s0+$0x4FD0];
	v18 =	vadd.f32 v18, v61  }
0xaf: {  	v30 =	vld [tilespmem:s0+$0x8FD0]  }
0xb0: {  	v19 =	vld [tilespmem:s0+$0x8FB0];
	[tilespmem:s29+$0xCE80] =	vst v18  }
0xb1: {  	v18 =	vld [tilespmem:s30+$0x4F60]  }
0xb2: {  	v31 =	vld [tilespmem:s30+$0x8F60]  }
0xb3: {  	v32 =	vld [tilespmem:s30+$0x4F70]  }
0xb4: {  	v17 =	vmul.bf16 v58, v17;
	v34 =	vmul.bf16 v62, v60;
	v33 =	vld [tilespmem:s30+$0x8F70]  }
0xb5: {  	v35 =	vmul.bf16 v30, v63;
	v19 =	vmul.bf16 v19, v59;
	v36 =	vld [tilespmem:s30+$0x4F80]  }
0xb6: {  	v37 =	vld [tilespmem:s30+$0x8F80]  }
0xb7: {  	v38 =	vld [tilespmem:s30+$0x4F90];
	v17 =	vadd.bf16 v19, v17;
	v19 =	vadd.bf16 v35, v34  }
0xb8: {  	v39 =	vld [tilespmem:s30+$0x8F90]  }
0xb9: {  	v17 =	vadd.bf16 v19, v17;
	_ =	sdelay $0x1  }
0xba: {  	v19 =	vunpack.i.u.bf16.f32 v17;
	v17 =	vunpack.i.l.bf16.f32 v17  }
0xbb: {  	v18 =	vmul.bf16 v31, v18;
	v40 =	vmul.bf16 v37, v36;
	v17 =	vadd.f32 v17, v19  }
0xbc: {  	v21 =	vmul.bf16 v39, v38;
	v19 =	vmul.bf16 v33, v32  }
0xbd: {  	[tilespmem:s31+$0xCEB0] =	vst v17  }
0xbe: {  	v18 =	vadd.bf16 v19, v18;
	v19 =	vadd.bf16 v21, v40;
	v17 =	vld [tilespmem:s0+$0x4FE0]  }
0xbf: {  	v41 =	vld [tilespmem:s0+$0x8FE0]  }
0xc0: {  	v42 =	vld [tilespmem:s0+$0x4FF0];
	v18 =	vadd.bf16 v19, v18  }
0xc1: {  	v43 =	vld [tilespmem:s0+$0x5000]  }
0xc2: {  	v45 =	vld [tilespmem:s0+$0x9000];
	v44 =	vunpack.i.u.bf16.f32 v18;
	v18 =	vunpack.i.l.bf16.f32 v18  }
0xc3: {  	v46 =	vld [tilespmem:s0+$0x5010];
	v18 =	vadd.f32 v18, v44  }
0xc4: {  	v47 =	vld [tilespmem:s0+$0x9010]  }
0xc5: {  	v19 =	vld [tilespmem:s0+$0x8FF0];
	[tilespmem:s29+$0xCE98] =	vst v18  }
0xc6: {  	v18 =	vld [tilespmem:s30+$0x4FA0]  }
0xc7: {  	v48 =	vld [tilespmem:s30+$0x8FA0]  }
0xc8: {  	v49 =	vld [tilespmem:s30+$0x4FB0]  }
0xc9: {  	v17 =	vmul.bf16 v41, v17;
	v51 =	vmul.bf16 v45, v43;
	v50 =	vld [tilespmem:s30+$0x8FB0]  }
0xca: {  	v52 =	vmul.bf16 v47, v46;
	v19 =	vmul.bf16 v19, v42;
	v53 =	vld [tilespmem:s30+$0x4FC0]  }
0xcb: {  	v54 =	vld [tilespmem:s30+$0x8FC0]  }
0xcc: {  	v55 =	vld [tilespmem:s30+$0x4FD0];
	v17 =	vadd.bf16 v19, v17;
	v19 =	vadd.bf16 v52, v51  }
0xcd: {  	v56 =	vld [tilespmem:s30+$0x8FD0]  }
0xce: {  	v17 =	vadd.bf16 v19, v17;
	_ =	sdelay $0x1  }
0xcf: {  	v19 =	vunpack.i.u.bf16.f32 v17;
	v17 =	vunpack.i.l.bf16.f32 v17  }
0xd0: {  	v18 =	vmul.bf16 v48, v18;
	v57 =	vmul.bf16 v54, v53;
	v17 =	vadd.f32 v17, v19  }
0xd1: {  	v21 =	vmul.bf16 v56, v55;
	v19 =	vmul.bf16 v50, v49  }
0xd2: {  	[tilespmem:s31+$0xCEC8] =	vst v17  }
0xd3: {  	v18 =	vadd.bf16 v19, v18;
	v19 =	vadd.bf16 v21, v57;
	v17 =	vld [tilespmem:s0+$0x5020]  }
0xd4: {  	v58 =	vld [tilespmem:s0+$0x9020]  }
0xd5: {  	v59 =	vld [tilespmem:s0+$0x5030];
	v18 =	vadd.bf16 v19, v18  }
0xd6: {  	v60 =	vld [tilespmem:s0+$0x5040]  }
0xd7: {  	v62 =	vld [tilespmem:s0+$0x9040];
	v61 =	vunpack.i.u.bf16.f32 v18;
	v18 =	vunpack.i.l.bf16.f32 v18  }
0xd8: {  	v63 =	vld [tilespmem:s0+$0x5050];
	v18 =	vadd.f32 v18, v61  }
0xd9: {  	v30 =	vld [tilespmem:s0+$0x9050]  }
0xda: {  	v19 =	vld [tilespmem:s0+$0x9030];
	[tilespmem:s29+$0xCEB0] =	vst v18  }
0xdb: {  	v18 =	vld [tilespmem:s30+$0x4FE0]  }
0xdc: {  	v31 =	vld [tilespmem:s30+$0x8FE0]  }
0xdd: {  	v32 =	vld [tilespmem:s30+$0x4FF0]  }
0xde: {  	v17 =	vmul.bf16 v58, v17;
	v34 =	vmul.bf16 v62, v60;
	v33 =	vld [tilespmem:s30+$0x8FF0]  }
0xdf: {  	v35 =	vmul.bf16 v30, v63;
	v19 =	vmul.bf16 v19, v59;
	v36 =	vld [tilespmem:s30+$0x5000]  }
0xe0: {  	v37 =	vld [tilespmem:s30+$0x9000]  }
0xe1: {  	v38 =	vld [tilespmem:s30+$0x5010];
	v17 =	vadd.bf16 v19, v17;
	v19 =	vadd.bf16 v35, v34  }
0xe2: {  	v39 =	vld [tilespmem:s30+$0x9010]  }
0xe3: {  	v17 =	vadd.bf16 v19, v17;
	_ =	sdelay $0x1  }
0xe4: {  	v19 =	vunpack.i.u.bf16.f32 v17;
	v17 =	vunpack.i.l.bf16.f32 v17  }
0xe5: {  	v18 =	vmul.bf16 v31, v18;
	v40 =	vmul.bf16 v37, v36;
	v17 =	vadd.f32 v17, v19  }
0xe6: {  	v21 =	vmul.bf16 v39, v38;
	v19 =	vmul.bf16 v33, v32  }
0xe7: {  	[tilespmem:s31+$0xCEE0] =	vst v17  }
0xe8: {  	v18 =	vadd.bf16 v19, v18;
	v19 =	vadd.bf16 v21, v40;
	v17 =	vld [tilespmem:s0+$0x5060]  }
0xe9: {  	v41 =	vld [tilespmem:s0+$0x9060]  }
0xea: {  	v42 =	vld [tilespmem:s0+$0x5070];
	v18 =	vadd.bf16 v19, v18  }
0xeb: {  	v43 =	vld [tilespmem:s0+$0x5080]  }
0xec: {  	v45 =	vld [tilespmem:s0+$0x9080];
	v44 =	vunpack.i.u.bf16.f32 v18;
	v18 =	vunpack.i.l.bf16.f32 v18  }
0xed: {  	v46 =	vld [tilespmem:s0+$0x5090];
	v18 =	vadd.f32 v18, v44  }
0xee: {  	v47 =	vld [tilespmem:s0+$0x9090]  }
0xef: {  	v19 =	vld [tilespmem:s0+$0x9070];
	[tilespmem:s29+$0xCEC8] =	vst v18  }
0xf0: {  	v18 =	vld [tilespmem:s30+$0x5020]  }
0xf1: {  	v48 =	vld [tilespmem:s30+$0x9020]  }
0xf2: {  	v49 =	vld [tilespmem:s30+$0x5030]  }
0xf3: {  	v17 =	vmul.bf16 v41, v17;
	v51 =	vmul.bf16 v45, v43;
	v50 =	vld [tilespmem:s30+$0x9030]  }
0xf4: {  	v52 =	vmul.bf16 v47, v46;
	v19 =	vmul.bf16 v19, v42;
	v53 =	vld [tilespmem:s30+$0x5040]  }
0xf5: {  	v54 =	vld [tilespmem:s30+$0x9040]  }
0xf6: {  	v55 =	vld [tilespmem:s30+$0x5050];
	v17 =	vadd.bf16 v19, v17;
	v19 =	vadd.bf16 v52, v51  }
0xf7: {  	v56 =	vld [tilespmem:s30+$0x9050]  }
0xf8: {  	v17 =	vadd.bf16 v19, v17;
	_ =	sdelay $0x1  }
0xf9: {  	v19 =	vunpack.i.u.bf16.f32 v17;
	v17 =	vunpack.i.l.bf16.f32 v17  }
0xfa: {  	v18 =	vmul.bf16 v48, v18;
	v57 =	vmul.bf16 v54, v53;
	v17 =	vadd.f32 v17, v19  }
0xfb: {  	v21 =	vmul.bf16 v56, v55;
	v19 =	vmul.bf16 v50, v49  }
0xfc: {  	[tilespmem:s31+$0xCEF8] =	vst v17  }
0xfd: {  	v18 =	vadd.bf16 v19, v18;
	v19 =	vadd.bf16 v21, v57;
	v17 =	vld [tilespmem:s0+$0x50A0]  }
0xfe: {  	v58 =	vld [tilespmem:s0+$0x90A0]  }
0xff: {  	v59 =	vld [tilespmem:s0+$0x50B0];
	v18 =	vadd.bf16 v19, v18  }
0x100: {  	v60 =	vld [tilespmem:s0+$0x50C0]  }
0x101: {  	v62 =	vld [tilespmem:s0+$0x90C0];
	v61 =	vunpack.i.u.bf16.f32 v18;
	v18 =	vunpack.i.l.bf16.f32 v18  }
0x102: {  	v63 =	vld [tilespmem:s0+$0x50D0];
	v18 =	vadd.f32 v18, v61  }
0x103: {  	v30 =	vld [tilespmem:s0+$0x90D0]  }
0x104: {  	v19 =	vld [tilespmem:s0+$0x90B0];
	[tilespmem:s29+$0xCEE0] =	vst v18  }
0x105: {  	v18 =	vld [tilespmem:s30+$0x5060]  }
0x106: {  	v31 =	vld [tilespmem:s30+$0x9060]  }
0x107: {  	v32 =	vld [tilespmem:s30+$0x5070]  }
0x108: {  	v17 =	vmul.bf16 v58, v17;
	v34 =	vmul.bf16 v62, v60;
	v33 =	vld [tilespmem:s30+$0x9070]  }
0x109: {  	v35 =	vmul.bf16 v30, v63;
	v19 =	vmul.bf16 v19, v59;
	v36 =	vld [tilespmem:s30+$0x5080]  }
0x10a: {  	v37 =	vld [tilespmem:s30+$0x9080]  }
0x10b: {  	v38 =	vld [tilespmem:s30+$0x5090];
	v17 =	vadd.bf16 v19, v17;
	v19 =	vadd.bf16 v35, v34  }
0x10c: {  	v39 =	vld [tilespmem:s30+$0x9090]  }
0x10d: {  	v17 =	vadd.bf16 v19, v17;
	_ =	sdelay $0x1  }
0x10e: {  	v19 =	vunpack.i.u.bf16.f32 v17;
	v17 =	vunpack.i.l.bf16.f32 v17  }
0x10f: {  	v18 =	vmul.bf16 v31, v18;
	v40 =	vmul.bf16 v37, v36;
	v17 =	vadd.f32 v17, v19  }
0x110: {  	v21 =	vmul.bf16 v39, v38;
	v19 =	vmul.bf16 v33, v32  }
0x111: {  	[tilespmem:s31+$0xCF10] =	vst v17  }
0x112: {  	v18 =	vadd.bf16 v19, v18;
	v19 =	vadd.bf16 v21, v40;
	v17 =	vld [tilespmem:s0+$0x50E0]  }
0x113: {  	v41 =	vld [tilespmem:s0+$0x90E0]  }
0x114: {  	v42 =	vld [tilespmem:s0+$0x50F0];
	v18 =	vadd.bf16 v19, v18  }
0x115: {  	v43 =	vld [tilespmem:s0+$0x5100]  }
0x116: {  	v45 =	vld [tilespmem:s0+$0x9100];
	v44 =	vunpack.i.u.bf16.f32 v18;
	v18 =	vunpack.i.l.bf16.f32 v18  }
0x117: {  	v46 =	vld [tilespmem:s0+$0x5110];
	v18 =	vadd.f32 v18, v44  }
0x118: {  	v47 =	vld [tilespmem:s0+$0x9110]  }
0x119: {  	v19 =	vld [tilespmem:s0+$0x90F0];
	[tilespmem:s29+$0xCEF8] =	vst v18  }
0x11a: {  	v18 =	vld [tilespmem:s30+$0x50A0]  }
0x11b: {  	v48 =	vld [tilespmem:s30+$0x90A0]  }
0x11c: {  	v49 =	vld [tilespmem:s30+$0x50B0]  }
0x11d: {  	v17 =	vmul.bf16 v41, v17;
	v51 =	vmul.bf16 v45, v43;
	v50 =	vld [tilespmem:s30+$0x90B0]  }
0x11e: {  	v52 =	vmul.bf16 v47, v46;
	v19 =	vmul.bf16 v19, v42;
	v53 =	vld [tilespmem:s30+$0x50C0]  }
0x11f: {  	v54 =	vld [tilespmem:s30+$0x90C0]  }
0x120: {  	v55 =	vld [tilespmem:s30+$0x50D0];
	v17 =	vadd.bf16 v19, v17;
	v19 =	vadd.bf16 v52, v51  }
0x121: {  	v56 =	vld [tilespmem:s30+$0x90D0]  }
0x122: {  	v17 =	vadd.bf16 v19, v17;
	_ =	sdelay $0x1  }
0x123: {  	v19 =	vunpack.i.u.bf16.f32 v17;
	v17 =	vunpack.i.l.bf16.f32 v17  }
0x124: {  	v18 =	vmul.bf16 v48, v18;
	v57 =	vmul.bf16 v54, v53;
	v17 =	vadd.f32 v17, v19  }
0x125: {  	v21 =	vmul.bf16 v56, v55;
	v19 =	vmul.bf16 v50, v49  }
0x126: {  	[tilespmem:s31+$0xCF28] =	vst v17  }
0x127: {  	v18 =	vadd.bf16 v19, v18;
	v19 =	vadd.bf16 v21, v57;
	v17 =	vld [tilespmem:s0+$0x5120]  }
0x128: {  	v58 =	vld [tilespmem:s0+$0x9120]  }
0x129: {  	v59 =	vld [tilespmem:s0+$0x5130];
	v18 =	vadd.bf16 v19, v18  }
0x12a: {  	v60 =	vld [tilespmem:s0+$0x5140]  }
0x12b: {  	v62 =	vld [tilespmem:s0+$0x9140];
	v61 =	vunpack.i.u.bf16.f32 v18;
	v18 =	vunpack.i.l.bf16.f32 v18  }
0x12c: {  	v63 =	vld [tilespmem:s0+$0x5150];
	v18 =	vadd.f32 v18, v61  }
0x12d: {  	v30 =	vld [tilespmem:s0+$0x9150]  }
0x12e: {  	v19 =	vld [tilespmem:s0+$0x9130];
	[tilespmem:s29+$0xCF10] =	vst v18  }
0x12f: {  	v18 =	vld [tilespmem:s30+$0x50E0]  }
0x130: {  	v31 =	vld [tilespmem:s30+$0x90E0]  }
0x131: {  	v32 =	vld [tilespmem:s30+$0x50F0]  }
0x132: {  	v17 =	vmul.bf16 v58, v17;
	v34 =	vmul.bf16 v62, v60;
	v33 =	vld [tilespmem:s30+$0x90F0]  }
0x133: {  	v35 =	vmul.bf16 v30, v63;
	v19 =	vmul.bf16 v19, v59;
	v36 =	vld [tilespmem:s30+$0x5100]  }
0x134: {  	v37 =	vld [tilespmem:s30+$0x9100]  }
0x135: {  	v38 =	vld [tilespmem:s30+$0x5110];
	v17 =	vadd.bf16 v19, v17;
	v19 =	vadd.bf16 v35, v34  }
0x136: {  	v39 =	vld [tilespmem:s30+$0x9110]  }
0x137: {  	v17 =	vadd.bf16 v19, v17;
	_ =	sdelay $0x1  }
0x138: {  	v19 =	vunpack.i.u.bf16.f32 v17;
	v17 =	vunpack.i.l.bf16.f32 v17  }
0x139: {  	v18 =	vmul.bf16 v31, v18;
	v40 =	vmul.bf16 v37, v36;
	v17 =	vadd.f32 v17, v19  }
0x13a: {  	v21 =	vmul.bf16 v39, v38;
	v19 =	vmul.bf16 v33, v32  }
0x13b: {  	[tilespmem:s31+$0xCF40] =	vst v17  }
0x13c: {  	v18 =	vadd.bf16 v19, v18;
	v19 =	vadd.bf16 v21, v40;
	v17 =	vld [tilespmem:s0+$0x5160]  }
0x13d: {  	v41 =	vld [tilespmem:s0+$0x9160]  }
0x13e: {  	v42 =	vld [tilespmem:s0+$0x5170];
	v18 =	vadd.bf16 v19, v18  }
0x13f: {  	v43 =	vld [tilespmem:s0+$0x5180]  }
0x140: {  	v45 =	vld [tilespmem:s0+$0x9180];
	v44 =	vunpack.i.u.bf16.f32 v18;
	v18 =	vunpack.i.l.bf16.f32 v18  }
0x141: {  	v46 =	vld [tilespmem:s0+$0x5190];
	v18 =	vadd.f32 v18, v44  }
0x142: {  	v47 =	vld [tilespmem:s0+$0x9190]  }
0x143: {  	v19 =	vld [tilespmem:s0+$0x9170];
	[tilespmem:s29+$0xCF28] =	vst v18  }
0x144: {  	v18 =	vld [tilespmem:s30+$0x5120]  }
0x145: {  	v48 =	vld [tilespmem:s30+$0x9120]  }
0x146: {  	v49 =	vld [tilespmem:s30+$0x5130]  }
0x147: {  	v17 =	vmul.bf16 v41, v17;
	v51 =	vmul.bf16 v45, v43;
	v50 =	vld [tilespmem:s30+$0x9130]  }
0x148: {  	v52 =	vmul.bf16 v47, v46;
	v19 =	vmul.bf16 v19, v42;
	v53 =	vld [tilespmem:s30+$0x5140]  }
0x149: {  	v54 =	vld [tilespmem:s30+$0x9140]  }
0x14a: {  	v55 =	vld [tilespmem:s30+$0x5150];
	v17 =	vadd.bf16 v19, v17;
	v19 =	vadd.bf16 v52, v51  }
0x14b: {  	v56 =	vld [tilespmem:s30+$0x9150]  }
0x14c: {  	v17 =	vadd.bf16 v19, v17;
	_ =	sdelay $0x1  }
0x14d: {  	v19 =	vunpack.i.u.bf16.f32 v17;
	v17 =	vunpack.i.l.bf16.f32 v17  }
0x14e: {  	v18 =	vmul.bf16 v48, v18;
	v57 =	vmul.bf16 v54, v53;
	v17 =	vadd.f32 v17, v19  }
0x14f: {  	v21 =	vmul.bf16 v56, v55;
	v19 =	vmul.bf16 v50, v49  }
0x150: {  	[tilespmem:s31+$0xCF58] =	vst v17  }
0x151: {  	v18 =	vadd.bf16 v19, v18;
	v19 =	vadd.bf16 v21, v57;
	v17 =	vld [tilespmem:s0+$0x51A0]  }
0x152: {  	v58 =	vld [tilespmem:s0+$0x91A0]  }
0x153: {  	v59 =	vld [tilespmem:s0+$0x51B0];
	v18 =	vadd.bf16 v19, v18  }
0x154: {  	v60 =	vld [tilespmem:s0+$0x51C0]  }
0x155: {  	v62 =	vld [tilespmem:s0+$0x91C0];
	v61 =	vunpack.i.u.bf16.f32 v18;
	v18 =	vunpack.i.l.bf16.f32 v18  }
0x156: {  	v63 =	vld [tilespmem:s0+$0x51D0];
	v18 =	vadd.f32 v18, v61  }
0x157: {  	v30 =	vld [tilespmem:s0+$0x91D0]  }
0x158: {  	v19 =	vld [tilespmem:s0+$0x91B0];
	[tilespmem:s29+$0xCF40] =	vst v18  }
0x159: {  	v18 =	vld [tilespmem:s30+$0x5160]  }
0x15a: {  	v31 =	vld [tilespmem:s30+$0x9160]  }
0x15b: {  	v32 =	vld [tilespmem:s30+$0x5170]  }
0x15c: {  	v17 =	vmul.bf16 v58, v17;
	v34 =	vmul.bf16 v62, v60;
	v33 =	vld [tilespmem:s30+$0x9170]  }
0x15d: {  	v35 =	vmul.bf16 v30, v63;
	v19 =	vmul.bf16 v19, v59;
	v36 =	vld [tilespmem:s30+$0x5180]  }
0x15e: {  	v37 =	vld [tilespmem:s30+$0x9180]  }
0x15f: {  	v38 =	vld [tilespmem:s30+$0x5190];
	v17 =	vadd.bf16 v19, v17;
	v19 =	vadd.bf16 v35, v34  }
0x160: {  	v39 =	vld [tilespmem:s30+$0x9190]  }
0x161: {  	v17 =	vadd.bf16 v19, v17;
	_ =	sdelay $0x1  }
0x162: {  	v19 =	vunpack.i.u.bf16.f32 v17;
	v17 =	vunpack.i.l.bf16.f32 v17  }
0x163: {  	v18 =	vmul.bf16 v31, v18;
	v40 =	vmul.bf16 v37, v36;
	v17 =	vadd.f32 v17, v19  }
0x164: {  	v21 =	vmul.bf16 v39, v38;
	v19 =	vmul.bf16 v33, v32  }
0x165: {  	[tilespmem:s31+$0xCF70] =	vst v17  }
0x166: {  	v18 =	vadd.bf16 v19, v18;
	v19 =	vadd.bf16 v21, v40;
	v17 =	vld [tilespmem:s0+$0x51E0]  }
0x167: {  	v41 =	vld [tilespmem:s0+$0x91E0]  }
0x168: {  	v42 =	vld [tilespmem:s0+$0x51F0];
	v18 =	vadd.bf16 v19, v18  }
0x169: {  	v43 =	vld [tilespmem:s0+$0x5200]  }
0x16a: {  	v45 =	vld [tilespmem:s0+$0x9200];
	v44 =	vunpack.i.u.bf16.f32 v18;
	v18 =	vunpack.i.l.bf16.f32 v18  }
0x16b: {  	v46 =	vld [tilespmem:s0+$0x5210];
	v18 =	vadd.f32 v18, v44  }
0x16c: {  	v47 =	vld [tilespmem:s0+$0x9210]  }
0x16d: {  	v19 =	vld [tilespmem:s0+$0x91F0];
	[tilespmem:s29+$0xCF58] =	vst v18  }
0x16e: {  	v18 =	vld [tilespmem:s30+$0x51A0]  }
0x16f: {  	v48 =	vld [tilespmem:s30+$0x91A0]  }
0x170: {  	v49 =	vld [tilespmem:s30+$0x51B0]  }
0x171: {  	v28 =	vld [tilespmem:s30+$0x91B0]  }
0x172: {  	v29 =	vld [tilespmem:s30+$0x51C0]  }
0x173: {  	v30 =	vld [tilespmem:s30+$0x91C0]  }
0x174: {  	v31 =	vld [tilespmem:s30+$0x51D0]  }
0x175: {  	v50 =	vld [tilespmem:s30+$0x91D0]  }
0x176: {  	v17 =	vmul.bf16 v41, v17;
	v19 =	vmul.bf16 v19, v42  }
0x177: {  	v53 =	vmov s26;
	v51 =	vmul.bf16 v45, v43;
	v52 =	vmul.bf16 v47, v46  }
0x178: {  	v54 =	vmul.u32 $0x180, v53;
	v17 =	vadd.bf16 v19, v17  }
0x179: {  	v19 =	vadd.bf16 v52, v51;
	v18 =	vmul.bf16 v48, v18;
	v55 =	vmul.bf16 v28, v49  }
0x17a: {  	v56 =	vmul.bf16 v30, v29;
	v20 =	vmul.bf16 v50, v31  }
0x17b: {  	v17 =	vadd.bf16 v19, v17;
	v19 =	vbroadcast v54, $0x0  }
0x17c: {  	v18 =	vadd.bf16 v55, v18;
	v20 =	vadd.bf16 v20, v56  }
0x17d: {  	v57 =	vunpack.i.u.bf16.f32 v17;
	v62 =	vadd.s32 v2, v19  }
0x17e: {  	v17 =	vunpack.i.l.bf16.f32 v17;
	v40 =	vadd.s32 v3, v19;
	v18 =	vadd.bf16 v20, v18  }
0x17f: {  	v17 =	vadd.f32 v17, v57  }
0x180: {  	v20 =	vunpack.i.u.bf16.f32 v18;
	v18 =	vunpack.i.l.bf16.f32 v18  }
0x181: {  	[tilespmem:s31+$0xCF88] =	vst v17;
	v17 =	vadd.f32 v18, v20  }
0x182: {  	v23 =	vld.idx.msk [tilespmem:v62+s19+$0x0], $0xffff  }
0x183: {  	v25 =	vld.idx.msk [tilespmem:v40+s19+$0x0], $0xffff;
	[tilespmem:s29+$0xCF70] =	vst v17  }
0x184: {  	v17 =	vld [tilespmem:s30+$0x51E0]  }
0x185: {  	v60 =	vld [tilespmem:s30+$0x91E0]  }
0x186: {  	v61 =	vld [tilespmem:s30+$0x51F0]  }
0x187: {  	v42 =	vadd.s32 v4, v19;
	v63 =	vld [tilespmem:s30+$0x91F0]  }
0x188: {  	v44 =	vadd.s32 v5, v19;
	v41 =	vld [tilespmem:s30+$0x5200]  }
0x189: {  	v46 =	vadd.s32 v6, v19;
	v43 =	vld [tilespmem:s30+$0x9200]  }
0x18a: {  	v33 =	vadd.s32 v7, v19;
	v45 =	vld [tilespmem:s30+$0x5210]  }
0x18b: {  	v34 =	vadd.s32 v8, v19;
	v32 =	vld [tilespmem:s30+$0x9210]  }
0x18c: {  	v35 =	vadd.s32 v9, v19;
	v27 =	vld.idx.msk [tilespmem:v42+s19+$0x0], $0xffff  }
0x18d: {  	v36 =	vadd.s32 v10, v19;
	v29 =	vld.idx.msk [tilespmem:v44+s19+$0x0], $0xffff  }
0x18e: {  	v59 =	vadd.s32 v1, v19;
	v51 =	vadd.s32 v12, v19;
	v22 =	vld.idx.msk [tilespmem:v46+s19+$0x0], $0xffff  }
0x18f: {  	v53 =	vadd.s32 v13, v19;
	v50 =	vld.idx.msk [tilespmem:v33+s19+$0x0], $0xffff;
	v17 =	vmul.bf16 v60, v17;
	v47 =	vmul.bf16 v63, v61  }
0x190: {  	v48 =	vmov s28;
	v52 =	vld.idx.msk [tilespmem:v34+s19+$0x0], $0xffff;
	v26 =	vmul.bf16 v43, v41;
	v49 =	vmul.bf16 v32, v45  }
0x191: {  	v58 =	vadd.s32 v0, v19;
	v24 =	vmul.u32 $0x180, v48;
	v55 =	vld.idx.msk [tilespmem:v35+s19+$0x0], $0xffff  }
0x192: {  	v37 =	vadd.s32 v11, v19;
	v57 =	vld.idx.msk [tilespmem:v36+s19+$0x0], $0xffff;
	v17 =	vadd.bf16 v47, v17;
	v54 =	vadd.bf16 v49, v26  }
0x193: {  	v56 =	vadd.s32 v14, v19;
	v24 =	vbroadcast v24, $0x0;
	v31 =	vld.idx.msk [tilespmem:v51+s19+$0x0], $0xffff  }
0x194: {  	v19 =	vadd.s32 v15, v19;
	v33 =	vld.idx.msk [tilespmem:v53+s19+$0x0], $0xffff;
	v17 =	vadd.bf16 v54, v17  }
0x195: {  	v20 =	vld.idx.msk [tilespmem:v59+s19+$0x0], $0xffff;
	v59 =	vadd.s32 v0, v24  }
0x196: {  	v18 =	vld.idx.msk [tilespmem:v58+s19+$0x0], $0xffff;
	v61 =	vadd.s32 v1, v24;
	v60 =	vunpack.i.u.bf16.f32 v17;
	v17 =	vunpack.i.l.bf16.f32 v17  }
0x197: {  	v62 =	vadd.s32 v2, v24;
	v58 =	vld.idx.msk [tilespmem:v37+s19+$0x0], $0xffff;
	v17 =	vadd.f32 v17, v60  }
0x198: {  	v38 =	vadd.s32 v3, v24;
	v28 =	vld.idx.msk [tilespmem:v56+s19+$0x0], $0xffff  }
0x199: {  	v39 =	vadd.s32 v5, v24;
	v19 =	vld.idx.msk [tilespmem:v19+s19+$0x0], $0xffff;
	[tilespmem:s29+$0xCF88] =	vst v17  }
0x19a: {  	v40 =	vadd.s32 v6, v24;
	v35 =	vld.idx.msk [tilespmem:v59+s19+$0x0], $0xffff  }
0x19b: {  	v41 =	vadd.s32 v7, v24;
	v37 =	vld.idx.msk [tilespmem:v61+s19+$0x0], $0xffff  }
0x19c: {  	v42 =	vadd.s32 v8, v24;
	v36 =	vld.idx.msk [tilespmem:v62+s19+$0x0], $0xffff  }
0x19d: {  	v43 =	vadd.s32 v9, v24;
	v38 =	vld.idx.msk [tilespmem:v38+s19+$0x0], $0xffff  }
0x19e: {  	v44 =	vadd.s32 v10, v24;
	v39 =	vld.idx.msk [tilespmem:v39+s19+$0x0], $0xffff  }
0x19f: {  	v23 =	vadd.f32 $0.0e+00, v23;
	v25 =	vadd.f32 $0.0e+00, v25;
	v45 =	vadd.s32 v11, v24;
	v40 =	vld.idx.msk [tilespmem:v40+s19+$0x0], $0xffff  }
0x1a0: {  	v18 =	vadd.f32 $0.0e+00, v18;
	v20 =	vadd.f32 $0.0e+00, v20;
	v17 =	vadd.s32 v4, v24;
	v63 =	vld.idx.msk [tilespmem:v41+s19+$0x0], $0xffff  }
0x1a1: {  	v48 =	vadd.s32 v13, v24;
	v22 =	vadd.f32 v22, v23;
	v46 =	vadd.f32 v50, v25;
	v47 =	vld.idx.msk [tilespmem:v42+s19+$0x0], $0xffff  }
0x1a2: {  	v50 =	vadd.s32 v14, v24;
	v18 =	vadd.f32 v27, v18;
	v20 =	vadd.f32 v29, v20;
	v49 =	vld.idx.msk [tilespmem:v43+s19+$0x0], $0xffff  }
0x1a3: {  	v22 =	vadd.f32 v57, v22;
	v21 =	vadd.f32 v58, v46;
	v41 =	vadd.s32 v12, v24;
	v51 =	vld.idx.msk [tilespmem:v44+s19+$0x0], $0xffff  }
0x1a4: {  	v18 =	vadd.f32 v52, v18;
	v20 =	vadd.f32 v55, v20;
	v24 =	vadd.s32 v15, v24;
	v52 =	vld.idx.msk [tilespmem:v45+s19+$0x0], $0xffff  }
0x1a5: {  	v22 =	vadd.f32 v28, v22;
	v19 =	vadd.f32 v19, v21;
	v17 =	vld.idx.msk [tilespmem:v17+s19+$0x0], $0xffff  }
0x1a6: {  	v18 =	vadd.f32 v31, v18;
	v20 =	vadd.f32 v33, v20;
	v30 =	vld.idx.msk [tilespmem:v48+s19+$0x0], $0xffff  }
0x1a7: {  	v32 =	vld.idx.msk [tilespmem:v50+s19+$0x0], $0xffff;
	v55 =	vadd.f32 $0.0e+00, v37;
	v56 =	vadd.f32 $0.0e+00, v36  }
0x1a8: {  	v53 =	vld.idx.msk [tilespmem:v41+s19+$0x0], $0xffff;
	v54 =	vadd.f32 $0.0e+00, v35;
	v57 =	vadd.f32 $0.0e+00, v38  }
0x1a9: {  	v24 =	vld.idx.msk [tilespmem:v24+s19+$0x0], $0xffff;
	v58 =	vadd.f32 v39, v55;
	v59 =	vadd.f32 v40, v56  }
0x1aa: {  	v27 =	vadd.f32 v63, v57;
	v17 =	vadd.f32 v17, v54  }
0x1ab: {  	v60 =	vadd.f32 v49, v58;
	v23 =	vadd.f32 v51, v59  }
0x1ac: {  	v61 =	vadd.f32 v52, v27;
	v17 =	vadd.f32 v47, v17  }
0x1ad: {  	v62 =	vadd.f32 v30, v60;
	v23 =	vadd.f32 v32, v23  }
0x1ae: {  	v24 =	vadd.f32 v24, v61;
	v17 =	vadd.f32 v53, v17  }
0x1af: {  	p0 =	slt.u32 s26, $0x6;
	v19 =	vadd.f32 v19, v22;
	v18 =	vadd.f32 v20, v18  }
.Ltmp0:
0x1b0: {  	v63 =	vadd.f32 v24, v23;
	v17 =	vadd.f32 v62, v17;
	(pc) =	sbr.rel @p0 .LBB2_3-.Ltmp0, $4  }
0x1b1: {  	v18 =	vadd.f32 v19, v18;
	s29 =	sshll.u32 s26, $0x4  }
0x1b2: {  	s28 =	sshll.u32 s28, $0x4;
	s0 =	sand.u32 $0x3FFFFFF0, s29;
	v17 =	vadd.f32 v63, v17  }
0x1b3: {  	s31 =	sadd.s32 $0x2, s26;
	s30 =	sand.u32 $0x3FFFFFF0, s28;
	[tilespmem:v16+s0+$0x0 ss:$0x1] =	vst.idx.msk $0xffff, v18  }
0x1b4: {  	s26 =	smov.u32 s31;
	[tilespmem:v16+s30+$0x0 ss:$0x1] =	vst.idx.msk $0xffff, v17  }
0x1b5: {  	p0 =	seq.s32 s23, $0x27  }
0x1b6: {  	s0 =	smin.u32 @!p0 s25, $0x2590  }
0x1b7: {  	s26 =	simm.s32 @!p0 $0x80;
	s28 =	simm.s32 @!p0 $0x4E20;
	s25 =	sadd.s32 @!p0 $0x100, s0  }
0x1b8: {  	[tilespmem:s28], [sflag:$0x1] =	stream.indirect.gather @!p0 [spmem:s2], $0x40, s25, s26, $0xb8;
	[tilespmem:$0x19D70] =	vst v63  }
0x1b9: {  	s0 =	sadd.s32 @!p0 $0x2810, s0;
	s25 =	simm.s32 @!p0 $0x8E20  }
0x1ba: {  	[tilespmem:s25], [sflag:$0x1] =	stream.indirect.gather @!p0 [spmem:s2], $0x40, s0, s26, $0xb8;
	[tilespmem:$0x19D70] =	vst v63  }
0x1bb: {  	_ =	swait.ge [sflag:s20], $0x2000  }
0x1bc: {  	[sflag:s20] =	ssyncset.done $0x0  }
0x1bd: {  	[sflag:s20] =	ssyncadd.s32 $0xFFFFE000  }
0x1be: {  	_ =	swait.ge [sflag:s20], $0x2000  }
0x1bf: {  	s31 =	sadd.s32 $0xDA20, s24;
	[sflag:s20] =	ssyncset.done $0x0  }
0x1c0: {  	s24 =	simm.s32 $0x0;
	v16 =	vmov s31;
	[sflag:s20] =	ssyncadd.s32 $0xFFFFE000  }
.LBB2_5:
0x1c1: {  	s0 =	sshll.u32 s24, $0xA  }
0x1c2: {  	s0 =	sand.u32 $0x7FFFFC00, s0  }
0x1c3: {  	v17 =	vld [tilespmem:s0+$0x6E20]  }
0x1c4: {  	v18 =	vld [tilespmem:s0+$0xAE20]  }
0x1c5: {  	v19 =	vld [tilespmem:s0+$0x6E30]  }
0x1c6: {  	v20 =	vld [tilespmem:s0+$0xAE30]  }
0x1c7: {  	v21 =	vld [tilespmem:s0+$0x6E40]  }
0x1c8: {  	v22 =	vld [tilespmem:s0+$0xAE40]  }
0x1c9: {  	v23 =	vld [tilespmem:s0+$0x6E50]  }
0x1ca: {  	v24 =	vld [tilespmem:s0+$0xAE50];
	_ =	sdelay $0x3  }
0x1cb: {  	v17 =	vmul.bf16 v18, v17;
	v18 =	vmul.bf16 v20, v19  }
0x1cc: {  	v19 =	vmul.bf16 v22, v21;
	v46 =	vmul.bf16 v24, v23;
	_ =	sdelay $0x1  }
0x1cd: {  	v17 =	vadd.bf16 v18, v17;
	v18 =	vadd.bf16 v46, v19;
	_ =	sdelay $0x1  }
0x1ce: {  	v17 =	vadd.bf16 v18, v17;
	_ =	sdelay $0x1  }
0x1cf: {  	s25 =	smul.u32 $0x600, s24;
	v18 =	vunpack.i.u.bf16.f32 v17;
	v17 =	vunpack.i.l.bf16.f32 v17  }
0x1d0: {  	v17 =	vadd.f32 v17, v18  }
0x1d1: {  	s29 =	sshra.s32 s25, $0x2  }
0x1d2: {  	[tilespmem:s29+$0xCE20] =	vst v17  }
0x1d3: {  	v17 =	vld [tilespmem:s0+$0x6E60]  }
0x1d4: {  	v18 =	vld [tilespmem:s0+$0xAE60]  }
0x1d5: {  	v19 =	vld [tilespmem:s0+$0x6E70]  }
0x1d6: {  	v47 =	vld [tilespmem:s0+$0xAE70]  }
0x1d7: {  	v48 =	vld [tilespmem:s0+$0x6E80]  }
0x1d8: {  	s30 =	sor.u32 $0x1, s24;
	v49 =	vld [tilespmem:s0+$0xAE80]  }
0x1d9: {  	s26 =	sshll.u32 s30, $0xA;
	v50 =	vld [tilespmem:s0+$0x6E90]  }
0x1da: {  	s28 =	sand.u32 $0x7FFFFC00, s26;
	v51 =	vld [tilespmem:s0+$0xAE90]  }
0x1db: {  	v25 =	vld [tilespmem:s28+$0x6E20]  }
0x1dc: {  	v26 =	vld [tilespmem:s28+$0xAE20]  }
0x1dd: {  	v27 =	vld [tilespmem:s28+$0x6E30]  }
0x1de: {  	v54 =	vld [tilespmem:s28+$0x6E40];
	v17 =	vmul.bf16 v18, v17;
	v18 =	vmul.bf16 v47, v19  }
0x1df: {  	v55 =	vld [tilespmem:s28+$0xAE40];
	v52 =	vmul.bf16 v49, v48;
	v53 =	vmul.bf16 v51, v50  }
0x1e0: {  	v56 =	vld [tilespmem:s28+$0x6E50]  }
0x1e1: {  	v57 =	vld [tilespmem:s28+$0xAE50];
	v17 =	vadd.bf16 v18, v17;
	v18 =	vadd.bf16 v53, v52  }
0x1e2: {  	v19 =	vld [tilespmem:s28+$0xAE30]  }
0x1e3: {  	v17 =	vadd.bf16 v18, v17;
	_ =	sdelay $0x1  }
0x1e4: {  	v18 =	vunpack.i.u.bf16.f32 v17;
	v17 =	vunpack.i.l.bf16.f32 v17  }
0x1e5: {  	v22 =	vmul.bf16 v55, v54;
	v20 =	vmul.bf16 v57, v56;
	v17 =	vadd.f32 v17, v18  }
0x1e6: {  	v19 =	vmul.bf16 v19, v27;
	v18 =	vmul.bf16 v26, v25  }
0x1e7: {  	[tilespmem:s29+$0xCE38] =	vst v17  }
0x1e8: {  	v18 =	vadd.bf16 v19, v18;
	v19 =	vadd.bf16 v20, v22;
	v17 =	vld [tilespmem:s0+$0x6EA0]  }
0x1e9: {  	v58 =	vld [tilespmem:s0+$0xAEA0]  }
0x1ea: {  	v59 =	vld [tilespmem:s0+$0x6EB0];
	v18 =	vadd.bf16 v19, v18  }
0x1eb: {  	v60 =	vld [tilespmem:s0+$0x6EC0]  }
0x1ec: {  	s31 =	smul.u32 $0x600, s30;
	v62 =	vld [tilespmem:s0+$0xAEC0];
	v61 =	vunpack.i.u.bf16.f32 v18;
	v18 =	vunpack.i.l.bf16.f32 v18  }
0x1ed: {  	v63 =	vld [tilespmem:s0+$0x6ED0];
	v18 =	vadd.f32 v18, v61  }
0x1ee: {  	s26 =	sshra.s32 s31, $0x2;
	v30 =	vld [tilespmem:s0+$0xAED0]  }
0x1ef: {  	v19 =	vld [tilespmem:s0+$0xAEB0];
	[tilespmem:s26+$0xCE20] =	vst v18  }
0x1f0: {  	v18 =	vld [tilespmem:s28+$0x6E60]  }
0x1f1: {  	v31 =	vld [tilespmem:s28+$0xAE60]  }
0x1f2: {  	v32 =	vld [tilespmem:s28+$0x6E70]  }
0x1f3: {  	v17 =	vmul.bf16 v58, v17;
	v34 =	vmul.bf16 v62, v60;
	v33 =	vld [tilespmem:s28+$0xAE70]  }
0x1f4: {  	v35 =	vmul.bf16 v30, v63;
	v19 =	vmul.bf16 v19, v59;
	v36 =	vld [tilespmem:s28+$0x6E80]  }
0x1f5: {  	v37 =	vld [tilespmem:s28+$0xAE80]  }
0x1f6: {  	v38 =	vld [tilespmem:s28+$0x6E90];
	v17 =	vadd.bf16 v19, v17;
	v19 =	vadd.bf16 v35, v34  }
0x1f7: {  	v39 =	vld [tilespmem:s28+$0xAE90]  }
0x1f8: {  	v17 =	vadd.bf16 v19, v17;
	_ =	sdelay $0x1  }
0x1f9: {  	v19 =	vunpack.i.u.bf16.f32 v17;
	v17 =	vunpack.i.l.bf16.f32 v17  }
0x1fa: {  	v18 =	vmul.bf16 v31, v18;
	v40 =	vmul.bf16 v37, v36;
	v17 =	vadd.f32 v17, v19  }
0x1fb: {  	v21 =	vmul.bf16 v39, v38;
	v19 =	vmul.bf16 v33, v32  }
0x1fc: {  	[tilespmem:s29+$0xCE50] =	vst v17  }
0x1fd: {  	v18 =	vadd.bf16 v19, v18;
	v19 =	vadd.bf16 v21, v40;
	v17 =	vld [tilespmem:s0+$0x6EE0]  }
0x1fe: {  	v41 =	vld [tilespmem:s0+$0xAEE0]  }
0x1ff: {  	v42 =	vld [tilespmem:s0+$0x6EF0];
	v18 =	vadd.bf16 v19, v18  }
0x200: {  	v43 =	vld [tilespmem:s0+$0x6F00]  }
0x201: {  	v45 =	vld [tilespmem:s0+$0xAF00];
	v44 =	vunpack.i.u.bf16.f32 v18;
	v18 =	vunpack.i.l.bf16.f32 v18  }
0x202: {  	v46 =	vld [tilespmem:s0+$0x6F10];
	v18 =	vadd.f32 v18, v44  }
0x203: {  	v47 =	vld [tilespmem:s0+$0xAF10]  }
0x204: {  	v19 =	vld [tilespmem:s0+$0xAEF0];
	[tilespmem:s26+$0xCE38] =	vst v18  }
0x205: {  	v18 =	vld [tilespmem:s28+$0x6EA0]  }
0x206: {  	v48 =	vld [tilespmem:s28+$0xAEA0]  }
0x207: {  	v49 =	vld [tilespmem:s28+$0x6EB0]  }
0x208: {  	v17 =	vmul.bf16 v41, v17;
	v51 =	vmul.bf16 v45, v43;
	v50 =	vld [tilespmem:s28+$0xAEB0]  }
0x209: {  	v52 =	vmul.bf16 v47, v46;
	v19 =	vmul.bf16 v19, v42;
	v53 =	vld [tilespmem:s28+$0x6EC0]  }
0x20a: {  	v54 =	vld [tilespmem:s28+$0xAEC0]  }
0x20b: {  	v55 =	vld [tilespmem:s28+$0x6ED0];
	v17 =	vadd.bf16 v19, v17;
	v19 =	vadd.bf16 v52, v51  }
0x20c: {  	v56 =	vld [tilespmem:s28+$0xAED0]  }
0x20d: {  	v17 =	vadd.bf16 v19, v17;
	_ =	sdelay $0x1  }
0x20e: {  	v19 =	vunpack.i.u.bf16.f32 v17;
	v17 =	vunpack.i.l.bf16.f32 v17  }
0x20f: {  	v18 =	vmul.bf16 v48, v18;
	v57 =	vmul.bf16 v54, v53;
	v17 =	vadd.f32 v17, v19  }
0x210: {  	v21 =	vmul.bf16 v56, v55;
	v19 =	vmul.bf16 v50, v49  }
0x211: {  	[tilespmem:s29+$0xCE68] =	vst v17  }
0x212: {  	v18 =	vadd.bf16 v19, v18;
	v19 =	vadd.bf16 v21, v57;
	v17 =	vld [tilespmem:s0+$0x6F20]  }
0x213: {  	v58 =	vld [tilespmem:s0+$0xAF20]  }
0x214: {  	v59 =	vld [tilespmem:s0+$0x6F30];
	v18 =	vadd.bf16 v19, v18  }
0x215: {  	v60 =	vld [tilespmem:s0+$0x6F40]  }
0x216: {  	v62 =	vld [tilespmem:s0+$0xAF40];
	v61 =	vunpack.i.u.bf16.f32 v18;
	v18 =	vunpack.i.l.bf16.f32 v18  }
0x217: {  	v63 =	vld [tilespmem:s0+$0x6F50];
	v18 =	vadd.f32 v18, v61  }
0x218: {  	v30 =	vld [tilespmem:s0+$0xAF50]  }
0x219: {  	v19 =	vld [tilespmem:s0+$0xAF30];
	[tilespmem:s26+$0xCE50] =	vst v18  }
0x21a: {  	v18 =	vld [tilespmem:s28+$0x6EE0]  }
0x21b: {  	v31 =	vld [tilespmem:s28+$0xAEE0]  }
0x21c: {  	v32 =	vld [tilespmem:s28+$0x6EF0]  }
0x21d: {  	v17 =	vmul.bf16 v58, v17;
	v34 =	vmul.bf16 v62, v60;
	v33 =	vld [tilespmem:s28+$0xAEF0]  }
0x21e: {  	v35 =	vmul.bf16 v30, v63;
	v19 =	vmul.bf16 v19, v59;
	v36 =	vld [tilespmem:s28+$0x6F00]  }
0x21f: {  	v37 =	vld [tilespmem:s28+$0xAF00]  }
0x220: {  	v38 =	vld [tilespmem:s28+$0x6F10];
	v17 =	vadd.bf16 v19, v17;
	v19 =	vadd.bf16 v35, v34  }
0x221: {  	v39 =	vld [tilespmem:s28+$0xAF10]  }
0x222: {  	v17 =	vadd.bf16 v19, v17;
	_ =	sdelay $0x1  }
0x223: {  	v19 =	vunpack.i.u.bf16.f32 v17;
	v17 =	vunpack.i.l.bf16.f32 v17  }
0x224: {  	v18 =	vmul.bf16 v31, v18;
	v40 =	vmul.bf16 v37, v36;
	v17 =	vadd.f32 v17, v19  }
0x225: {  	v21 =	vmul.bf16 v39, v38;
	v19 =	vmul.bf16 v33, v32  }
0x226: {  	[tilespmem:s29+$0xCE80] =	vst v17  }
0x227: {  	v18 =	vadd.bf16 v19, v18;
	v19 =	vadd.bf16 v21, v40;
	v17 =	vld [tilespmem:s0+$0x6F60]  }
0x228: {  	v41 =	vld [tilespmem:s0+$0xAF60]  }
0x229: {  	v42 =	vld [tilespmem:s0+$0x6F70];
	v18 =	vadd.bf16 v19, v18  }
0x22a: {  	v43 =	vld [tilespmem:s0+$0x6F80]  }
0x22b: {  	v45 =	vld [tilespmem:s0+$0xAF80];
	v44 =	vunpack.i.u.bf16.f32 v18;
	v18 =	vunpack.i.l.bf16.f32 v18  }
0x22c: {  	v46 =	vld [tilespmem:s0+$0x6F90];
	v18 =	vadd.f32 v18, v44  }
0x22d: {  	v47 =	vld [tilespmem:s0+$0xAF90]  }
0x22e: {  	v19 =	vld [tilespmem:s0+$0xAF70];
	[tilespmem:s26+$0xCE68] =	vst v18  }
0x22f: {  	v18 =	vld [tilespmem:s28+$0x6F20]  }
0x230: {  	v48 =	vld [tilespmem:s28+$0xAF20]  }
0x231: {  	v49 =	vld [tilespmem:s28+$0x6F30]  }
0x232: {  	v17 =	vmul.bf16 v41, v17;
	v51 =	vmul.bf16 v45, v43;
	v50 =	vld [tilespmem:s28+$0xAF30]  }
0x233: {  	v52 =	vmul.bf16 v47, v46;
	v19 =	vmul.bf16 v19, v42;
	v53 =	vld [tilespmem:s28+$0x6F40]  }
0x234: {  	v54 =	vld [tilespmem:s28+$0xAF40]  }
0x235: {  	v55 =	vld [tilespmem:s28+$0x6F50];
	v17 =	vadd.bf16 v19, v17;
	v19 =	vadd.bf16 v52, v51  }
0x236: {  	v56 =	vld [tilespmem:s28+$0xAF50]  }
0x237: {  	v17 =	vadd.bf16 v19, v17;
	_ =	sdelay $0x1  }
0x238: {  	v19 =	vunpack.i.u.bf16.f32 v17;
	v17 =	vunpack.i.l.bf16.f32 v17  }
0x239: {  	v18 =	vmul.bf16 v48, v18;
	v57 =	vmul.bf16 v54, v53;
	v17 =	vadd.f32 v17, v19  }
0x23a: {  	v21 =	vmul.bf16 v56, v55;
	v19 =	vmul.bf16 v50, v49  }
0x23b: {  	[tilespmem:s29+$0xCE98] =	vst v17  }
0x23c: {  	v18 =	vadd.bf16 v19, v18;
	v19 =	vadd.bf16 v21, v57;
	v17 =	vld [tilespmem:s0+$0x6FA0]  }
0x23d: {  	v58 =	vld [tilespmem:s0+$0xAFA0]  }
0x23e: {  	v59 =	vld [tilespmem:s0+$0x6FB0];
	v18 =	vadd.bf16 v19, v18  }
0x23f: {  	v60 =	vld [tilespmem:s0+$0x6FC0]  }
0x240: {  	v62 =	vld [tilespmem:s0+$0xAFC0];
	v61 =	vunpack.i.u.bf16.f32 v18;
	v18 =	vunpack.i.l.bf16.f32 v18  }
0x241: {  	v63 =	vld [tilespmem:s0+$0x6FD0];
	v18 =	vadd.f32 v18, v61  }
0x242: {  	v30 =	vld [tilespmem:s0+$0xAFD0]  }
0x243: {  	v19 =	vld [tilespmem:s0+$0xAFB0];
	[tilespmem:s26+$0xCE80] =	vst v18  }
0x244: {  	v18 =	vld [tilespmem:s28+$0x6F60]  }
0x245: {  	v31 =	vld [tilespmem:s28+$0xAF60]  }
0x246: {  	v32 =	vld [tilespmem:s28+$0x6F70]  }
0x247: {  	v17 =	vmul.bf16 v58, v17;
	v34 =	vmul.bf16 v62, v60;
	v33 =	vld [tilespmem:s28+$0xAF70]  }
0x248: {  	v35 =	vmul.bf16 v30, v63;
	v19 =	vmul.bf16 v19, v59;
	v36 =	vld [tilespmem:s28+$0x6F80]  }
0x249: {  	v37 =	vld [tilespmem:s28+$0xAF80]  }
0x24a: {  	v38 =	vld [tilespmem:s28+$0x6F90];
	v17 =	vadd.bf16 v19, v17;
	v19 =	vadd.bf16 v35, v34  }
0x24b: {  	v39 =	vld [tilespmem:s28+$0xAF90]  }
0x24c: {  	v17 =	vadd.bf16 v19, v17;
	_ =	sdelay $0x1  }
0x24d: {  	v19 =	vunpack.i.u.bf16.f32 v17;
	v17 =	vunpack.i.l.bf16.f32 v17  }
0x24e: {  	v18 =	vmul.bf16 v31, v18;
	v40 =	vmul.bf16 v37, v36;
	v17 =	vadd.f32 v17, v19  }
0x24f: {  	v21 =	vmul.bf16 v39, v38;
	v19 =	vmul.bf16 v33, v32  }
0x250: {  	[tilespmem:s29+$0xCEB0] =	vst v17  }
0x251: {  	v18 =	vadd.bf16 v19, v18;
	v19 =	vadd.bf16 v21, v40;
	v17 =	vld [tilespmem:s0+$0x6FE0]  }
0x252: {  	v41 =	vld [tilespmem:s0+$0xAFE0]  }
0x253: {  	v42 =	vld [tilespmem:s0+$0x6FF0];
	v18 =	vadd.bf16 v19, v18  }
0x254: {  	v43 =	vld [tilespmem:s0+$0x7000]  }
0x255: {  	v45 =	vld [tilespmem:s0+$0xB000];
	v44 =	vunpack.i.u.bf16.f32 v18;
	v18 =	vunpack.i.l.bf16.f32 v18  }
0x256: {  	v46 =	vld [tilespmem:s0+$0x7010];
	v18 =	vadd.f32 v18, v44  }
0x257: {  	v47 =	vld [tilespmem:s0+$0xB010]  }
0x258: {  	v19 =	vld [tilespmem:s0+$0xAFF0];
	[tilespmem:s26+$0xCE98] =	vst v18  }
0x259: {  	v18 =	vld [tilespmem:s28+$0x6FA0]  }
0x25a: {  	v48 =	vld [tilespmem:s28+$0xAFA0]  }
0x25b: {  	v49 =	vld [tilespmem:s28+$0x6FB0]  }
0x25c: {  	v17 =	vmul.bf16 v41, v17;
	v51 =	vmul.bf16 v45, v43;
	v50 =	vld [tilespmem:s28+$0xAFB0]  }
0x25d: {  	v52 =	vmul.bf16 v47, v46;
	v19 =	vmul.bf16 v19, v42;
	v53 =	vld [tilespmem:s28+$0x6FC0]  }
0x25e: {  	v54 =	vld [tilespmem:s28+$0xAFC0]  }
0x25f: {  	v55 =	vld [tilespmem:s28+$0x6FD0];
	v17 =	vadd.bf16 v19, v17;
	v19 =	vadd.bf16 v52, v51  }
0x260: {  	v56 =	vld [tilespmem:s28+$0xAFD0]  }
0x261: {  	v17 =	vadd.bf16 v19, v17;
	_ =	sdelay $0x1  }
0x262: {  	v19 =	vunpack.i.u.bf16.f32 v17;
	v17 =	vunpack.i.l.bf16.f32 v17  }
0x263: {  	v18 =	vmul.bf16 v48, v18;
	v57 =	vmul.bf16 v54, v53;
	v17 =	vadd.f32 v17, v19  }
0x264: {  	v21 =	vmul.bf16 v56, v55;
	v19 =	vmul.bf16 v50, v49  }
0x265: {  	[tilespmem:s29+$0xCEC8] =	vst v17  }
0x266: {  	v18 =	vadd.bf16 v19, v18;
	v19 =	vadd.bf16 v21, v57;
	v17 =	vld [tilespmem:s0+$0x7020]  }
0x267: {  	v58 =	vld [tilespmem:s0+$0xB020]  }
0x268: {  	v59 =	vld [tilespmem:s0+$0x7030];
	v18 =	vadd.bf16 v19, v18  }
0x269: {  	v60 =	vld [tilespmem:s0+$0x7040]  }
0x26a: {  	v62 =	vld [tilespmem:s0+$0xB040];
	v61 =	vunpack.i.u.bf16.f32 v18;
	v18 =	vunpack.i.l.bf16.f32 v18  }
0x26b: {  	v63 =	vld [tilespmem:s0+$0x7050];
	v18 =	vadd.f32 v18, v61  }
0x26c: {  	v30 =	vld [tilespmem:s0+$0xB050]  }
0x26d: {  	v19 =	vld [tilespmem:s0+$0xB030];
	[tilespmem:s26+$0xCEB0] =	vst v18  }
0x26e: {  	v18 =	vld [tilespmem:s28+$0x6FE0]  }
0x26f: {  	v31 =	vld [tilespmem:s28+$0xAFE0]  }
0x270: {  	v32 =	vld [tilespmem:s28+$0x6FF0]  }
0x271: {  	v17 =	vmul.bf16 v58, v17;
	v34 =	vmul.bf16 v62, v60;
	v33 =	vld [tilespmem:s28+$0xAFF0]  }
0x272: {  	v35 =	vmul.bf16 v30, v63;
	v19 =	vmul.bf16 v19, v59;
	v36 =	vld [tilespmem:s28+$0x7000]  }
0x273: {  	v37 =	vld [tilespmem:s28+$0xB000]  }
0x274: {  	v38 =	vld [tilespmem:s28+$0x7010];
	v17 =	vadd.bf16 v19, v17;
	v19 =	vadd.bf16 v35, v34  }
0x275: {  	v39 =	vld [tilespmem:s28+$0xB010]  }
0x276: {  	v17 =	vadd.bf16 v19, v17;
	_ =	sdelay $0x1  }
0x277: {  	v19 =	vunpack.i.u.bf16.f32 v17;
	v17 =	vunpack.i.l.bf16.f32 v17  }
0x278: {  	v18 =	vmul.bf16 v31, v18;
	v40 =	vmul.bf16 v37, v36;
	v17 =	vadd.f32 v17, v19  }
0x279: {  	v21 =	vmul.bf16 v39, v38;
	v19 =	vmul.bf16 v33, v32  }
0x27a: {  	[tilespmem:s29+$0xCEE0] =	vst v17  }
0x27b: {  	v18 =	vadd.bf16 v19, v18;
	v19 =	vadd.bf16 v21, v40;
	v17 =	vld [tilespmem:s0+$0x7060]  }
0x27c: {  	v41 =	vld [tilespmem:s0+$0xB060]  }
0x27d: {  	v42 =	vld [tilespmem:s0+$0x7070];
	v18 =	vadd.bf16 v19, v18  }
0x27e: {  	v43 =	vld [tilespmem:s0+$0x7080]  }
0x27f: {  	v45 =	vld [tilespmem:s0+$0xB080];
	v44 =	vunpack.i.u.bf16.f32 v18;
	v18 =	vunpack.i.l.bf16.f32 v18  }
0x280: {  	v46 =	vld [tilespmem:s0+$0x7090];
	v18 =	vadd.f32 v18, v44  }
0x281: {  	v47 =	vld [tilespmem:s0+$0xB090]  }
0x282: {  	v19 =	vld [tilespmem:s0+$0xB070];
	[tilespmem:s26+$0xCEC8] =	vst v18  }
0x283: {  	v18 =	vld [tilespmem:s28+$0x7020]  }
0x284: {  	v48 =	vld [tilespmem:s28+$0xB020]  }
0x285: {  	v49 =	vld [tilespmem:s28+$0x7030]  }
0x286: {  	v17 =	vmul.bf16 v41, v17;
	v51 =	vmul.bf16 v45, v43;
	v50 =	vld [tilespmem:s28+$0xB030]  }
0x287: {  	v52 =	vmul.bf16 v47, v46;
	v19 =	vmul.bf16 v19, v42;
	v53 =	vld [tilespmem:s28+$0x7040]  }
0x288: {  	v54 =	vld [tilespmem:s28+$0xB040]  }
0x289: {  	v55 =	vld [tilespmem:s28+$0x7050];
	v17 =	vadd.bf16 v19, v17;
	v19 =	vadd.bf16 v52, v51  }
0x28a: {  	v56 =	vld [tilespmem:s28+$0xB050]  }
0x28b: {  	v17 =	vadd.bf16 v19, v17;
	_ =	sdelay $0x1  }
0x28c: {  	v19 =	vunpack.i.u.bf16.f32 v17;
	v17 =	vunpack.i.l.bf16.f32 v17  }
0x28d: {  	v18 =	vmul.bf16 v48, v18;
	v57 =	vmul.bf16 v54, v53;
	v17 =	vadd.f32 v17, v19  }
0x28e: {  	v21 =	vmul.bf16 v56, v55;
	v19 =	vmul.bf16 v50, v49  }
0x28f: {  	[tilespmem:s29+$0xCEF8] =	vst v17  }
0x290: {  	v18 =	vadd.bf16 v19, v18;
	v19 =	vadd.bf16 v21, v57;
	v17 =	vld [tilespmem:s0+$0x70A0]  }
0x291: {  	v58 =	vld [tilespmem:s0+$0xB0A0]  }
0x292: {  	v59 =	vld [tilespmem:s0+$0x70B0];
	v18 =	vadd.bf16 v19, v18  }
0x293: {  	v60 =	vld [tilespmem:s0+$0x70C0]  }
0x294: {  	v62 =	vld [tilespmem:s0+$0xB0C0];
	v61 =	vunpack.i.u.bf16.f32 v18;
	v18 =	vunpack.i.l.bf16.f32 v18  }
0x295: {  	v63 =	vld [tilespmem:s0+$0x70D0];
	v18 =	vadd.f32 v18, v61  }
0x296: {  	v30 =	vld [tilespmem:s0+$0xB0D0]  }
0x297: {  	v19 =	vld [tilespmem:s0+$0xB0B0];
	[tilespmem:s26+$0xCEE0] =	vst v18  }
0x298: {  	v18 =	vld [tilespmem:s28+$0x7060]  }
0x299: {  	v31 =	vld [tilespmem:s28+$0xB060]  }
0x29a: {  	v32 =	vld [tilespmem:s28+$0x7070]  }
0x29b: {  	v17 =	vmul.bf16 v58, v17;
	v34 =	vmul.bf16 v62, v60;
	v33 =	vld [tilespmem:s28+$0xB070]  }
0x29c: {  	v35 =	vmul.bf16 v30, v63;
	v19 =	vmul.bf16 v19, v59;
	v36 =	vld [tilespmem:s28+$0x7080]  }
0x29d: {  	v37 =	vld [tilespmem:s28+$0xB080]  }
0x29e: {  	v38 =	vld [tilespmem:s28+$0x7090];
	v17 =	vadd.bf16 v19, v17;
	v19 =	vadd.bf16 v35, v34  }
0x29f: {  	v39 =	vld [tilespmem:s28+$0xB090]  }
0x2a0: {  	v17 =	vadd.bf16 v19, v17;
	_ =	sdelay $0x1  }
0x2a1: {  	v19 =	vunpack.i.u.bf16.f32 v17;
	v17 =	vunpack.i.l.bf16.f32 v17  }
0x2a2: {  	v18 =	vmul.bf16 v31, v18;
	v40 =	vmul.bf16 v37, v36;
	v17 =	vadd.f32 v17, v19  }
0x2a3: {  	v21 =	vmul.bf16 v39, v38;
	v19 =	vmul.bf16 v33, v32  }
0x2a4: {  	[tilespmem:s29+$0xCF10] =	vst v17  }
0x2a5: {  	v18 =	vadd.bf16 v19, v18;
	v19 =	vadd.bf16 v21, v40;
	v17 =	vld [tilespmem:s0+$0x70E0]  }
0x2a6: {  	v41 =	vld [tilespmem:s0+$0xB0E0]  }
0x2a7: {  	v42 =	vld [tilespmem:s0+$0x70F0];
	v18 =	vadd.bf16 v19, v18  }
0x2a8: {  	v43 =	vld [tilespmem:s0+$0x7100]  }
0x2a9: {  	v45 =	vld [tilespmem:s0+$0xB100];
	v44 =	vunpack.i.u.bf16.f32 v18;
	v18 =	vunpack.i.l.bf16.f32 v18  }
0x2aa: {  	v46 =	vld [tilespmem:s0+$0x7110];
	v18 =	vadd.f32 v18, v44  }
0x2ab: {  	v47 =	vld [tilespmem:s0+$0xB110]  }
0x2ac: {  	v19 =	vld [tilespmem:s0+$0xB0F0];
	[tilespmem:s26+$0xCEF8] =	vst v18  }
0x2ad: {  	v18 =	vld [tilespmem:s28+$0x70A0]  }
0x2ae: {  	v48 =	vld [tilespmem:s28+$0xB0A0]  }
0x2af: {  	v49 =	vld [tilespmem:s28+$0x70B0]  }
0x2b0: {  	v17 =	vmul.bf16 v41, v17;
	v51 =	vmul.bf16 v45, v43;
	v50 =	vld [tilespmem:s28+$0xB0B0]  }
0x2b1: {  	v52 =	vmul.bf16 v47, v46;
	v19 =	vmul.bf16 v19, v42;
	v53 =	vld [tilespmem:s28+$0x70C0]  }
0x2b2: {  	v54 =	vld [tilespmem:s28+$0xB0C0]  }
0x2b3: {  	v55 =	vld [tilespmem:s28+$0x70D0];
	v17 =	vadd.bf16 v19, v17;
	v19 =	vadd.bf16 v52, v51  }
0x2b4: {  	v56 =	vld [tilespmem:s28+$0xB0D0]  }
0x2b5: {  	v17 =	vadd.bf16 v19, v17;
	_ =	sdelay $0x1  }
0x2b6: {  	v19 =	vunpack.i.u.bf16.f32 v17;
	v17 =	vunpack.i.l.bf16.f32 v17  }
0x2b7: {  	v18 =	vmul.bf16 v48, v18;
	v57 =	vmul.bf16 v54, v53;
	v17 =	vadd.f32 v17, v19  }
0x2b8: {  	v21 =	vmul.bf16 v56, v55;
	v19 =	vmul.bf16 v50, v49  }
0x2b9: {  	[tilespmem:s29+$0xCF28] =	vst v17  }
0x2ba: {  	v18 =	vadd.bf16 v19, v18;
	v19 =	vadd.bf16 v21, v57;
	v17 =	vld [tilespmem:s0+$0x7120]  }
0x2bb: {  	v58 =	vld [tilespmem:s0+$0xB120]  }
0x2bc: {  	v59 =	vld [tilespmem:s0+$0x7130];
	v18 =	vadd.bf16 v19, v18  }
0x2bd: {  	v60 =	vld [tilespmem:s0+$0x7140]  }
0x2be: {  	v62 =	vld [tilespmem:s0+$0xB140];
	v61 =	vunpack.i.u.bf16.f32 v18;
	v18 =	vunpack.i.l.bf16.f32 v18  }
0x2bf: {  	v63 =	vld [tilespmem:s0+$0x7150];
	v18 =	vadd.f32 v18, v61  }
0x2c0: {  	v30 =	vld [tilespmem:s0+$0xB150]  }
0x2c1: {  	v19 =	vld [tilespmem:s0+$0xB130];
	[tilespmem:s26+$0xCF10] =	vst v18  }
0x2c2: {  	v18 =	vld [tilespmem:s28+$0x70E0]  }
0x2c3: {  	v31 =	vld [tilespmem:s28+$0xB0E0]  }
0x2c4: {  	v32 =	vld [tilespmem:s28+$0x70F0]  }
0x2c5: {  	v17 =	vmul.bf16 v58, v17;
	v34 =	vmul.bf16 v62, v60;
	v33 =	vld [tilespmem:s28+$0xB0F0]  }
0x2c6: {  	v35 =	vmul.bf16 v30, v63;
	v19 =	vmul.bf16 v19, v59;
	v36 =	vld [tilespmem:s28+$0x7100]  }
0x2c7: {  	v37 =	vld [tilespmem:s28+$0xB100]  }
0x2c8: {  	v38 =	vld [tilespmem:s28+$0x7110];
	v17 =	vadd.bf16 v19, v17;
	v19 =	vadd.bf16 v35, v34  }
0x2c9: {  	v39 =	vld [tilespmem:s28+$0xB110]  }
0x2ca: {  	v17 =	vadd.bf16 v19, v17;
	_ =	sdelay $0x1  }
0x2cb: {  	v19 =	vunpack.i.u.bf16.f32 v17;
	v17 =	vunpack.i.l.bf16.f32 v17  }
0x2cc: {  	v18 =	vmul.bf16 v31, v18;
	v40 =	vmul.bf16 v37, v36;
	v17 =	vadd.f32 v17, v19  }
0x2cd: {  	v21 =	vmul.bf16 v39, v38;
	v19 =	vmul.bf16 v33, v32  }
0x2ce: {  	[tilespmem:s29+$0xCF40] =	vst v17  }
0x2cf: {  	v18 =	vadd.bf16 v19, v18;
	v19 =	vadd.bf16 v21, v40;
	v17 =	vld [tilespmem:s0+$0x7160]  }
0x2d0: {  	v41 =	vld [tilespmem:s0+$0xB160]  }
0x2d1: {  	v42 =	vld [tilespmem:s0+$0x7170];
	v18 =	vadd.bf16 v19, v18  }
0x2d2: {  	v43 =	vld [tilespmem:s0+$0x7180]  }
0x2d3: {  	v45 =	vld [tilespmem:s0+$0xB180];
	v44 =	vunpack.i.u.bf16.f32 v18;
	v18 =	vunpack.i.l.bf16.f32 v18  }
0x2d4: {  	v46 =	vld [tilespmem:s0+$0x7190];
	v18 =	vadd.f32 v18, v44  }
0x2d5: {  	v47 =	vld [tilespmem:s0+$0xB190]  }
0x2d6: {  	v19 =	vld [tilespmem:s0+$0xB170];
	[tilespmem:s26+$0xCF28] =	vst v18  }
0x2d7: {  	v18 =	vld [tilespmem:s28+$0x7120]  }
0x2d8: {  	v48 =	vld [tilespmem:s28+$0xB120]  }
0x2d9: {  	v49 =	vld [tilespmem:s28+$0x7130]  }
0x2da: {  	v17 =	vmul.bf16 v41, v17;
	v51 =	vmul.bf16 v45, v43;
	v50 =	vld [tilespmem:s28+$0xB130]  }
0x2db: {  	v52 =	vmul.bf16 v47, v46;
	v19 =	vmul.bf16 v19, v42;
	v53 =	vld [tilespmem:s28+$0x7140]  }
0x2dc: {  	v54 =	vld [tilespmem:s28+$0xB140]  }
0x2dd: {  	v55 =	vld [tilespmem:s28+$0x7150];
	v17 =	vadd.bf16 v19, v17;
	v19 =	vadd.bf16 v52, v51  }
0x2de: {  	v56 =	vld [tilespmem:s28+$0xB150]  }
0x2df: {  	v17 =	vadd.bf16 v19, v17;
	_ =	sdelay $0x1  }
0x2e0: {  	v19 =	vunpack.i.u.bf16.f32 v17;
	v17 =	vunpack.i.l.bf16.f32 v17  }
0x2e1: {  	v18 =	vmul.bf16 v48, v18;
	v57 =	vmul.bf16 v54, v53;
	v17 =	vadd.f32 v17, v19  }
0x2e2: {  	v21 =	vmul.bf16 v56, v55;
	v19 =	vmul.bf16 v50, v49  }
0x2e3: {  	[tilespmem:s29+$0xCF58] =	vst v17  }
0x2e4: {  	v18 =	vadd.bf16 v19, v18;
	v19 =	vadd.bf16 v21, v57;
	v17 =	vld [tilespmem:s0+$0x71A0]  }
0x2e5: {  	v58 =	vld [tilespmem:s0+$0xB1A0]  }
0x2e6: {  	v59 =	vld [tilespmem:s0+$0x71B0];
	v18 =	vadd.bf16 v19, v18  }
0x2e7: {  	v60 =	vld [tilespmem:s0+$0x71C0]  }
0x2e8: {  	v62 =	vld [tilespmem:s0+$0xB1C0];
	v61 =	vunpack.i.u.bf16.f32 v18;
	v18 =	vunpack.i.l.bf16.f32 v18  }
0x2e9: {  	v63 =	vld [tilespmem:s0+$0x71D0];
	v18 =	vadd.f32 v18, v61  }
0x2ea: {  	v30 =	vld [tilespmem:s0+$0xB1D0]  }
0x2eb: {  	v19 =	vld [tilespmem:s0+$0xB1B0];
	[tilespmem:s26+$0xCF40] =	vst v18  }
0x2ec: {  	v18 =	vld [tilespmem:s28+$0x7160]  }
0x2ed: {  	v31 =	vld [tilespmem:s28+$0xB160]  }
0x2ee: {  	v32 =	vld [tilespmem:s28+$0x7170]  }
0x2ef: {  	v17 =	vmul.bf16 v58, v17;
	v34 =	vmul.bf16 v62, v60;
	v33 =	vld [tilespmem:s28+$0xB170]  }
0x2f0: {  	v35 =	vmul.bf16 v30, v63;
	v19 =	vmul.bf16 v19, v59;
	v36 =	vld [tilespmem:s28+$0x7180]  }
0x2f1: {  	v37 =	vld [tilespmem:s28+$0xB180]  }
0x2f2: {  	v38 =	vld [tilespmem:s28+$0x7190];
	v17 =	vadd.bf16 v19, v17;
	v19 =	vadd.bf16 v35, v34  }
0x2f3: {  	v39 =	vld [tilespmem:s28+$0xB190]  }
0x2f4: {  	v17 =	vadd.bf16 v19, v17;
	_ =	sdelay $0x1  }
0x2f5: {  	v19 =	vunpack.i.u.bf16.f32 v17;
	v17 =	vunpack.i.l.bf16.f32 v17  }
0x2f6: {  	v18 =	vmul.bf16 v31, v18;
	v40 =	vmul.bf16 v37, v36;
	v17 =	vadd.f32 v17, v19  }
0x2f7: {  	v21 =	vmul.bf16 v39, v38;
	v19 =	vmul.bf16 v33, v32  }
0x2f8: {  	[tilespmem:s29+$0xCF70] =	vst v17  }
0x2f9: {  	v18 =	vadd.bf16 v19, v18;
	v19 =	vadd.bf16 v21, v40;
	v17 =	vld [tilespmem:s0+$0x71E0]  }
0x2fa: {  	v41 =	vld [tilespmem:s0+$0xB1E0]  }
0x2fb: {  	v42 =	vld [tilespmem:s0+$0x71F0];
	v18 =	vadd.bf16 v19, v18  }
0x2fc: {  	v43 =	vld [tilespmem:s0+$0x7200]  }
0x2fd: {  	v45 =	vld [tilespmem:s0+$0xB200];
	v44 =	vunpack.i.u.bf16.f32 v18;
	v18 =	vunpack.i.l.bf16.f32 v18  }
0x2fe: {  	v46 =	vld [tilespmem:s0+$0x7210];
	v18 =	vadd.f32 v18, v44  }
0x2ff: {  	v47 =	vld [tilespmem:s0+$0xB210]  }
0x300: {  	v19 =	vld [tilespmem:s0+$0xB1F0];
	[tilespmem:s26+$0xCF58] =	vst v18  }
0x301: {  	v18 =	vld [tilespmem:s28+$0x71A0]  }
0x302: {  	v48 =	vld [tilespmem:s28+$0xB1A0]  }
0x303: {  	v49 =	vld [tilespmem:s28+$0x71B0]  }
0x304: {  	v28 =	vld [tilespmem:s28+$0xB1B0]  }
0x305: {  	v29 =	vld [tilespmem:s28+$0x71C0]  }
0x306: {  	v30 =	vld [tilespmem:s28+$0xB1C0]  }
0x307: {  	v31 =	vld [tilespmem:s28+$0x71D0]  }
0x308: {  	v50 =	vld [tilespmem:s28+$0xB1D0]  }
0x309: {  	v17 =	vmul.bf16 v41, v17;
	v19 =	vmul.bf16 v19, v42  }
0x30a: {  	v53 =	vmov s24;
	v51 =	vmul.bf16 v45, v43;
	v52 =	vmul.bf16 v47, v46  }
0x30b: {  	v54 =	vmul.u32 $0x180, v53;
	v17 =	vadd.bf16 v19, v17  }
0x30c: {  	v19 =	vadd.bf16 v52, v51;
	v18 =	vmul.bf16 v48, v18;
	v55 =	vmul.bf16 v28, v49  }
0x30d: {  	v56 =	vmul.bf16 v30, v29;
	v20 =	vmul.bf16 v50, v31  }
0x30e: {  	v17 =	vadd.bf16 v19, v17;
	v19 =	vbroadcast v54, $0x0  }
0x30f: {  	v18 =	vadd.bf16 v55, v18;
	v20 =	vadd.bf16 v20, v56  }
0x310: {  	v57 =	vunpack.i.u.bf16.f32 v17;
	v62 =	vadd.s32 v2, v19  }
0x311: {  	v17 =	vunpack.i.l.bf16.f32 v17;
	v40 =	vadd.s32 v3, v19;
	v18 =	vadd.bf16 v20, v18  }
0x312: {  	v17 =	vadd.f32 v17, v57  }
0x313: {  	v20 =	vunpack.i.u.bf16.f32 v18;
	v18 =	vunpack.i.l.bf16.f32 v18  }
0x314: {  	[tilespmem:s29+$0xCF88] =	vst v17;
	v17 =	vadd.f32 v18, v20  }
0x315: {  	v23 =	vld.idx.msk [tilespmem:v62+s19+$0x0], $0xffff  }
0x316: {  	v25 =	vld.idx.msk [tilespmem:v40+s19+$0x0], $0xffff;
	[tilespmem:s26+$0xCF70] =	vst v17  }
0x317: {  	v17 =	vld [tilespmem:s28+$0x71E0]  }
0x318: {  	v60 =	vld [tilespmem:s28+$0xB1E0]  }
0x319: {  	v61 =	vld [tilespmem:s28+$0x71F0]  }
0x31a: {  	v42 =	vadd.s32 v4, v19;
	v63 =	vld [tilespmem:s28+$0xB1F0]  }
0x31b: {  	v44 =	vadd.s32 v5, v19;
	v41 =	vld [tilespmem:s28+$0x7200]  }
0x31c: {  	v46 =	vadd.s32 v6, v19;
	v43 =	vld [tilespmem:s28+$0xB200]  }
0x31d: {  	v33 =	vadd.s32 v7, v19;
	v45 =	vld [tilespmem:s28+$0x7210]  }
0x31e: {  	v34 =	vadd.s32 v8, v19;
	v32 =	vld [tilespmem:s28+$0xB210]  }
0x31f: {  	v35 =	vadd.s32 v9, v19;
	v27 =	vld.idx.msk [tilespmem:v42+s19+$0x0], $0xffff  }
0x320: {  	v36 =	vadd.s32 v10, v19;
	v29 =	vld.idx.msk [tilespmem:v44+s19+$0x0], $0xffff  }
0x321: {  	v59 =	vadd.s32 v1, v19;
	v51 =	vadd.s32 v12, v19;
	v22 =	vld.idx.msk [tilespmem:v46+s19+$0x0], $0xffff  }
0x322: {  	v53 =	vadd.s32 v13, v19;
	v50 =	vld.idx.msk [tilespmem:v33+s19+$0x0], $0xffff;
	v17 =	vmul.bf16 v60, v17;
	v47 =	vmul.bf16 v63, v61  }
0x323: {  	v48 =	vmov s30;
	v52 =	vld.idx.msk [tilespmem:v34+s19+$0x0], $0xffff;
	v26 =	vmul.bf16 v43, v41;
	v49 =	vmul.bf16 v32, v45  }
0x324: {  	v58 =	vadd.s32 v0, v19;
	v24 =	vmul.u32 $0x180, v48;
	v55 =	vld.idx.msk [tilespmem:v35+s19+$0x0], $0xffff  }
0x325: {  	v37 =	vadd.s32 v11, v19;
	v57 =	vld.idx.msk [tilespmem:v36+s19+$0x0], $0xffff;
	v17 =	vadd.bf16 v47, v17;
	v54 =	vadd.bf16 v49, v26  }
0x326: {  	v56 =	vadd.s32 v14, v19;
	v24 =	vbroadcast v24, $0x0;
	v31 =	vld.idx.msk [tilespmem:v51+s19+$0x0], $0xffff  }
0x327: {  	v19 =	vadd.s32 v15, v19;
	v33 =	vld.idx.msk [tilespmem:v53+s19+$0x0], $0xffff;
	v17 =	vadd.bf16 v54, v17  }
0x328: {  	v20 =	vld.idx.msk [tilespmem:v59+s19+$0x0], $0xffff;
	v59 =	vadd.s32 v0, v24  }
0x329: {  	v18 =	vld.idx.msk [tilespmem:v58+s19+$0x0], $0xffff;
	v61 =	vadd.s32 v1, v24;
	v60 =	vunpack.i.u.bf16.f32 v17;
	v17 =	vunpack.i.l.bf16.f32 v17  }
0x32a: {  	v62 =	vadd.s32 v2, v24;
	v58 =	vld.idx.msk [tilespmem:v37+s19+$0x0], $0xffff;
	v17 =	vadd.f32 v17, v60  }
0x32b: {  	v38 =	vadd.s32 v3, v24;
	v28 =	vld.idx.msk [tilespmem:v56+s19+$0x0], $0xffff  }
0x32c: {  	v39 =	vadd.s32 v5, v24;
	v19 =	vld.idx.msk [tilespmem:v19+s19+$0x0], $0xffff;
	[tilespmem:s26+$0xCF88] =	vst v17  }
0x32d: {  	v40 =	vadd.s32 v6, v24;
	v35 =	vld.idx.msk [tilespmem:v59+s19+$0x0], $0xffff  }
0x32e: {  	v41 =	vadd.s32 v7, v24;
	v37 =	vld.idx.msk [tilespmem:v61+s19+$0x0], $0xffff  }
0x32f: {  	v42 =	vadd.s32 v8, v24;
	v36 =	vld.idx.msk [tilespmem:v62+s19+$0x0], $0xffff  }
0x330: {  	v43 =	vadd.s32 v9, v24;
	v38 =	vld.idx.msk [tilespmem:v38+s19+$0x0], $0xffff  }
0x331: {  	v44 =	vadd.s32 v10, v24;
	v39 =	vld.idx.msk [tilespmem:v39+s19+$0x0], $0xffff  }
0x332: {  	v23 =	vadd.f32 $0.0e+00, v23;
	v25 =	vadd.f32 $0.0e+00, v25;
	v45 =	vadd.s32 v11, v24;
	v40 =	vld.idx.msk [tilespmem:v40+s19+$0x0], $0xffff  }
0x333: {  	v18 =	vadd.f32 $0.0e+00, v18;
	v20 =	vadd.f32 $0.0e+00, v20;
	v17 =	vadd.s32 v4, v24;
	v63 =	vld.idx.msk [tilespmem:v41+s19+$0x0], $0xffff  }
0x334: {  	v48 =	vadd.s32 v13, v24;
	v22 =	vadd.f32 v22, v23;
	v46 =	vadd.f32 v50, v25;
	v47 =	vld.idx.msk [tilespmem:v42+s19+$0x0], $0xffff  }
0x335: {  	v50 =	vadd.s32 v14, v24;
	v18 =	vadd.f32 v27, v18;
	v20 =	vadd.f32 v29, v20;
	v49 =	vld.idx.msk [tilespmem:v43+s19+$0x0], $0xffff  }
0x336: {  	v22 =	vadd.f32 v57, v22;
	v21 =	vadd.f32 v58, v46;
	v41 =	vadd.s32 v12, v24;
	v51 =	vld.idx.msk [tilespmem:v44+s19+$0x0], $0xffff  }
0x337: {  	v18 =	vadd.f32 v52, v18;
	v20 =	vadd.f32 v55, v20;
	v24 =	vadd.s32 v15, v24;
	v52 =	vld.idx.msk [tilespmem:v45+s19+$0x0], $0xffff  }
0x338: {  	v22 =	vadd.f32 v28, v22;
	v19 =	vadd.f32 v19, v21;
	v17 =	vld.idx.msk [tilespmem:v17+s19+$0x0], $0xffff  }
0x339: {  	v18 =	vadd.f32 v31, v18;
	v20 =	vadd.f32 v33, v20;
	v30 =	vld.idx.msk [tilespmem:v48+s19+$0x0], $0xffff  }
0x33a: {  	v32 =	vld.idx.msk [tilespmem:v50+s19+$0x0], $0xffff;
	v55 =	vadd.f32 $0.0e+00, v37;
	v56 =	vadd.f32 $0.0e+00, v36  }
0x33b: {  	v53 =	vld.idx.msk [tilespmem:v41+s19+$0x0], $0xffff;
	v54 =	vadd.f32 $0.0e+00, v35;
	v57 =	vadd.f32 $0.0e+00, v38  }
0x33c: {  	v24 =	vld.idx.msk [tilespmem:v24+s19+$0x0], $0xffff;
	v58 =	vadd.f32 v39, v55;
	v59 =	vadd.f32 v40, v56  }
0x33d: {  	v27 =	vadd.f32 v63, v57;
	v17 =	vadd.f32 v17, v54  }
0x33e: {  	v60 =	vadd.f32 v49, v58;
	v23 =	vadd.f32 v51, v59  }
0x33f: {  	v61 =	vadd.f32 v52, v27;
	v17 =	vadd.f32 v47, v17  }
0x340: {  	v62 =	vadd.f32 v30, v60;
	v23 =	vadd.f32 v32, v23  }
0x341: {  	v24 =	vadd.f32 v24, v61;
	v17 =	vadd.f32 v53, v17  }
0x342: {  	p0 =	slt.u32 s24, $0x6;
	v19 =	vadd.f32 v19, v22;
	v18 =	vadd.f32 v20, v18  }
.Ltmp1:
0x343: {  	v63 =	vadd.f32 v24, v23;
	v17 =	vadd.f32 v62, v17;
	(pc) =	sbr.rel @p0 .LBB2_5-.Ltmp1, $4  }
0x344: {  	s29 =	sshll.u32 s24, $0x4;
	v18 =	vadd.f32 v19, v18  }
0x345: {  	s25 =	sshll.u32 s30, $0x4;
	s0 =	sand.u32 $0x3FFFFFF0, s29;
	v17 =	vadd.f32 v63, v17  }
0x346: {  	s31 =	sadd.s32 $0x2, s24;
	s30 =	sand.u32 $0x3FFFFFF0, s25;
	[tilespmem:v16+s0+$0x0 ss:$0x1] =	vst.idx.msk $0xffff, v18  }
0x347: {  	s24 =	smov.u32 s31;
	[tilespmem:v16+s30+$0x0 ss:$0x1] =	vst.idx.msk $0xffff, v17  }
0x348: {  	s23 =	sadd.s32 $0x1, s23  }
0x349: {  	p0 =	sne.s32 s23, $0x28  }
.Ltmp2:
0x34a: {  	_ = 	snop;
	(pc) =	sbr.rel @p0 .LBB2_2-.Ltmp2, $1  }
0x34b: {  	_ =	sdelay $0x3  }
0x34c: {  	s22 =	sadd.s32 $0x1, s22  }
0x34d: {  	p0 =	sne.s32 s22, s9  }
.Ltmp3:
0x34e: {  	_ = 	snop;
	(pc) =	sbr.rel @p0 .LBB2_1-.Ltmp3, $4  }
0x34f: {  	[hbm4b:s8+s3] =	stream.linear.scatter [tilespmem:s21], [sflag:$0x3], $0x2710, $0x38;
	[tilespmem:$0x19D70] =	vst v63  }
0x350: {  	_ =	swait.ge [sflag:s11], $0x2710  }
0x351: {  	[sflag:s11] =	ssyncset.done $0x0  }
0x352: {  	[sflag:s11] =	ssyncadd.s32 $0xFFFFD8F0  }
0x353: {  	_ =	sfence.sel $0x180000  }
0x354: {  	[bflag:$0x0] =	sbarrier.arrive $0xFFFF  }
0x355: {  	_ =	strace $0x90000047  }
0x356: {  	[bflag:$0x2] =	sbarrier.arrive $0xFFFF  }
0x357: {  	p0 =	sne.s32 s1, $0x0;
	s0 =	rddreg [dreg:$0x5]  }
0x358: {  	s0 =	sadd.s32 @!p0 $0x100000, s0  }
0x359: {  	[sflag:s0] =	ssyncadd.tile.s32 @!p0 $0x1;
	_ =	shalt  }
.Lfunc_end2:
_tile_overlayer_lowered:
.L_overlay_start_2:
0x35a: {  	(tag) =	ssettag $0x2  }
0x35b: {  	s0 =	rddreg [dreg:$0x0];
	s2 =	stileid.u32  }
0x35c: {  	s1 =	rddreg [dreg:$0x1];
	p0 =	sne.s32 s2, $0x0  }
0x35d: {  	s3 =	rddreg [dreg:$0x2];
	[bflag:$0x3] =	sbarrier.arrive $0xFFFF;
	s2 =	simm.s32 @!p0 $0x1C03  }
0x35e: {  	[timem:s3], [sflag:s2] =	dma.local @!p0 [hbm:s0], s1  }
0x35f: {  	s0 =	simm.s32 @!p0 $0x3  }
0x360: {  	_ =	swait.ge @!p0 [sflag:s0], s1  }
0x361: {  	s1 =	ssub.s32 @!p0 $0x0, s1;
	[sflag:s0] =	ssyncset.done @!p0 $0x0  }
0x362: {  	[sflag:s0] =	ssyncadd.s32 @!p0 s1  }
0x363: {  	[bflag:$0x3] =	sbarrier.arrive $0xFFFF  }
0x364: {  	_ =	shalt  }

</sc_bundles>
